<compile_context>
chip_gen: v7x
topology: tpu7x:2x2x1
jax: 0.10.2.dev20260603
libtpu: 0.0.44.dev20260713+nightly
codegen_flags: <defaults>
</compile_context>

<pallas_src>
import functools

import jax
import jax.numpy as jnp
from jax import lax
from jax.experimental import pallas as pl
from jax.experimental.pallas import tpu as pltpu
from jax.experimental.pallas import tpu_sc as plsc

N = 10000
E = 320000
D = 128
NC = 2
NS = 16
NW = NC * NS
CH = 120
EPAD = 322560
ROWS = EPAD // CH
RW = ROWS // NW
G = RW // 6
NP = 10240
RPT = NP // NS


def _sc_agg_body(with_counts, *refs):
    if with_counts:
        (h_hbm, src_hbm, dst_hbm, zeros_hbm, zeros1_hbm, ones1_hbm,
         out_hbm, cnt_hbm,
         r0b, r1b, r2b, sv0, sv1, sv2, sv3, sv4, sv5,
         d0b, d1b, d2b, d3b, d4b, d5b, ones_v,
         acc_sh, cnt_sh,
         g0, g1, g2, e0, e1, e2, e3, e4, e5, f0, f1, f2, f3, f4, f5,
         s0, s1, s2, c0s, c1s, c2s) = refs
    else:
        (h_hbm, src_hbm, dst_hbm, zeros_hbm,
         out_hbm,
         r0b, r1b, r2b, sv0, sv1, sv2, sv3, sv4, sv5,
         d0b, d1b, d2b, d3b, d4b, d5b,
         acc_sh,
         g0, g1, g2, e0, e1, e2, e3, e4, e5, f0, f1, f2, f3, f4, f5,
         s0, s1, s2) = refs
    rows = [r0b, r1b, r2b]
    srcv = [sv0, sv1, sv2, sv3, sv4, sv5]
    dstv = [d0b, d1b, d2b, d3b, d4b, d5b]
    gsem = [g0, g1, g2]
    esem = [e0, e1, e2, e3, e4, e5]
    fsem = [f0, f1, f2, f3, f4, f5]
    ssem = [s0, s1, s2]
    if with_counts:
        csem = [c0s, c1s, c2s]

    c = lax.axis_index("c")
    s = lax.axis_index("s")
    wid = s * NC + c

    t0 = s * RPT
    pltpu.sync_copy(zeros_hbm, acc_sh.at[pl.ds(t0, RPT)])
    if with_counts:
        pltpu.sync_copy(zeros1_hbm, cnt_sh.at[pl.ds(t0, RPT)])
        pltpu.sync_copy(ones1_hbm, ones_v)
    plsc.subcore_barrier()

    base = wid * RW

    def fetch_idx(islot, chunk):
        off = pl.multiple_of((base + chunk) * CH, 8)
        pltpu.async_copy(src_hbm.at[pl.ds(off, CH)], srcv[islot], esem[islot])
        pltpu.async_copy(dst_hbm.at[pl.ds(off, CH)], dstv[islot], fsem[islot])

    def fire_gather(rslot, islot):
        pltpu.make_async_copy(src_hbm.at[pl.ds(0, CH)], srcv[islot],
                              esem[islot]).wait()
        pltpu.async_copy(h_hbm.at[srcv[islot]], rows[rslot], gsem[rslot])

    def wait_scats(rslot):
        pltpu.make_async_copy(rows[rslot], acc_sh.at[pl.ds(0, CH)],
                              ssem[rslot]).wait()
        if with_counts:
            pltpu.make_async_copy(ones_v, cnt_sh.at[pl.ds(0, CH)],
                                  csem[rslot]).wait()

    for k in range(4):
        fetch_idx(k, k)
    fire_gather(0, 0)
    fire_gather(1, 1)

    def grp(g, carry):
        for b in range(6):
            rb = b % 3
            pltpu.make_async_copy(h_hbm.at[pl.ds(0, CH)], rows[rb],
                                  gsem[rb]).wait()
            pltpu.make_async_copy(dst_hbm.at[pl.ds(0, CH)], dstv[b],
                                  fsem[b]).wait()
            pltpu.async_copy(rows[rb], acc_sh.at[dstv[b]], ssem[rb], add=True)
            if with_counts:
                pltpu.async_copy(ones_v, cnt_sh.at[dstv[b]], csem[rb],
                                 add=True)

            rb2 = (rb + 2) % 3
            ib2 = (b + 2) % 6
            if b == 0:
                @pl.when(g > 0)
                def _():
                    wait_scats(rb2)
                fire_gather(rb2, ib2)
            elif b in (1, 2, 3):
                wait_scats(rb2)
                fire_gather(rb2, ib2)
            else:
                wait_scats(rb2)

                @pl.when(g < G - 1)
                def _():
                    fire_gather(rb2, ib2)

            ib4 = (b + 4) % 6
            if b in (0, 1):
                fetch_idx(ib4, 6 * g + b + 4)
            else:
                @pl.when(g < G - 1)
                def _():
                    fetch_idx(ib4, 6 * g + b + 4)
        return carry

    lax.fori_loop(0, G, grp, 0)

    wait_scats(2)

    plsc.subcore_barrier()

    pltpu.sync_copy(acc_sh.at[pl.ds(t0, RPT)], out_hbm.at[c, pl.ds(t0, RPT)])
    if with_counts:
        pltpu.sync_copy(cnt_sh.at[pl.ds(t0, RPT)],
                        cnt_hbm.at[pl.ds(c * NP + t0, RPT)])


def _make_sc_agg(with_counts):
    mesh = plsc.VectorSubcoreMesh(core_axis_name="c", subcore_axis_name="s")
    out_type = [jax.ShapeDtypeStruct((NC, NP, D), jnp.float32)]
    if with_counts:
        out_type.append(jax.ShapeDtypeStruct((NC * NP,), jnp.float32))
    scratch = []
    scratch += [pltpu.VMEM((CH, D), jnp.float32)] * 3
    scratch += [pltpu.VMEM((CH,), jnp.int32)] * 6
    scratch += [pltpu.VMEM((CH,), jnp.int32)] * 6
    if with_counts:
        scratch += [pltpu.VMEM((CH,), jnp.float32)]
    scratch += [pltpu.VMEM_SHARED((NP, D), jnp.float32)]
    if with_counts:
        scratch += [pltpu.VMEM_SHARED((NP,), jnp.float32)]
    nsem = (3 + 6 + 6 + 3) + (3 if with_counts else 0)
    scratch += [pltpu.SemaphoreType.DMA] * nsem
    return pl.kernel(
        functools.partial(_sc_agg_body, with_counts),
        out_type=tuple(out_type) if with_counts else out_type[0],
        mesh=mesh,
        scratch_types=scratch,
    )


def _fastkan_block(mean, swa, swb, bwt, bias):
    ta = (mean + 1.0) * 0.5
    tb = (mean - 1.0) * 0.5
    ba = jnp.exp(-(ta * ta))
    bb = jnp.exp(-(tb * tb))
    sil = mean / (1.0 + jnp.exp(-mean))
    h = jnp.dot(ba, swa, preferred_element_type=jnp.float32)
    h += jnp.dot(bb, swb, preferred_element_type=jnp.float32)
    h += jnp.dot(sil, bwt, preferred_element_type=jnp.float32)
    return h + bias


def _layernorm_block(h):
    mu = jnp.mean(h, axis=-1, keepdims=True)
    var = jnp.mean((h - mu) ** 2, axis=-1, keepdims=True)
    return (h - mu) * lax.rsqrt(var + 1e-5)


def _tc_layer1_body(p0, p1, c0, c1, x, swa, swb, bwt, bias, out):
    agg = p0[...] + p1[...] + x[...]
    cnt = c0[...] + c1[...] + 1.0
    mean = agg / cnt
    h = _fastkan_block(mean, swa[...], swb[...], bwt[...], bias[...])
    out[...] = _layernorm_block(h)


def _tc_layer23_body(p0, p1, c0, c1, h1, swa2, swb2, bwt2, b2,
                     swa3, swb3, bwt3, b3, out):
    agg = p0[...] + p1[...] + h1[...]
    cnt = c0[...] + c1[...] + 1.0
    mean = agg / cnt
    h2 = _layernorm_block(
        _fastkan_block(mean, swa2[...], swb2[...], bwt2[...], b2[...]))
    o = _fastkan_block(h2, swa3[...], swb3[...], bwt3[...], b3[...])
    m = jnp.max(o, axis=-1, keepdims=True)
    lse = m + jnp.log(jnp.sum(jnp.exp(o - m), axis=-1, keepdims=True))
    out[...] = o - lse


_R = 2000


def _row_spec():
    return pl.BlockSpec((_R, D), lambda i: (i, 0))


def _cnt_spec():
    return pl.BlockSpec((_R, 1), lambda i: (i, 0))


def _w_spec():
    return pl.BlockSpec((D, D), lambda i: (0, 0))


def _b_spec():
    return pl.BlockSpec((1, D), lambda i: (0, 0))


def _split_w(sw, bw, sb, bb):
    swa = jnp.transpose(sw[:, 0::2])
    swb = jnp.transpose(sw[:, 1::2])
    bwt = jnp.transpose(bw)
    bias = (sb + bb).reshape(1, D)
    return swa, swb, bwt, bias


def kernel(x, edge_index, sw1, sb1, bw1, bb1, sw2, sb2, bw2, bb2,
           sw3, sb3, bw3, bb3):
    pad = EPAD - E
    pad_ar = jnp.arange(pad, dtype=jnp.int32)
    srcp = jnp.concatenate([edge_index[0], pad_ar % N])
    dstp = jnp.concatenate([edge_index[1], N + pad_ar % (NP - N)])
    zeros = jnp.zeros((RPT, D), jnp.float32)
    zeros1 = jnp.zeros((RPT,), jnp.float32)
    ones1 = jnp.ones((CH,), jnp.float32)

    w1 = _split_w(sw1, bw1, sb1, bb1)
    w2 = _split_w(sw2, bw2, sb2, bb2)
    w3 = _split_w(sw3, bw3, sb3, bb3)

    agg1, cnt1d = _make_sc_agg(True)(x, srcp, dstp, zeros, zeros1, ones1)
    c0 = cnt1d[:N].reshape(N, 1)
    c1 = cnt1d[NP:NP + N].reshape(N, 1)

    tc1 = pl.pallas_call(
        _tc_layer1_body,
        grid=(N // _R,),
        in_specs=[_row_spec(), _row_spec(), _cnt_spec(), _cnt_spec(),
                  _row_spec(), _w_spec(), _w_spec(), _w_spec(), _b_spec()],
        out_specs=_row_spec(),
        out_shape=jax.ShapeDtypeStruct((N, D), jnp.float32),
    )
    h1 = tc1(agg1[0], agg1[1], c0, c1, x, *w1)

    agg2 = _make_sc_agg(False)(h1, srcp, dstp, zeros)

    tc23 = pl.pallas_call(
        _tc_layer23_body,
        grid=(N // _R,),
        in_specs=[_row_spec(), _row_spec(), _cnt_spec(), _cnt_spec(),
                  _row_spec(),
                  _w_spec(), _w_spec(), _w_spec(), _b_spec(),
                  _w_spec(), _w_spec(), _w_spec(), _b_spec()],
        out_specs=_row_spec(),
        out_shape=jax.ShapeDtypeStruct((N, D), jnp.float32),
    )
    return tc23(agg2[0], agg2[1], c0, c1, h1, *w2, *w3)

# --- scband reference (transcript-rebuilt; emitter-appended) ---
"""Pipeline reference for scband-kang-54099408060933 (READ-ONLY COPY).

The authoritative reference and input builder live on the scoring server;
editing this copy changes nothing except your own understanding.
"""

import jax, jax.numpy as jnp
import numpy as np

N = 10000
E = 320000
DIN = 128
DH = 128
DOUT = 128
NG = 2
GMIN = -1.0
GMAX = 1.0


def _fastkan(x, sw, sb, bw, bb):
    # FastKAN layer: RBF basis expansion + spline linear + SiLU base linear
    grid = jnp.linspace(GMIN, GMAX, NG)
    denom = (GMAX - GMIN) / (NG - 1)
    basis = jnp.exp(-(((x[:, :, None] - grid[None, None, :]) / denom) ** 2))
    spline = basis.reshape(x.shape[0], -1) @ sw.T + sb
    base = jax.nn.silu(x) @ bw.T + bb
    return spline + base


def _layernorm(x):
    # nn.LayerNorm(elementwise_affine=False, bias=False)
    mu = jnp.mean(x, axis=-1, keepdims=True)
    var = jnp.var(x, axis=-1, keepdims=True)
    return (x - mu) / jnp.sqrt(var + 1e-5)


def setup_inputs(seed: int = 0) -> dict:
    key = jax.random.key(seed)
    ks = jax.random.split(key, 8)
    x = jax.random.normal(ks[0], (N, DIN), dtype=jnp.float32)
    edge_index = jax.random.randint(ks[1], (2, E), 0, N, dtype=jnp.int32)

    def lin(k, o, i):
        return (jax.random.normal(k, (o, i), dtype=jnp.float32) / np.sqrt(i)).astype(jnp.float32)

    inp = {"x": x, "edge_index": edge_index}
    dims = [(DIN, DH), (DH, DH), (DH, DOUT)]
    for li, (di, do) in enumerate(dims, start=1):
        k1, k2 = jax.random.split(ks[1 + li], 2)
        inp[f"sw{li}"] = lin(k1, do, di * NG)
        inp[f"sb{li}"] = jnp.zeros((do,), jnp.float32)
        inp[f"bw{li}"] = lin(k2, do, di)
        inp[f"bb{li}"] = jnp.zeros((do,), jnp.float32)
    return inp


def reference(x, edge_index, sw1, sb1, bw1, bb1, sw2, sb2, bw2, bb2, sw3, sb3, bw3, bb3):
    n = x.shape[0]
    ar = jnp.arange(n, dtype=edge_index.dtype)
    ei = jnp.concatenate([edge_index, jnp.stack([ar, ar])], axis=1)  # add_self_loops
    src, dst = ei[0], ei[1]

    def conv(h, sw, sb, bw, bb):
        # KANGConv: mean aggregation over incoming edges, then FastKAN layer
        agg = jax.ops.segment_sum(h[src], dst, num_segments=n)
        cnt = jax.ops.segment_sum(jnp.ones((src.shape[0],), h.dtype), dst, num_segments=n)
        mean = agg / jnp.clip(cnt, 1.0)[:, None]
        return _fastkan(mean, sw, sb, bw, bb)

    h = conv(x, sw1, sb1, bw1, bb1)
    h = _layernorm(h)
    h = conv(h, sw2, sb2, bw2, bb2)
    h = _layernorm(h)
    out = _fastkan(h, sw3, sb3, bw3, bb3)
    return jax.nn.log_softmax(out, axis=1)

if __name__ == "__main__":
    import jax
    _d = setup_inputs()
    print(jax.jit(kernel)(*tuple(_d.values())))

</pallas_src>

<mosaic_0001>
#map = affine_map<(d0, d1) -> (0, 0)>
#map1 = affine_map<(d0, d1) -> (0)>
#map2 = affine_map<(d0, d1) -> (0, 0, 0)>
module attributes {stable_mosaic.version = 14 : i64} {
  func.func @_sc_agg_body(%arg0: i32, %arg1: i32, %arg2: memref<10000x128xf32, #tpu.memory_space<hbm>>, %arg3: memref<322560xi32, #tpu.memory_space<hbm>>, %arg4: memref<322560xi32, #tpu.memory_space<hbm>>, %arg5: memref<640x128xf32, #tpu.memory_space<hbm>>, %arg6: memref<2x10240x128xf32, #tpu.memory_space<hbm>>, %arg7: memref<120x128xf32, #tpu.memory_space<vmem>>, %arg8: memref<120x128xf32, #tpu.memory_space<vmem>>, %arg9: memref<120x128xf32, #tpu.memory_space<vmem>>, %arg10: memref<120xi32, #tpu.memory_space<vmem>>, %arg11: memref<120xi32, #tpu.memory_space<vmem>>, %arg12: memref<120xi32, #tpu.memory_space<vmem>>, %arg13: memref<120xi32, #tpu.memory_space<vmem>>, %arg14: memref<120xi32, #tpu.memory_space<vmem>>, %arg15: memref<120xi32, #tpu.memory_space<vmem>>, %arg16: memref<120xi32, #tpu.memory_space<vmem>>, %arg17: memref<120xi32, #tpu.memory_space<vmem>>, %arg18: memref<120xi32, #tpu.memory_space<vmem>>, %arg19: memref<120xi32, #tpu.memory_space<vmem>>, %arg20: memref<120xi32, #tpu.memory_space<vmem>>, %arg21: memref<120xi32, #tpu.memory_space<vmem>>, %arg22: memref<10240x128xf32, #tpu.memory_space<vmem_shared>>, %arg23: memref<!tpu.dma_semaphore, #tpu.memory_space<semaphore_mem>>, %arg24: memref<!tpu.dma_semaphore, #tpu.memory_space<semaphore_mem>>, %arg25: memref<!tpu.dma_semaphore, #tpu.memory_space<semaphore_mem>>, %arg26: memref<!tpu.dma_semaphore, #tpu.memory_space<semaphore_mem>>, %arg27: memref<!tpu.dma_semaphore, #tpu.memory_space<semaphore_mem>>, %arg28: memref<!tpu.dma_semaphore, #tpu.memory_space<semaphore_mem>>, %arg29: memref<!tpu.dma_semaphore, #tpu.memory_space<semaphore_mem>>, %arg30: memref<!tpu.dma_semaphore, #tpu.memory_space<semaphore_mem>>, %arg31: memref<!tpu.dma_semaphore, #tpu.memory_space<semaphore_mem>>, %arg32: memref<!tpu.dma_semaphore, #tpu.memory_space<semaphore_mem>>, %arg33: memref<!tpu.dma_semaphore, #tpu.memory_space<semaphore_mem>>, %arg34: memref<!tpu.dma_semaphore, #tpu.memory_space<semaphore_mem>>, %arg35: memref<!tpu.dma_semaphore, #tpu.memory_space<semaphore_mem>>, %arg36: memref<!tpu.dma_semaphore, #tpu.memory_space<semaphore_mem>>, %arg37: memref<!tpu.dma_semaphore, #tpu.memory_space<semaphore_mem>>, %arg38: memref<!tpu.dma_semaphore, #tpu.memory_space<semaphore_mem>>, %arg39: memref<!tpu.dma_semaphore, #tpu.memory_space<semaphore_mem>>, %arg40: memref<!tpu.dma_semaphore, #tpu.memory_space<semaphore_mem>>) attributes {dimension_semantics = [#tpu.dimension_semantics<core_parallel>, #tpu.dimension_semantics<subcore_parallel>], iteration_bounds = array<i64: 2, 16>, scalar_prefetch = 0 : i64, scratch_operands = 34 : i64, tpu.core_type = #tpu.core_type<sc_vector_subcore>, window_params = [{transform_indices = #map}, {transform_indices = #map1}, {transform_indices = #map1}, {transform_indices = #map}, {transform_indices = #map2}]} {
    %mul3A = arith.constant 2 : i32
    %mul3A_0 = arith.muli %arg1, %mul3A : i32
    %add3A = arith.addi %mul3A_0, %arg0 : i32
    %mul3A_1 = arith.constant 640 : i32
    %mul3A_2 = arith.muli %arg1, %mul3A_1 : i32
    "tpu.region"() ({
      %run_scoped3A = tpu.sem_alloc : memref<!tpu.dma_semaphore, #tpu.memory_space<semaphore_mem>>
      %dma_start3A_64 = arith.constant 0 : i32
      %dma_start3A_65 = tpu.memref_slice %arg22[%mul3A_2, %dma_start3A_64] : memref<10240x128xf32, #tpu.memory_space<vmem_shared>> -> memref<640x128xf32, #tpu.memory_space<vmem_shared>>
      tpu.enqueue_dma source(%arg5 : memref<640x128xf32, #tpu.memory_space<hbm>>) target(%dma_start3A_65 : memref<640x128xf32, #tpu.memory_space<vmem_shared>>) target_semaphore(%run_scoped3A : memref<!tpu.dma_semaphore, #tpu.memory_space<semaphore_mem>>)
      %dma_wait3A_66 = arith.constant 0 : i32
      %dma_wait3A_67 = tpu.memref_slice %arg22[%mul3A_2, %dma_wait3A_66] : memref<10240x128xf32, #tpu.memory_space<vmem_shared>> -> memref<640x128xf32, #tpu.memory_space<vmem_shared>>
      tpu.wait_dma2 semaphore(%run_scoped3A : memref<!tpu.dma_semaphore, #tpu.memory_space<semaphore_mem>>) src(%arg5 : memref<640x128xf32, #tpu.memory_space<hbm>>) dst(%dma_wait3A_67 : memref<640x128xf32, #tpu.memory_space<vmem_shared>>)
      tpu.yield
    }) : () -> ()
    %barrier3A = arith.constant 0 : index
    tpu.barrier barrier_id(%barrier3A)
    %mul3A_3 = arith.constant 84 : i32
    %mul3A_4 = arith.muli %add3A, %mul3A_3 : i32
    %add3A_5 = arith.constant 0 : i32
    %add3A_6 = arith.addi %mul3A_4, %add3A_5 : i32
    %mul3A_7 = arith.constant 120 : i32
    %mul3A_8 = arith.muli %add3A_6, %mul3A_7 : i32
    %multiple_of3A = tpu.assume_multiple %mul3A_8, 8 : i32
    %dma_start3A = tpu.memref_slice %arg3[%multiple_of3A] : memref<322560xi32, #tpu.memory_space<hbm>> -> memref<120xi32, #tpu.memory_space<hbm>>
    %dma_start3A_9 = tpu.memref_slice %arg3[%multiple_of3A] : memref<322560xi32, #tpu.memory_space<hbm>> -> memref<120xi32, #tpu.memory_space<hbm>>
    tpu.enqueue_dma source(%dma_start3A_9 : memref<120xi32, #tpu.memory_space<hbm>>) target(%arg10 : memref<120xi32, #tpu.memory_space<vmem>>) target_semaphore(%arg26 : memref<!tpu.dma_semaphore, #tpu.memory_space<semaphore_mem>>)
    %dma_start3A_10 = tpu.memref_slice %arg4[%multiple_of3A] : memref<322560xi32, #tpu.memory_space<hbm>> -> memref<120xi32, #tpu.memory_space<hbm>>
    %dma_start3A_11 = tpu.memref_slice %arg4[%multiple_of3A] : memref<322560xi32, #tpu.memory_space<hbm>> -> memref<120xi32, #tpu.memory_space<hbm>>
    tpu.enqueue_dma source(%dma_start3A_11 : memref<120xi32, #tpu.memory_space<hbm>>) target(%arg16 : memref<120xi32, #tpu.memory_space<vmem>>) target_semaphore(%arg32 : memref<!tpu.dma_semaphore, #tpu.memory_space<semaphore_mem>>)
    %add3A_12 = arith.constant 1 : i32
    %add3A_13 = arith.addi %mul3A_4, %add3A_12 : i32
    %mul3A_14 = arith.constant 120 : i32
    %mul3A_15 = arith.muli %add3A_13, %mul3A_14 : i32
    %multiple_of3A_16 = tpu.assume_multiple %mul3A_15, 8 : i32
    %dma_start3A_17 = tpu.memref_slice %arg3[%multiple_of3A_16] : memref<322560xi32, #tpu.memory_space<hbm>> -> memref<120xi32, #tpu.memory_space<hbm>>
    %dma_start3A_18 = tpu.memref_slice %arg3[%multiple_of3A_16] : memref<322560xi32, #tpu.memory_space<hbm>> -> memref<120xi32, #tpu.memory_space<hbm>>
    tpu.enqueue_dma source(%dma_start3A_18 : memref<120xi32, #tpu.memory_space<hbm>>) target(%arg11 : memref<120xi32, #tpu.memory_space<vmem>>) target_semaphore(%arg27 : memref<!tpu.dma_semaphore, #tpu.memory_space<semaphore_mem>>)
    %dma_start3A_19 = tpu.memref_slice %arg4[%multiple_of3A_16] : memref<322560xi32, #tpu.memory_space<hbm>> -> memref<120xi32, #tpu.memory_space<hbm>>
    %dma_start3A_20 = tpu.memref_slice %arg4[%multiple_of3A_16] : memref<322560xi32, #tpu.memory_space<hbm>> -> memref<120xi32, #tpu.memory_space<hbm>>
    tpu.enqueue_dma source(%dma_start3A_20 : memref<120xi32, #tpu.memory_space<hbm>>) target(%arg17 : memref<120xi32, #tpu.memory_space<vmem>>) target_semaphore(%arg33 : memref<!tpu.dma_semaphore, #tpu.memory_space<semaphore_mem>>)
    %add3A_21 = arith.constant 2 : i32
    %add3A_22 = arith.addi %mul3A_4, %add3A_21 : i32
    %mul3A_23 = arith.constant 120 : i32
    %mul3A_24 = arith.muli %add3A_22, %mul3A_23 : i32
    %multiple_of3A_25 = tpu.assume_multiple %mul3A_24, 8 : i32
    %dma_start3A_26 = tpu.memref_slice %arg3[%multiple_of3A_25] : memref<322560xi32, #tpu.memory_space<hbm>> -> memref<120xi32, #tpu.memory_space<hbm>>
    %dma_start3A_27 = tpu.memref_slice %arg3[%multiple_of3A_25] : memref<322560xi32, #tpu.memory_space<hbm>> -> memref<120xi32, #tpu.memory_space<hbm>>
    tpu.enqueue_dma source(%dma_start3A_27 : memref<120xi32, #tpu.memory_space<hbm>>) target(%arg12 : memref<120xi32, #tpu.memory_space<vmem>>) target_semaphore(%arg28 : memref<!tpu.dma_semaphore, #tpu.memory_space<semaphore_mem>>)
    %dma_start3A_28 = tpu.memref_slice %arg4[%multiple_of3A_25] : memref<322560xi32, #tpu.memory_space<hbm>> -> memref<120xi32, #tpu.memory_space<hbm>>
    %dma_start3A_29 = tpu.memref_slice %arg4[%multiple_of3A_25] : memref<322560xi32, #tpu.memory_space<hbm>> -> memref<120xi32, #tpu.memory_space<hbm>>
    tpu.enqueue_dma source(%dma_start3A_29 : memref<120xi32, #tpu.memory_space<hbm>>) target(%arg18 : memref<120xi32, #tpu.memory_space<vmem>>) target_semaphore(%arg34 : memref<!tpu.dma_semaphore, #tpu.memory_space<semaphore_mem>>)
    %add3A_30 = arith.constant 3 : i32
    %add3A_31 = arith.addi %mul3A_4, %add3A_30 : i32
    %mul3A_32 = arith.constant 120 : i32
    %mul3A_33 = arith.muli %add3A_31, %mul3A_32 : i32
    %multiple_of3A_34 = tpu.assume_multiple %mul3A_33, 8 : i32
    %dma_start3A_35 = tpu.memref_slice %arg3[%multiple_of3A_34] : memref<322560xi32, #tpu.memory_space<hbm>> -> memref<120xi32, #tpu.memory_space<hbm>>
    %dma_start3A_36 = tpu.memref_slice %arg3[%multiple_of3A_34] : memref<322560xi32, #tpu.memory_space<hbm>> -> memref<120xi32, #tpu.memory_space<hbm>>
    tpu.enqueue_dma source(%dma_start3A_36 : memref<120xi32, #tpu.memory_space<hbm>>) target(%arg13 : memref<120xi32, #tpu.memory_space<vmem>>) target_semaphore(%arg29 : memref<!tpu.dma_semaphore, #tpu.memory_space<semaphore_mem>>)
    %dma_start3A_37 = tpu.memref_slice %arg4[%multiple_of3A_34] : memref<322560xi32, #tpu.memory_space<hbm>> -> memref<120xi32, #tpu.memory_space<hbm>>
    %dma_start3A_38 = tpu.memref_slice %arg4[%multiple_of3A_34] : memref<322560xi32, #tpu.memory_space<hbm>> -> memref<120xi32, #tpu.memory_space<hbm>>
    tpu.enqueue_dma source(%dma_start3A_38 : memref<120xi32, #tpu.memory_space<hbm>>) target(%arg19 : memref<120xi32, #tpu.memory_space<vmem>>) target_semaphore(%arg35 : memref<!tpu.dma_semaphore, #tpu.memory_space<semaphore_mem>>)
    %dma_wait3A = arith.constant 0 : i32
    %dma_wait3A_39 = tpu.memref_slice %arg3[%dma_wait3A] : memref<322560xi32, #tpu.memory_space<hbm>> -> memref<120xi32, #tpu.memory_space<hbm>>
    %dma_wait3A_40 = arith.constant 0 : i32
    %dma_wait3A_41 = tpu.memref_slice %arg3[%dma_wait3A_40] : memref<322560xi32, #tpu.memory_space<hbm>> -> memref<120xi32, #tpu.memory_space<hbm>>
    tpu.wait_dma2 semaphore(%arg26 : memref<!tpu.dma_semaphore, #tpu.memory_space<semaphore_mem>>) src(%dma_wait3A_41 : memref<120xi32, #tpu.memory_space<hbm>>) dst(%arg10 : memref<120xi32, #tpu.memory_space<vmem>>)
    %dma_start3A_42 = arith.constant 0 : i32
    %dma_start3A_43 = arith.constant 0 : i32
    %dma_start3A_44 = tpu.memref_slice %arg2[%dma_start3A_42, %dma_start3A_43] : memref<10000x128xf32, #tpu.memory_space<hbm>> -> memref<10000x128xf32, #tpu.memory_space<hbm>>
    tpu.enqueue_indirect_dma source(%dma_start3A_44 : memref<10000x128xf32, #tpu.memory_space<hbm>>) target(%arg7 : memref<120x128xf32, #tpu.memory_space<vmem>>) offsets(%arg10 : memref<120xi32, #tpu.memory_space<vmem>>) semaphore(%arg23 : memref<!tpu.dma_semaphore, #tpu.memory_space<semaphore_mem>>)
    %dma_wait3A_45 = arith.constant 0 : i32
    %dma_wait3A_46 = tpu.memref_slice %arg3[%dma_wait3A_45] : memref<322560xi32, #tpu.memory_space<hbm>> -> memref<120xi32, #tpu.memory_space<hbm>>
    %dma_wait3A_47 = arith.constant 0 : i32
    %dma_wait3A_48 = tpu.memref_slice %arg3[%dma_wait3A_47] : memref<322560xi32, #tpu.memory_space<hbm>> -> memref<120xi32, #tpu.memory_space<hbm>>
    tpu.wait_dma2 semaphore(%arg27 : memref<!tpu.dma_semaphore, #tpu.memory_space<semaphore_mem>>) src(%dma_wait3A_48 : memref<120xi32, #tpu.memory_space<hbm>>) dst(%arg11 : memref<120xi32, #tpu.memory_space<vmem>>)
    %dma_start3A_49 = arith.constant 0 : i32
    %dma_start3A_50 = arith.constant 0 : i32
    %dma_start3A_51 = tpu.memref_slice %arg2[%dma_start3A_49, %dma_start3A_50] : memref<10000x128xf32, #tpu.memory_space<hbm>> -> memref<10000x128xf32, #tpu.memory_space<hbm>>
    tpu.enqueue_indirect_dma source(%dma_start3A_51 : memref<10000x128xf32, #tpu.memory_space<hbm>>) target(%arg8 : memref<120x128xf32, #tpu.memory_space<vmem>>) offsets(%arg11 : memref<120xi32, #tpu.memory_space<vmem>>) semaphore(%arg24 : memref<!tpu.dma_semaphore, #tpu.memory_space<semaphore_mem>>)
    %scan3A = arith.constant 0 : i32
    %scan3A_52 = arith.constant 0 : i32
    %scan3A_53 = arith.constant 14 : i32
    %scan3A_54 = arith.addi %scan3A_52, %scan3A_53 : i32
    %scan3A_55 = arith.constant 1 : i32
    scf.for %scan3A_64 = %scan3A_52 to %scan3A_54 step %scan3A_55  : i32 {
      %dma_wait3A_65 = arith.constant 0 : i32
      %dma_wait3A_66 = arith.constant 0 : i32
      %dma_wait3A_67 = tpu.memref_slice %arg2[%dma_wait3A_65, %dma_wait3A_66] : memref<10000x128xf32, #tpu.memory_space<hbm>> -> memref<120x128xf32, #tpu.memory_space<hbm>>
      %dma_wait3A_68 = arith.constant 0 : i32
      %dma_wait3A_69 = arith.constant 0 : i32
      %dma_wait3A_70 = tpu.memref_slice %arg2[%dma_wait3A_68, %dma_wait3A_69] : memref<10000x128xf32, #tpu.memory_space<hbm>> -> memref<120x128xf32, #tpu.memory_space<hbm>>
      tpu.wait_dma2 semaphore(%arg23 : memref<!tpu.dma_semaphore, #tpu.memory_space<semaphore_mem>>) src(%dma_wait3A_70 : memref<120x128xf32, #tpu.memory_space<hbm>>) dst(%arg7 : memref<120x128xf32, #tpu.memory_space<vmem>>)
      %dma_wait3A_71 = arith.constant 0 : i32
      %dma_wait3A_72 = tpu.memref_slice %arg4[%dma_wait3A_71] : memref<322560xi32, #tpu.memory_space<hbm>> -> memref<120xi32, #tpu.memory_space<hbm>>
      %dma_wait3A_73 = arith.constant 0 : i32
      %dma_wait3A_74 = tpu.memref_slice %arg4[%dma_wait3A_73] : memref<322560xi32, #tpu.memory_space<hbm>> -> memref<120xi32, #tpu.memory_space<hbm>>
      tpu.wait_dma2 semaphore(%arg32 : memref<!tpu.dma_semaphore, #tpu.memory_space<semaphore_mem>>) src(%dma_wait3A_74 : memref<120xi32, #tpu.memory_space<hbm>>) dst(%arg16 : memref<120xi32, #tpu.memory_space<vmem>>)
      %dma_start3A_75 = arith.constant 0 : i32
      %dma_start3A_76 = arith.constant 0 : i32
      %dma_start3A_77 = tpu.memref_slice %arg22[%dma_start3A_75, %dma_start3A_76] : memref<10240x128xf32, #tpu.memory_space<vmem_shared>> -> memref<10240x128xf32, #tpu.memory_space<vmem_shared>>
      tpu.enqueue_indirect_dma source(%arg7 : memref<120x128xf32, #tpu.memory_space<vmem>>) target(%dma_start3A_77 : memref<10240x128xf32, #tpu.memory_space<vmem_shared>>) offsets(%arg16 : memref<120xi32, #tpu.memory_space<vmem>>) semaphore(%arg38 : memref<!tpu.dma_semaphore, #tpu.memory_space<semaphore_mem>>) {add = true}
      %gt3A = arith.constant 0 : i32
      %gt3A_78 = arith.cmpi sgt, %scan3A_64, %gt3A : i32
      %convert_element_type3A = arith.extui %gt3A_78 : i1 to i32
      %cond3A = arith.constant 0 : i32
      %cond3A_79 = arith.cmpi ne, %convert_element_type3A, %cond3A : i32
      scf.if %cond3A_79 {
        %dma_wait3A_260 = arith.constant 0 : i32
        %dma_wait3A_261 = arith.constant 0 : i32
        %dma_wait3A_262 = tpu.memref_slice %arg22[%dma_wait3A_260, %dma_wait3A_261] : memref<10240x128xf32, #tpu.memory_space<vmem_shared>> -> memref<120x128xf32, #tpu.memory_space<vmem_shared>>
        %dma_wait3A_263 = arith.constant 0 : i32
        %dma_wait3A_264 = arith.constant 0 : i32
        %dma_wait3A_265 = tpu.memref_slice %arg22[%dma_wait3A_263, %dma_wait3A_264] : memref<10240x128xf32, #tpu.memory_space<vmem_shared>> -> memref<120x128xf32, #tpu.memory_space<vmem_shared>>
        tpu.wait_dma2 semaphore(%arg40 : memref<!tpu.dma_semaphore, #tpu.memory_space<semaphore_mem>>) src(%arg9 : memref<120x128xf32, #tpu.memory_space<vmem>>) dst(%dma_wait3A_265 : memref<120x128xf32, #tpu.memory_space<vmem_shared>>)
      } else {
      }
      %dma_wait3A_80 = arith.constant 0 : i32
      %dma_wait3A_81 = tpu.memref_slice %arg3[%dma_wait3A_80] : memref<322560xi32, #tpu.memory_space<hbm>> -> memref<120xi32, #tpu.memory_space<hbm>>
      %dma_wait3A_82 = arith.constant 0 : i32
      %dma_wait3A_83 = tpu.memref_slice %arg3[%dma_wait3A_82] : memref<322560xi32, #tpu.memory_space<hbm>> -> memref<120xi32, #tpu.memory_space<hbm>>
      tpu.wait_dma2 semaphore(%arg28 : memref<!tpu.dma_semaphore, #tpu.memory_space<semaphore_mem>>) src(%dma_wait3A_83 : memref<120xi32, #tpu.memory_space<hbm>>) dst(%arg12 : memref<120xi32, #tpu.memory_space<vmem>>)
      %dma_start3A_84 = arith.constant 0 : i32
      %dma_start3A_85 = arith.constant 0 : i32
      %dma_start3A_86 = tpu.memref_slice %arg2[%dma_start3A_84, %dma_start3A_85] : memref<10000x128xf32, #tpu.memory_space<hbm>> -> memref<10000x128xf32, #tpu.memory_space<hbm>>
      tpu.enqueue_indirect_dma source(%dma_start3A_86 : memref<10000x128xf32, #tpu.memory_space<hbm>>) target(%arg9 : memref<120x128xf32, #tpu.memory_space<vmem>>) offsets(%arg12 : memref<120xi32, #tpu.memory_space<vmem>>) semaphore(%arg25 : memref<!tpu.dma_semaphore, #tpu.memory_space<semaphore_mem>>)
      %mul3A_87 = arith.constant 6 : i32
      %mul3A_88 = arith.muli %mul3A_87, %scan3A_64 : i32
      %add3A_89 = arith.constant 0 : i32
      %add3A_90 = arith.addi %mul3A_88, %add3A_89 : i32
      %add3A_91 = arith.constant 4 : i32
      %add3A_92 = arith.addi %add3A_90, %add3A_91 : i32
      %add3A_93 = arith.addi %mul3A_4, %add3A_92 : i32
      %mul3A_94 = arith.constant 120 : i32
      %mul3A_95 = arith.muli %add3A_93, %mul3A_94 : i32
      %multiple_of3A_96 = tpu.assume_multiple %mul3A_95, 8 : i32
      %dma_start3A_97 = tpu.memref_slice %arg3[%multiple_of3A_96] : memref<322560xi32, #tpu.memory_space<hbm>> -> memref<120xi32, #tpu.memory_space<hbm>>
      %dma_start3A_98 = tpu.memref_slice %arg3[%multiple_of3A_96] : memref<322560xi32, #tpu.memory_space<hbm>> -> memref<120xi32, #tpu.memory_space<hbm>>
      tpu.enqueue_dma source(%dma_start3A_98 : memref<120xi32, #tpu.memory_space<hbm>>) target(%arg14 : memref<120xi32, #tpu.memory_space<vmem>>) target_semaphore(%arg30 : memref<!tpu.dma_semaphore, #tpu.memory_space<semaphore_mem>>)
      %dma_start3A_99 = tpu.memref_slice %arg4[%multiple_of3A_96] : memref<322560xi32, #tpu.memory_space<hbm>> -> memref<120xi32, #tpu.memory_space<hbm>>
      %dma_start3A_100 = tpu.memref_slice %arg4[%multiple_of3A_96] : memref<322560xi32, #tpu.memory_space<hbm>> -> memref<120xi32, #tpu.memory_space<hbm>>
      tpu.enqueue_dma source(%dma_start3A_100 : memref<120xi32, #tpu.memory_space<hbm>>) target(%arg20 : memref<120xi32, #tpu.memory_space<vmem>>) target_semaphore(%arg36 : memref<!tpu.dma_semaphore, #tpu.memory_space<semaphore_mem>>)
      %dma_wait3A_101 = arith.constant 0 : i32
      %dma_wait3A_102 = arith.constant 0 : i32
      %dma_wait3A_103 = tpu.memref_slice %arg2[%dma_wait3A_101, %dma_wait3A_102] : memref<10000x128xf32, #tpu.memory_space<hbm>> -> memref<120x128xf32, #tpu.memory_space<hbm>>
      %dma_wait3A_104 = arith.constant 0 : i32
      %dma_wait3A_105 = arith.constant 0 : i32
      %dma_wait3A_106 = tpu.memref_slice %arg2[%dma_wait3A_104, %dma_wait3A_105] : memref<10000x128xf32, #tpu.memory_space<hbm>> -> memref<120x128xf32, #tpu.memory_space<hbm>>
      tpu.wait_dma2 semaphore(%arg24 : memref<!tpu.dma_semaphore, #tpu.memory_space<semaphore_mem>>) src(%dma_wait3A_106 : memref<120x128xf32, #tpu.memory_space<hbm>>) dst(%arg8 : memref<120x128xf32, #tpu.memory_space<vmem>>)
      %dma_wait3A_107 = arith.constant 0 : i32
      %dma_wait3A_108 = tpu.memref_slice %arg4[%dma_wait3A_107] : memref<322560xi32, #tpu.memory_space<hbm>> -> memref<120xi32, #tpu.memory_space<hbm>>
      %dma_wait3A_109 = arith.constant 0 : i32
      %dma_wait3A_110 = tpu.memref_slice %arg4[%dma_wait3A_109] : memref<322560xi32, #tpu.memory_space<hbm>> -> memref<120xi32, #tpu.memory_space<hbm>>
      tpu.wait_dma2 semaphore(%arg33 : memref<!tpu.dma_semaphore, #tpu.memory_space<semaphore_mem>>) src(%dma_wait3A_110 : memref<120xi32, #tpu.memory_space<hbm>>) dst(%arg17 : memref<120xi32, #tpu.memory_space<vmem>>)
      %dma_start3A_111 = arith.constant 0 : i32
      %dma_start3A_112 = arith.constant 0 : i32
      %dma_start3A_113 = tpu.memref_slice %arg22[%dma_start3A_111, %dma_start3A_112] : memref<10240x128xf32, #tpu.memory_space<vmem_shared>> -> memref<10240x128xf32, #tpu.memory_space<vmem_shared>>
      tpu.enqueue_indirect_dma source(%arg8 : memref<120x128xf32, #tpu.memory_space<vmem>>) target(%dma_start3A_113 : memref<10240x128xf32, #tpu.memory_space<vmem_shared>>) offsets(%arg17 : memref<120xi32, #tpu.memory_space<vmem>>) semaphore(%arg39 : memref<!tpu.dma_semaphore, #tpu.memory_space<semaphore_mem>>) {add = true}
      %dma_wait3A_114 = arith.constant 0 : i32
      %dma_wait3A_115 = arith.constant 0 : i32
      %dma_wait3A_116 = tpu.memref_slice %arg22[%dma_wait3A_114, %dma_wait3A_115] : memref<10240x128xf32, #tpu.memory_space<vmem_shared>> -> memref<120x128xf32, #tpu.memory_space<vmem_shared>>
      %dma_wait3A_117 = arith.constant 0 : i32
      %dma_wait3A_118 = arith.constant 0 : i32
      %dma_wait3A_119 = tpu.memref_slice %arg22[%dma_wait3A_117, %dma_wait3A_118] : memref<10240x128xf32, #tpu.memory_space<vmem_shared>> -> memref<120x128xf32, #tpu.memory_space<vmem_shared>>
      tpu.wait_dma2 semaphore(%arg38 : memref<!tpu.dma_semaphore, #tpu.memory_space<semaphore_mem>>) src(%arg7 : memref<120x128xf32, #tpu.memory_space<vmem>>) dst(%dma_wait3A_119 : memref<120x128xf32, #tpu.memory_space<vmem_shared>>)
      %dma_wait3A_120 = arith.constant 0 : i32
      %dma_wait3A_121 = tpu.memref_slice %arg3[%dma_wait3A_120] : memref<322560xi32, #tpu.memory_space<hbm>> -> memref<120xi32, #tpu.memory_space<hbm>>
      %dma_wait3A_122 = arith.constant 0 : i32
      %dma_wait3A_123 = tpu.memref_slice %arg3[%dma_wait3A_122] : memref<322560xi32, #tpu.memory_space<hbm>> -> memref<120xi32, #tpu.memory_space<hbm>>
      tpu.wait_dma2 semaphore(%arg29 : memref<!tpu.dma_semaphore, #tpu.memory_space<semaphore_mem>>) src(%dma_wait3A_123 : memref<120xi32, #tpu.memory_space<hbm>>) dst(%arg13 : memref<120xi32, #tpu.memory_space<vmem>>)
      %dma_start3A_124 = arith.constant 0 : i32
      %dma_start3A_125 = arith.constant 0 : i32
      %dma_start3A_126 = tpu.memref_slice %arg2[%dma_start3A_124, %dma_start3A_125] : memref<10000x128xf32, #tpu.memory_space<hbm>> -> memref<10000x128xf32, #tpu.memory_space<hbm>>
      tpu.enqueue_indirect_dma source(%dma_start3A_126 : memref<10000x128xf32, #tpu.memory_space<hbm>>) target(%arg7 : memref<120x128xf32, #tpu.memory_space<vmem>>) offsets(%arg13 : memref<120xi32, #tpu.memory_space<vmem>>) semaphore(%arg23 : memref<!tpu.dma_semaphore, #tpu.memory_space<semaphore_mem>>)
      %mul3A_127 = arith.constant 6 : i32
      %mul3A_128 = arith.muli %mul3A_127, %scan3A_64 : i32
      %add3A_129 = arith.constant 1 : i32
      %add3A_130 = arith.addi %mul3A_128, %add3A_129 : i32
      %add3A_131 = arith.constant 4 : i32
      %add3A_132 = arith.addi %add3A_130, %add3A_131 : i32
      %add3A_133 = arith.addi %mul3A_4, %add3A_132 : i32
      %mul3A_134 = arith.constant 120 : i32
      %mul3A_135 = arith.muli %add3A_133, %mul3A_134 : i32
      %multiple_of3A_136 = tpu.assume_multiple %mul3A_135, 8 : i32
      %dma_start3A_137 = tpu.memref_slice %arg3[%multiple_of3A_136] : memref<322560xi32, #tpu.memory_space<hbm>> -> memref<120xi32, #tpu.memory_space<hbm>>
      %dma_start3A_138 = tpu.memref_slice %arg3[%multiple_of3A_136] : memref<322560xi32, #tpu.memory_space<hbm>> -> memref<120xi32, #tpu.memory_space<hbm>>
      tpu.enqueue_dma source(%dma_start3A_138 : memref<120xi32, #tpu.memory_space<hbm>>) target(%arg15 : memref<120xi32, #tpu.memory_space<vmem>>) target_semaphore(%arg31 : memref<!tpu.dma_semaphore, #tpu.memory_space<semaphore_mem>>)
      %dma_start3A_139 = tpu.memref_slice %arg4[%multiple_of3A_136] : memref<322560xi32, #tpu.memory_space<hbm>> -> memref<120xi32, #tpu.memory_space<hbm>>
      %dma_start3A_140 = tpu.memref_slice %arg4[%multiple_of3A_136] : memref<322560xi32, #tpu.memory_space<hbm>> -> memref<120xi32, #tpu.memory_space<hbm>>
      tpu.enqueue_dma source(%dma_start3A_140 : memref<120xi32, #tpu.memory_space<hbm>>) target(%arg21 : memref<120xi32, #tpu.memory_space<vmem>>) target_semaphore(%arg37 : memref<!tpu.dma_semaphore, #tpu.memory_space<semaphore_mem>>)
      %dma_wait3A_141 = arith.constant 0 : i32
      %dma_wait3A_142 = arith.constant 0 : i32
      %dma_wait3A_143 = tpu.memref_slice %arg2[%dma_wait3A_141, %dma_wait3A_142] : memref<10000x128xf32, #tpu.memory_space<hbm>> -> memref<120x128xf32, #tpu.memory_space<hbm>>
      %dma_wait3A_144 = arith.constant 0 : i32
      %dma_wait3A_145 = arith.constant 0 : i32
      %dma_wait3A_146 = tpu.memref_slice %arg2[%dma_wait3A_144, %dma_wait3A_145] : memref<10000x128xf32, #tpu.memory_space<hbm>> -> memref<120x128xf32, #tpu.memory_space<hbm>>
      tpu.wait_dma2 semaphore(%arg25 : memref<!tpu.dma_semaphore, #tpu.memory_space<semaphore_mem>>) src(%dma_wait3A_146 : memref<120x128xf32, #tpu.memory_space<hbm>>) dst(%arg9 : memref<120x128xf32, #tpu.memory_space<vmem>>)
      %dma_wait3A_147 = arith.constant 0 : i32
      %dma_wait3A_148 = tpu.memref_slice %arg4[%dma_wait3A_147] : memref<322560xi32, #tpu.memory_space<hbm>> -> memref<120xi32, #tpu.memory_space<hbm>>
      %dma_wait3A_149 = arith.constant 0 : i32
      %dma_wait3A_150 = tpu.memref_slice %arg4[%dma_wait3A_149] : memref<322560xi32, #tpu.memory_space<hbm>> -> memref<120xi32, #tpu.memory_space<hbm>>
      tpu.wait_dma2 semaphore(%arg34 : memref<!tpu.dma_semaphore, #tpu.memory_space<semaphore_mem>>) src(%dma_wait3A_150 : memref<120xi32, #tpu.memory_space<hbm>>) dst(%arg18 : memref<120xi32, #tpu.memory_space<vmem>>)
      %dma_start3A_151 = arith.constant 0 : i32
      %dma_start3A_152 = arith.constant 0 : i32
      %dma_start3A_153 = tpu.memref_slice %arg22[%dma_start3A_151, %dma_start3A_152] : memref<10240x128xf32, #tpu.memory_space<vmem_shared>> -> memref<10240x128xf32, #tpu.memory_space<vmem_shared>>
      tpu.enqueue_indirect_dma source(%arg9 : memref<120x128xf32, #tpu.memory_space<vmem>>) target(%dma_start3A_153 : memref<10240x128xf32, #tpu.memory_space<vmem_shared>>) offsets(%arg18 : memref<120xi32, #tpu.memory_space<vmem>>) semaphore(%arg40 : memref<!tpu.dma_semaphore, #tpu.memory_space<semaphore_mem>>) {add = true}
      %dma_wait3A_154 = arith.constant 0 : i32
      %dma_wait3A_155 = arith.constant 0 : i32
      %dma_wait3A_156 = tpu.memref_slice %arg22[%dma_wait3A_154, %dma_wait3A_155] : memref<10240x128xf32, #tpu.memory_space<vmem_shared>> -> memref<120x128xf32, #tpu.memory_space<vmem_shared>>
      %dma_wait3A_157 = arith.constant 0 : i32
      %dma_wait3A_158 = arith.constant 0 : i32
      %dma_wait3A_159 = tpu.memref_slice %arg22[%dma_wait3A_157, %dma_wait3A_158] : memref<10240x128xf32, #tpu.memory_space<vmem_shared>> -> memref<120x128xf32, #tpu.memory_space<vmem_shared>>
      tpu.wait_dma2 semaphore(%arg39 : memref<!tpu.dma_semaphore, #tpu.memory_space<semaphore_mem>>) src(%arg8 : memref<120x128xf32, #tpu.memory_space<vmem>>) dst(%dma_wait3A_159 : memref<120x128xf32, #tpu.memory_space<vmem_shared>>)
      %dma_wait3A_160 = arith.constant 0 : i32
      %dma_wait3A_161 = tpu.memref_slice %arg3[%dma_wait3A_160] : memref<322560xi32, #tpu.memory_space<hbm>> -> memref<120xi32, #tpu.memory_space<hbm>>
      %dma_wait3A_162 = arith.constant 0 : i32
      %dma_wait3A_163 = tpu.memref_slice %arg3[%dma_wait3A_162] : memref<322560xi32, #tpu.memory_space<hbm>> -> memref<120xi32, #tpu.memory_space<hbm>>
      tpu.wait_dma2 semaphore(%arg30 : memref<!tpu.dma_semaphore, #tpu.memory_space<semaphore_mem>>) src(%dma_wait3A_163 : memref<120xi32, #tpu.memory_space<hbm>>) dst(%arg14 : memref<120xi32, #tpu.memory_space<vmem>>)
      %dma_start3A_164 = arith.constant 0 : i32
      %dma_start3A_165 = arith.constant 0 : i32
      %dma_start3A_166 = tpu.memref_slice %arg2[%dma_start3A_164, %dma_start3A_165] : memref<10000x128xf32, #tpu.memory_space<hbm>> -> memref<10000x128xf32, #tpu.memory_space<hbm>>
      tpu.enqueue_indirect_dma source(%dma_start3A_166 : memref<10000x128xf32, #tpu.memory_space<hbm>>) target(%arg8 : memref<120x128xf32, #tpu.memory_space<vmem>>) offsets(%arg14 : memref<120xi32, #tpu.memory_space<vmem>>) semaphore(%arg24 : memref<!tpu.dma_semaphore, #tpu.memory_space<semaphore_mem>>)
      %lt3A = arith.constant 13 : i32
      %lt3A_167 = arith.cmpi slt, %scan3A_64, %lt3A : i32
      %convert_element_type3A_168 = arith.extui %lt3A_167 : i1 to i32
      %cond3A_169 = arith.constant 0 : i32
      %cond3A_170 = arith.cmpi ne, %convert_element_type3A_168, %cond3A_169 : i32
      scf.if %cond3A_170 {
        %mul3A_260 = arith.constant 6 : i32
        %mul3A_261 = arith.muli %mul3A_260, %scan3A_64 : i32
        %add3A_262 = arith.constant 2 : i32
        %add3A_263 = arith.addi %mul3A_261, %add3A_262 : i32
        %add3A_264 = arith.constant 4 : i32
        %add3A_265 = arith.addi %add3A_263, %add3A_264 : i32
        %add3A_266 = arith.addi %mul3A_4, %add3A_265 : i32
        %mul3A_267 = arith.constant 120 : i32
        %mul3A_268 = arith.muli %add3A_266, %mul3A_267 : i32
        %multiple_of3A_269 = tpu.assume_multiple %mul3A_268, 8 : i32
        %dma_start3A_270 = tpu.memref_slice %arg3[%multiple_of3A_269] : memref<322560xi32, #tpu.memory_space<hbm>> -> memref<120xi32, #tpu.memory_space<hbm>>
        %dma_start3A_271 = tpu.memref_slice %arg3[%multiple_of3A_269] : memref<322560xi32, #tpu.memory_space<hbm>> -> memref<120xi32, #tpu.memory_space<hbm>>
        tpu.enqueue_dma source(%dma_start3A_271 : memref<120xi32, #tpu.memory_space<hbm>>) target(%arg10 : memref<120xi32, #tpu.memory_space<vmem>>) target_semaphore(%arg26 : memref<!tpu.dma_semaphore, #tpu.memory_space<semaphore_mem>>)
        %dma_start3A_272 = tpu.memref_slice %arg4[%multiple_of3A_269] : memref<322560xi32, #tpu.memory_space<hbm>> -> memref<120xi32, #tpu.memory_space<hbm>>
        %dma_start3A_273 = tpu.memref_slice %arg4[%multiple_of3A_269] : memref<322560xi32, #tpu.memory_space<hbm>> -> memref<120xi32, #tpu.memory_space<hbm>>
        tpu.enqueue_dma source(%dma_start3A_273 : memref<120xi32, #tpu.memory_space<hbm>>) target(%arg16 : memref<120xi32, #tpu.memory_space<vmem>>) target_semaphore(%arg32 : memref<!tpu.dma_semaphore, #tpu.memory_space<semaphore_mem>>)
      } else {
      }
      %dma_wait3A_171 = arith.constant 0 : i32
      %dma_wait3A_172 = arith.constant 0 : i32
      %dma_wait3A_173 = tpu.memref_slice %arg2[%dma_wait3A_171, %dma_wait3A_172] : memref<10000x128xf32, #tpu.memory_space<hbm>> -> memref<120x128xf32, #tpu.memory_space<hbm>>
      %dma_wait3A_174 = arith.constant 0 : i32
      %dma_wait3A_175 = arith.constant 0 : i32
      %dma_wait3A_176 = tpu.memref_slice %arg2[%dma_wait3A_174, %dma_wait3A_175] : memref<10000x128xf32, #tpu.memory_space<hbm>> -> memref<120x128xf32, #tpu.memory_space<hbm>>
      tpu.wait_dma2 semaphore(%arg23 : memref<!tpu.dma_semaphore, #tpu.memory_space<semaphore_mem>>) src(%dma_wait3A_176 : memref<120x128xf32, #tpu.memory_space<hbm>>) dst(%arg7 : memref<120x128xf32, #tpu.memory_space<vmem>>)
      %dma_wait3A_177 = arith.constant 0 : i32
      %dma_wait3A_178 = tpu.memref_slice %arg4[%dma_wait3A_177] : memref<322560xi32, #tpu.memory_space<hbm>> -> memref<120xi32, #tpu.memory_space<hbm>>
      %dma_wait3A_179 = arith.constant 0 : i32
      %dma_wait3A_180 = tpu.memref_slice %arg4[%dma_wait3A_179] : memref<322560xi32, #tpu.memory_space<hbm>> -> memref<120xi32, #tpu.memory_space<hbm>>
      tpu.wait_dma2 semaphore(%arg35 : memref<!tpu.dma_semaphore, #tpu.memory_space<semaphore_mem>>) src(%dma_wait3A_180 : memref<120xi32, #tpu.memory_space<hbm>>) dst(%arg19 : memref<120xi32, #tpu.memory_space<vmem>>)
      %dma_start3A_181 = arith.constant 0 : i32
      %dma_start3A_182 = arith.constant 0 : i32
      %dma_start3A_183 = tpu.memref_slice %arg22[%dma_start3A_181, %dma_start3A_182] : memref<10240x128xf32, #tpu.memory_space<vmem_shared>> -> memref<10240x128xf32, #tpu.memory_space<vmem_shared>>
      tpu.enqueue_indirect_dma source(%arg7 : memref<120x128xf32, #tpu.memory_space<vmem>>) target(%dma_start3A_183 : memref<10240x128xf32, #tpu.memory_space<vmem_shared>>) offsets(%arg19 : memref<120xi32, #tpu.memory_space<vmem>>) semaphore(%arg38 : memref<!tpu.dma_semaphore, #tpu.memory_space<semaphore_mem>>) {add = true}
      %dma_wait3A_184 = arith.constant 0 : i32
      %dma_wait3A_185 = arith.constant 0 : i32
      %dma_wait3A_186 = tpu.memref_slice %arg22[%dma_wait3A_184, %dma_wait3A_185] : memref<10240x128xf32, #tpu.memory_space<vmem_shared>> -> memref<120x128xf32, #tpu.memory_space<vmem_shared>>
      %dma_wait3A_187 = arith.constant 0 : i32
      %dma_wait3A_188 = arith.constant 0 : i32
      %dma_wait3A_189 = tpu.memref_slice %arg22[%dma_wait3A_187, %dma_wait3A_188] : memref<10240x128xf32, #tpu.memory_space<vmem_shared>> -> memref<120x128xf32, #tpu.memory_space<vmem_shared>>
      tpu.wait_dma2 semaphore(%arg40 : memref<!tpu.dma_semaphore, #tpu.memory_space<semaphore_mem>>) src(%arg9 : memref<120x128xf32, #tpu.memory_space<vmem>>) dst(%dma_wait3A_189 : memref<120x128xf32, #tpu.memory_space<vmem_shared>>)
      %dma_wait3A_190 = arith.constant 0 : i32
      %dma_wait3A_191 = tpu.memref_slice %arg3[%dma_wait3A_190] : memref<322560xi32, #tpu.memory_space<hbm>> -> memref<120xi32, #tpu.memory_space<hbm>>
      %dma_wait3A_192 = arith.constant 0 : i32
      %dma_wait3A_193 = tpu.memref_slice %arg3[%dma_wait3A_192] : memref<322560xi32, #tpu.memory_space<hbm>> -> memref<120xi32, #tpu.memory_space<hbm>>
      tpu.wait_dma2 semaphore(%arg31 : memref<!tpu.dma_semaphore, #tpu.memory_space<semaphore_mem>>) src(%dma_wait3A_193 : memref<120xi32, #tpu.memory_space<hbm>>) dst(%arg15 : memref<120xi32, #tpu.memory_space<vmem>>)
      %dma_start3A_194 = arith.constant 0 : i32
      %dma_start3A_195 = arith.constant 0 : i32
      %dma_start3A_196 = tpu.memref_slice %arg2[%dma_start3A_194, %dma_start3A_195] : memref<10000x128xf32, #tpu.memory_space<hbm>> -> memref<10000x128xf32, #tpu.memory_space<hbm>>
      tpu.enqueue_indirect_dma source(%dma_start3A_196 : memref<10000x128xf32, #tpu.memory_space<hbm>>) target(%arg9 : memref<120x128xf32, #tpu.memory_space<vmem>>) offsets(%arg15 : memref<120xi32, #tpu.memory_space<vmem>>) semaphore(%arg25 : memref<!tpu.dma_semaphore, #tpu.memory_space<semaphore_mem>>)
      %lt3A_197 = arith.constant 13 : i32
      %lt3A_198 = arith.cmpi slt, %scan3A_64, %lt3A_197 : i32
      %convert_element_type3A_199 = arith.extui %lt3A_198 : i1 to i32
      %cond3A_200 = arith.constant 0 : i32
      %cond3A_201 = arith.cmpi ne, %convert_element_type3A_199, %cond3A_200 : i32
      scf.if %cond3A_201 {
        %mul3A_260 = arith.constant 6 : i32
        %mul3A_261 = arith.muli %mul3A_260, %scan3A_64 : i32
        %add3A_262 = arith.constant 3 : i32
        %add3A_263 = arith.addi %mul3A_261, %add3A_262 : i32
        %add3A_264 = arith.constant 4 : i32
        %add3A_265 = arith.addi %add3A_263, %add3A_264 : i32
        %add3A_266 = arith.addi %mul3A_4, %add3A_265 : i32
        %mul3A_267 = arith.constant 120 : i32
        %mul3A_268 = arith.muli %add3A_266, %mul3A_267 : i32
        %multiple_of3A_269 = tpu.assume_multiple %mul3A_268, 8 : i32
        %dma_start3A_270 = tpu.memref_slice %arg3[%multiple_of3A_269] : memref<322560xi32, #tpu.memory_space<hbm>> -> memref<120xi32, #tpu.memory_space<hbm>>
        %dma_start3A_271 = tpu.memref_slice %arg3[%multiple_of3A_269] : memref<322560xi32, #tpu.memory_space<hbm>> -> memref<120xi32, #tpu.memory_space<hbm>>
        tpu.enqueue_dma source(%dma_start3A_271 : memref<120xi32, #tpu.memory_space<hbm>>) target(%arg11 : memref<120xi32, #tpu.memory_space<vmem>>) target_semaphore(%arg27 : memref<!tpu.dma_semaphore, #tpu.memory_space<semaphore_mem>>)
        %dma_start3A_272 = tpu.memref_slice %arg4[%multiple_of3A_269] : memref<322560xi32, #tpu.memory_space<hbm>> -> memref<120xi32, #tpu.memory_space<hbm>>
        %dma_start3A_273 = tpu.memref_slice %arg4[%multiple_of3A_269] : memref<322560xi32, #tpu.memory_space<hbm>> -> memref<120xi32, #tpu.memory_space<hbm>>
        tpu.enqueue_dma source(%dma_start3A_273 : memref<120xi32, #tpu.memory_space<hbm>>) target(%arg17 : memref<120xi32, #tpu.memory_space<vmem>>) target_semaphore(%arg33 : memref<!tpu.dma_semaphore, #tpu.memory_space<semaphore_mem>>)
      } else {
      }
      %dma_wait3A_202 = arith.constant 0 : i32
      %dma_wait3A_203 = arith.constant 0 : i32
      %dma_wait3A_204 = tpu.memref_slice %arg2[%dma_wait3A_202, %dma_wait3A_203] : memref<10000x128xf32, #tpu.memory_space<hbm>> -> memref<120x128xf32, #tpu.memory_space<hbm>>
      %dma_wait3A_205 = arith.constant 0 : i32
      %dma_wait3A_206 = arith.constant 0 : i32
      %dma_wait3A_207 = tpu.memref_slice %arg2[%dma_wait3A_205, %dma_wait3A_206] : memref<10000x128xf32, #tpu.memory_space<hbm>> -> memref<120x128xf32, #tpu.memory_space<hbm>>
      tpu.wait_dma2 semaphore(%arg24 : memref<!tpu.dma_semaphore, #tpu.memory_space<semaphore_mem>>) src(%dma_wait3A_207 : memref<120x128xf32, #tpu.memory_space<hbm>>) dst(%arg8 : memref<120x128xf32, #tpu.memory_space<vmem>>)
      %dma_wait3A_208 = arith.constant 0 : i32
      %dma_wait3A_209 = tpu.memref_slice %arg4[%dma_wait3A_208] : memref<322560xi32, #tpu.memory_space<hbm>> -> memref<120xi32, #tpu.memory_space<hbm>>
      %dma_wait3A_210 = arith.constant 0 : i32
      %dma_wait3A_211 = tpu.memref_slice %arg4[%dma_wait3A_210] : memref<322560xi32, #tpu.memory_space<hbm>> -> memref<120xi32, #tpu.memory_space<hbm>>
      tpu.wait_dma2 semaphore(%arg36 : memref<!tpu.dma_semaphore, #tpu.memory_space<semaphore_mem>>) src(%dma_wait3A_211 : memref<120xi32, #tpu.memory_space<hbm>>) dst(%arg20 : memref<120xi32, #tpu.memory_space<vmem>>)
      %dma_start3A_212 = arith.constant 0 : i32
      %dma_start3A_213 = arith.constant 0 : i32
      %dma_start3A_214 = tpu.memref_slice %arg22[%dma_start3A_212, %dma_start3A_213] : memref<10240x128xf32, #tpu.memory_space<vmem_shared>> -> memref<10240x128xf32, #tpu.memory_space<vmem_shared>>
      tpu.enqueue_indirect_dma source(%arg8 : memref<120x128xf32, #tpu.memory_space<vmem>>) target(%dma_start3A_214 : memref<10240x128xf32, #tpu.memory_space<vmem_shared>>) offsets(%arg20 : memref<120xi32, #tpu.memory_space<vmem>>) semaphore(%arg39 : memref<!tpu.dma_semaphore, #tpu.memory_space<semaphore_mem>>) {add = true}
      %dma_wait3A_215 = arith.constant 0 : i32
      %dma_wait3A_216 = arith.constant 0 : i32
      %dma_wait3A_217 = tpu.memref_slice %arg22[%dma_wait3A_215, %dma_wait3A_216] : memref<10240x128xf32, #tpu.memory_space<vmem_shared>> -> memref<120x128xf32, #tpu.memory_space<vmem_shared>>
      %dma_wait3A_218 = arith.constant 0 : i32
      %dma_wait3A_219 = arith.constant 0 : i32
      %dma_wait3A_220 = tpu.memref_slice %arg22[%dma_wait3A_218, %dma_wait3A_219] : memref<10240x128xf32, #tpu.memory_space<vmem_shared>> -> memref<120x128xf32, #tpu.memory_space<vmem_shared>>
      tpu.wait_dma2 semaphore(%arg38 : memref<!tpu.dma_semaphore, #tpu.memory_space<semaphore_mem>>) src(%arg7 : memref<120x128xf32, #tpu.memory_space<vmem>>) dst(%dma_wait3A_220 : memref<120x128xf32, #tpu.memory_space<vmem_shared>>)
      %lt3A_221 = arith.constant 13 : i32
      %lt3A_222 = arith.cmpi slt, %scan3A_64, %lt3A_221 : i32
      %convert_element_type3A_223 = arith.extui %lt3A_222 : i1 to i32
      %cond3A_224 = arith.constant 0 : i32
      %cond3A_225 = arith.cmpi ne, %convert_element_type3A_223, %cond3A_224 : i32
      scf.if %cond3A_225 {
        %dma_wait3A_260 = arith.constant 0 : i32
        %dma_wait3A_261 = tpu.memref_slice %arg3[%dma_wait3A_260] : memref<322560xi32, #tpu.memory_space<hbm>> -> memref<120xi32, #tpu.memory_space<hbm>>
        %dma_wait3A_262 = arith.constant 0 : i32
        %dma_wait3A_263 = tpu.memref_slice %arg3[%dma_wait3A_262] : memref<322560xi32, #tpu.memory_space<hbm>> -> memref<120xi32, #tpu.memory_space<hbm>>
        tpu.wait_dma2 semaphore(%arg26 : memref<!tpu.dma_semaphore, #tpu.memory_space<semaphore_mem>>) src(%dma_wait3A_263 : memref<120xi32, #tpu.memory_space<hbm>>) dst(%arg10 : memref<120xi32, #tpu.memory_space<vmem>>)
        %dma_start3A_264 = arith.constant 0 : i32
        %dma_start3A_265 = arith.constant 0 : i32
        %dma_start3A_266 = tpu.memref_slice %arg2[%dma_start3A_264, %dma_start3A_265] : memref<10000x128xf32, #tpu.memory_space<hbm>> -> memref<10000x128xf32, #tpu.memory_space<hbm>>
        tpu.enqueue_indirect_dma source(%dma_start3A_266 : memref<10000x128xf32, #tpu.memory_space<hbm>>) target(%arg7 : memref<120x128xf32, #tpu.memory_space<vmem>>) offsets(%arg10 : memref<120xi32, #tpu.memory_space<vmem>>) semaphore(%arg23 : memref<!tpu.dma_semaphore, #tpu.memory_space<semaphore_mem>>)
      } else {
      }
      %lt3A_226 = arith.constant 13 : i32
      %lt3A_227 = arith.cmpi slt, %scan3A_64, %lt3A_226 : i32
      %convert_element_type3A_228 = arith.extui %lt3A_227 : i1 to i32
      %cond3A_229 = arith.constant 0 : i32
      %cond3A_230 = arith.cmpi ne, %convert_element_type3A_228, %cond3A_229 : i32
      scf.if %cond3A_230 {
        %mul3A_260 = arith.constant 6 : i32
        %mul3A_261 = arith.muli %mul3A_260, %scan3A_64 : i32
        %add3A_262 = arith.constant 4 : i32
        %add3A_263 = arith.addi %mul3A_261, %add3A_262 : i32
        %add3A_264 = arith.constant 4 : i32
        %add3A_265 = arith.addi %add3A_263, %add3A_264 : i32
        %add3A_266 = arith.addi %mul3A_4, %add3A_265 : i32
        %mul3A_267 = arith.constant 120 : i32
        %mul3A_268 = arith.muli %add3A_266, %mul3A_267 : i32
        %multiple_of3A_269 = tpu.assume_multiple %mul3A_268, 8 : i32
        %dma_start3A_270 = tpu.memref_slice %arg3[%multiple_of3A_269] : memref<322560xi32, #tpu.memory_space<hbm>> -> memref<120xi32, #tpu.memory_space<hbm>>
        %dma_start3A_271 = tpu.memref_slice %arg3[%multiple_of3A_269] : memref<322560xi32, #tpu.memory_space<hbm>> -> memref<120xi32, #tpu.memory_space<hbm>>
        tpu.enqueue_dma source(%dma_start3A_271 : memref<120xi32, #tpu.memory_space<hbm>>) target(%arg12 : memref<120xi32, #tpu.memory_space<vmem>>) target_semaphore(%arg28 : memref<!tpu.dma_semaphore, #tpu.memory_space<semaphore_mem>>)
        %dma_start3A_272 = tpu.memref_slice %arg4[%multiple_of3A_269] : memref<322560xi32, #tpu.memory_space<hbm>> -> memref<120xi32, #tpu.memory_space<hbm>>
        %dma_start3A_273 = tpu.memref_slice %arg4[%multiple_of3A_269] : memref<322560xi32, #tpu.memory_space<hbm>> -> memref<120xi32, #tpu.memory_space<hbm>>
        tpu.enqueue_dma source(%dma_start3A_273 : memref<120xi32, #tpu.memory_space<hbm>>) target(%arg18 : memref<120xi32, #tpu.memory_space<vmem>>) target_semaphore(%arg34 : memref<!tpu.dma_semaphore, #tpu.memory_space<semaphore_mem>>)
      } else {
      }
      %dma_wait3A_231 = arith.constant 0 : i32
      %dma_wait3A_232 = arith.constant 0 : i32
      %dma_wait3A_233 = tpu.memref_slice %arg2[%dma_wait3A_231, %dma_wait3A_232] : memref<10000x128xf32, #tpu.memory_space<hbm>> -> memref<120x128xf32, #tpu.memory_space<hbm>>
      %dma_wait3A_234 = arith.constant 0 : i32
      %dma_wait3A_235 = arith.constant 0 : i32
      %dma_wait3A_236 = tpu.memref_slice %arg2[%dma_wait3A_234, %dma_wait3A_235] : memref<10000x128xf32, #tpu.memory_space<hbm>> -> memref<120x128xf32, #tpu.memory_space<hbm>>
      tpu.wait_dma2 semaphore(%arg25 : memref<!tpu.dma_semaphore, #tpu.memory_space<semaphore_mem>>) src(%dma_wait3A_236 : memref<120x128xf32, #tpu.memory_space<hbm>>) dst(%arg9 : memref<120x128xf32, #tpu.memory_space<vmem>>)
      %dma_wait3A_237 = arith.constant 0 : i32
      %dma_wait3A_238 = tpu.memref_slice %arg4[%dma_wait3A_237] : memref<322560xi32, #tpu.memory_space<hbm>> -> memref<120xi32, #tpu.memory_space<hbm>>
      %dma_wait3A_239 = arith.constant 0 : i32
      %dma_wait3A_240 = tpu.memref_slice %arg4[%dma_wait3A_239] : memref<322560xi32, #tpu.memory_space<hbm>> -> memref<120xi32, #tpu.memory_space<hbm>>
      tpu.wait_dma2 semaphore(%arg37 : memref<!tpu.dma_semaphore, #tpu.memory_space<semaphore_mem>>) src(%dma_wait3A_240 : memref<120xi32, #tpu.memory_space<hbm>>) dst(%arg21 : memref<120xi32, #tpu.memory_space<vmem>>)
      %dma_start3A_241 = arith.constant 0 : i32
      %dma_start3A_242 = arith.constant 0 : i32
      %dma_start3A_243 = tpu.memref_slice %arg22[%dma_start3A_241, %dma_start3A_242] : memref<10240x128xf32, #tpu.memory_space<vmem_shared>> -> memref<10240x128xf32, #tpu.memory_space<vmem_shared>>
      tpu.enqueue_indirect_dma source(%arg9 : memref<120x128xf32, #tpu.memory_space<vmem>>) target(%dma_start3A_243 : memref<10240x128xf32, #tpu.memory_space<vmem_shared>>) offsets(%arg21 : memref<120xi32, #tpu.memory_space<vmem>>) semaphore(%arg40 : memref<!tpu.dma_semaphore, #tpu.memory_space<semaphore_mem>>) {add = true}
      %dma_wait3A_244 = arith.constant 0 : i32
      %dma_wait3A_245 = arith.constant 0 : i32
      %dma_wait3A_246 = tpu.memref_slice %arg22[%dma_wait3A_244, %dma_wait3A_245] : memref<10240x128xf32, #tpu.memory_space<vmem_shared>> -> memref<120x128xf32, #tpu.memory_space<vmem_shared>>
      %dma_wait3A_247 = arith.constant 0 : i32
      %dma_wait3A_248 = arith.constant 0 : i32
      %dma_wait3A_249 = tpu.memref_slice %arg22[%dma_wait3A_247, %dma_wait3A_248] : memref<10240x128xf32, #tpu.memory_space<vmem_shared>> -> memref<120x128xf32, #tpu.memory_space<vmem_shared>>
      tpu.wait_dma2 semaphore(%arg39 : memref<!tpu.dma_semaphore, #tpu.memory_space<semaphore_mem>>) src(%arg8 : memref<120x128xf32, #tpu.memory_space<vmem>>) dst(%dma_wait3A_249 : memref<120x128xf32, #tpu.memory_space<vmem_shared>>)
      %lt3A_250 = arith.constant 13 : i32
      %lt3A_251 = arith.cmpi slt, %scan3A_64, %lt3A_250 : i32
      %convert_element_type3A_252 = arith.extui %lt3A_251 : i1 to i32
      %cond3A_253 = arith.constant 0 : i32
      %cond3A_254 = arith.cmpi ne, %convert_element_type3A_252, %cond3A_253 : i32
      scf.if %cond3A_254 {
        %dma_wait3A_260 = arith.constant 0 : i32
        %dma_wait3A_261 = tpu.memref_slice %arg3[%dma_wait3A_260] : memref<322560xi32, #tpu.memory_space<hbm>> -> memref<120xi32, #tpu.memory_space<hbm>>
        %dma_wait3A_262 = arith.constant 0 : i32
        %dma_wait3A_263 = tpu.memref_slice %arg3[%dma_wait3A_262] : memref<322560xi32, #tpu.memory_space<hbm>> -> memref<120xi32, #tpu.memory_space<hbm>>
        tpu.wait_dma2 semaphore(%arg27 : memref<!tpu.dma_semaphore, #tpu.memory_space<semaphore_mem>>) src(%dma_wait3A_263 : memref<120xi32, #tpu.memory_space<hbm>>) dst(%arg11 : memref<120xi32, #tpu.memory_space<vmem>>)
        %dma_start3A_264 = arith.constant 0 : i32
        %dma_start3A_265 = arith.constant 0 : i32
        %dma_start3A_266 = tpu.memref_slice %arg2[%dma_start3A_264, %dma_start3A_265] : memref<10000x128xf32, #tpu.memory_space<hbm>> -> memref<10000x128xf32, #tpu.memory_space<hbm>>
        tpu.enqueue_indirect_dma source(%dma_start3A_266 : memref<10000x128xf32, #tpu.memory_space<hbm>>) target(%arg8 : memref<120x128xf32, #tpu.memory_space<vmem>>) offsets(%arg11 : memref<120xi32, #tpu.memory_space<vmem>>) semaphore(%arg24 : memref<!tpu.dma_semaphore, #tpu.memory_space<semaphore_mem>>)
      } else {
      }
      %lt3A_255 = arith.constant 13 : i32
      %lt3A_256 = arith.cmpi slt, %scan3A_64, %lt3A_255 : i32
      %convert_element_type3A_257 = arith.extui %lt3A_256 : i1 to i32
      %cond3A_258 = arith.constant 0 : i32
      %cond3A_259 = arith.cmpi ne, %convert_element_type3A_257, %cond3A_258 : i32
      scf.if %cond3A_259 {
        %mul3A_260 = arith.constant 6 : i32
        %mul3A_261 = arith.muli %mul3A_260, %scan3A_64 : i32
        %add3A_262 = arith.constant 5 : i32
        %add3A_263 = arith.addi %mul3A_261, %add3A_262 : i32
        %add3A_264 = arith.constant 4 : i32
        %add3A_265 = arith.addi %add3A_263, %add3A_264 : i32
        %add3A_266 = arith.addi %mul3A_4, %add3A_265 : i32
        %mul3A_267 = arith.constant 120 : i32
        %mul3A_268 = arith.muli %add3A_266, %mul3A_267 : i32
        %multiple_of3A_269 = tpu.assume_multiple %mul3A_268, 8 : i32
        %dma_start3A_270 = tpu.memref_slice %arg3[%multiple_of3A_269] : memref<322560xi32, #tpu.memory_space<hbm>> -> memref<120xi32, #tpu.memory_space<hbm>>
        %dma_start3A_271 = tpu.memref_slice %arg3[%multiple_of3A_269] : memref<322560xi32, #tpu.memory_space<hbm>> -> memref<120xi32, #tpu.memory_space<hbm>>
        tpu.enqueue_dma source(%dma_start3A_271 : memref<120xi32, #tpu.memory_space<hbm>>) target(%arg13 : memref<120xi32, #tpu.memory_space<vmem>>) target_semaphore(%arg29 : memref<!tpu.dma_semaphore, #tpu.memory_space<semaphore_mem>>)
        %dma_start3A_272 = tpu.memref_slice %arg4[%multiple_of3A_269] : memref<322560xi32, #tpu.memory_space<hbm>> -> memref<120xi32, #tpu.memory_space<hbm>>
        %dma_start3A_273 = tpu.memref_slice %arg4[%multiple_of3A_269] : memref<322560xi32, #tpu.memory_space<hbm>> -> memref<120xi32, #tpu.memory_space<hbm>>
        tpu.enqueue_dma source(%dma_start3A_273 : memref<120xi32, #tpu.memory_space<hbm>>) target(%arg19 : memref<120xi32, #tpu.memory_space<vmem>>) target_semaphore(%arg35 : memref<!tpu.dma_semaphore, #tpu.memory_space<semaphore_mem>>)
      } else {
      }
    }
    %scan3A_56 = arith.constant 14 : i32
    %dma_wait3A_57 = arith.constant 0 : i32
    %dma_wait3A_58 = arith.constant 0 : i32
    %dma_wait3A_59 = tpu.memref_slice %arg22[%dma_wait3A_57, %dma_wait3A_58] : memref<10240x128xf32, #tpu.memory_space<vmem_shared>> -> memref<120x128xf32, #tpu.memory_space<vmem_shared>>
    %dma_wait3A_60 = arith.constant 0 : i32
    %dma_wait3A_61 = arith.constant 0 : i32
    %dma_wait3A_62 = tpu.memref_slice %arg22[%dma_wait3A_60, %dma_wait3A_61] : memref<10240x128xf32, #tpu.memory_space<vmem_shared>> -> memref<120x128xf32, #tpu.memory_space<vmem_shared>>
    tpu.wait_dma2 semaphore(%arg40 : memref<!tpu.dma_semaphore, #tpu.memory_space<semaphore_mem>>) src(%arg9 : memref<120x128xf32, #tpu.memory_space<vmem>>) dst(%dma_wait3A_62 : memref<120x128xf32, #tpu.memory_space<vmem_shared>>)
    %barrier3A_63 = arith.constant 0 : index
    tpu.barrier barrier_id(%barrier3A_63)
    "tpu.region"() ({
      %run_scoped3A = tpu.sem_alloc : memref<!tpu.dma_semaphore, #tpu.memory_space<semaphore_mem>>
      %dma_start3A_64 = arith.constant 0 : i32
      %dma_start3A_65 = tpu.memref_slice %arg6[%arg0, %mul3A_2, %dma_start3A_64] : memref<2x10240x128xf32, #tpu.memory_space<hbm>> -> memref<1x640x128xf32, #tpu.memory_space<hbm>>
      %dma_start3A_66 = tpu.memref_squeeze %dma_start3A_65 : memref<1x640x128xf32, #tpu.memory_space<hbm>> -> memref<640x128xf32, #tpu.memory_space<hbm>>
      %dma_start3A_67 = arith.constant 0 : i32
      %dma_start3A_68 = tpu.memref_slice %arg22[%mul3A_2, %dma_start3A_67] : memref<10240x128xf32, #tpu.memory_space<vmem_shared>> -> memref<640x128xf32, #tpu.memory_space<vmem_shared>>
      tpu.enqueue_dma source(%dma_start3A_68 : memref<640x128xf32, #tpu.memory_space<vmem_shared>>) target(%dma_start3A_66 : memref<640x128xf32, #tpu.memory_space<hbm>>) target_semaphore(%run_scoped3A : memref<!tpu.dma_semaphore, #tpu.memory_space<semaphore_mem>>)
      %dma_wait3A_69 = arith.constant 0 : i32
      %dma_wait3A_70 = tpu.memref_slice %arg6[%arg0, %mul3A_2, %dma_wait3A_69] : memref<2x10240x128xf32, #tpu.memory_space<hbm>> -> memref<1x640x128xf32, #tpu.memory_space<hbm>>
      %dma_wait3A_71 = tpu.memref_squeeze %dma_wait3A_70 : memref<1x640x128xf32, #tpu.memory_space<hbm>> -> memref<640x128xf32, #tpu.memory_space<hbm>>
      %dma_wait3A_72 = arith.constant 0 : i32
      %dma_wait3A_73 = tpu.memref_slice %arg22[%mul3A_2, %dma_wait3A_72] : memref<10240x128xf32, #tpu.memory_space<vmem_shared>> -> memref<640x128xf32, #tpu.memory_space<vmem_shared>>
      tpu.wait_dma2 semaphore(%run_scoped3A : memref<!tpu.dma_semaphore, #tpu.memory_space<semaphore_mem>>) src(%dma_wait3A_73 : memref<640x128xf32, #tpu.memory_space<vmem_shared>>) dst(%dma_wait3A_71 : memref<640x128xf32, #tpu.memory_space<hbm>>)
      tpu.yield
    }) : () -> ()
    return
  }
}

#map = affine_map<(d0, d1) -> (0, 0)>
#map1 = affine_map<(d0, d1) -> (0)>
#map2 = affine_map<(d0, d1) -> (0, 0, 0)>
module attributes {stable_mosaic.version = 14 : i64} {
  func.func @_sc_agg_body(%arg0: i32, %arg1: i32, %arg2: memref<10000x128xf32, #tpu.memory_space<hbm>>, %arg3: memref<322560xi32, #tpu.memory_space<hbm>>, %arg4: memref<322560xi32, #tpu.memory_space<hbm>>, %arg5: memref<640x128xf32, #tpu.memory_space<hbm>>, %arg6: memref<640xf32, #tpu.memory_space<hbm>>, %arg7: memref<120xf32, #tpu.memory_space<hbm>>, %arg8: memref<2x10240x128xf32, #tpu.memory_space<hbm>>, %arg9: memref<20480xf32, #tpu.memory_space<hbm>>, %arg10: memref<120x128xf32, #tpu.memory_space<vmem>>, %arg11: memref<120x128xf32, #tpu.memory_space<vmem>>, %arg12: memref<120x128xf32, #tpu.memory_space<vmem>>, %arg13: memref<120xi32, #tpu.memory_space<vmem>>, %arg14: memref<120xi32, #tpu.memory_space<vmem>>, %arg15: memref<120xi32, #tpu.memory_space<vmem>>, %arg16: memref<120xi32, #tpu.memory_space<vmem>>, %arg17: memref<120xi32, #tpu.memory_space<vmem>>, %arg18: memref<120xi32, #tpu.memory_space<vmem>>, %arg19: memref<120xi32, #tpu.memory_space<vmem>>, %arg20: memref<120xi32, #tpu.memory_space<vmem>>, %arg21: memref<120xi32, #tpu.memory_space<vmem>>, %arg22: memref<120xi32, #tpu.memory_space<vmem>>, %arg23: memref<120xi32, #tpu.memory_space<vmem>>, %arg24: memref<120xi32, #tpu.memory_space<vmem>>, %arg25: memref<120xf32, #tpu.memory_space<vmem>>, %arg26: memref<10240x128xf32, #tpu.memory_space<vmem_shared>>, %arg27: memref<10240xf32, #tpu.memory_space<vmem_shared>>, %arg28: memref<!tpu.dma_semaphore, #tpu.memory_space<semaphore_mem>>, %arg29: memref<!tpu.dma_semaphore, #tpu.memory_space<semaphore_mem>>, %arg30: memref<!tpu.dma_semaphore, #tpu.memory_space<semaphore_mem>>, %arg31: memref<!tpu.dma_semaphore, #tpu.memory_space<semaphore_mem>>, %arg32: memref<!tpu.dma_semaphore, #tpu.memory_space<semaphore_mem>>, %arg33: memref<!tpu.dma_semaphore, #tpu.memory_space<semaphore_mem>>, %arg34: memref<!tpu.dma_semaphore, #tpu.memory_space<semaphore_mem>>, %arg35: memref<!tpu.dma_semaphore, #tpu.memory_space<semaphore_mem>>, %arg36: memref<!tpu.dma_semaphore, #tpu.memory_space<semaphore_mem>>, %arg37: memref<!tpu.dma_semaphore, #tpu.memory_space<semaphore_mem>>, %arg38: memref<!tpu.dma_semaphore, #tpu.memory_space<semaphore_mem>>, %arg39: memref<!tpu.dma_semaphore, #tpu.memory_space<semaphore_mem>>, %arg40: memref<!tpu.dma_semaphore, #tpu.memory_space<semaphore_mem>>, %arg41: memref<!tpu.dma_semaphore, #tpu.memory_space<semaphore_mem>>, %arg42: memref<!tpu.dma_semaphore, #tpu.memory_space<semaphore_mem>>, %arg43: memref<!tpu.dma_semaphore, #tpu.memory_space<semaphore_mem>>, %arg44: memref<!tpu.dma_semaphore, #tpu.memory_space<semaphore_mem>>, %arg45: memref<!tpu.dma_semaphore, #tpu.memory_space<semaphore_mem>>, %arg46: memref<!tpu.dma_semaphore, #tpu.memory_space<semaphore_mem>>, %arg47: memref<!tpu.dma_semaphore, #tpu.memory_space<semaphore_mem>>, %arg48: memref<!tpu.dma_semaphore, #tpu.memory_space<semaphore_mem>>) attributes {dimension_semantics = [#tpu.dimension_semantics<core_parallel>, #tpu.dimension_semantics<subcore_parallel>], iteration_bounds = array<i64: 2, 16>, scalar_prefetch = 0 : i64, scratch_operands = 39 : i64, tpu.core_type = #tpu.core_type<sc_vector_subcore>, window_params = [{transform_indices = #map}, {transform_indices = #map1}, {transform_indices = #map1}, {transform_indices = #map}, {transform_indices = #map1}, {transform_indices = #map1}, {transform_indices = #map2}, {transform_indices = #map1}]} {
    %mul3A = arith.constant 2 : i32
    %mul3A_0 = arith.muli %arg1, %mul3A : i32
    %add3A = arith.addi %mul3A_0, %arg0 : i32
    %mul3A_1 = arith.constant 640 : i32
    %mul3A_2 = arith.muli %arg1, %mul3A_1 : i32
    "tpu.region"() ({
      %run_scoped3A = tpu.sem_alloc : memref<!tpu.dma_semaphore, #tpu.memory_space<semaphore_mem>>
      %dma_start3A_71 = arith.constant 0 : i32
      %dma_start3A_72 = tpu.memref_slice %arg26[%mul3A_2, %dma_start3A_71] : memref<10240x128xf32, #tpu.memory_space<vmem_shared>> -> memref<640x128xf32, #tpu.memory_space<vmem_shared>>
      tpu.enqueue_dma source(%arg5 : memref<640x128xf32, #tpu.memory_space<hbm>>) target(%dma_start3A_72 : memref<640x128xf32, #tpu.memory_space<vmem_shared>>) target_semaphore(%run_scoped3A : memref<!tpu.dma_semaphore, #tpu.memory_space<semaphore_mem>>)
      %dma_wait3A_73 = arith.constant 0 : i32
      %dma_wait3A_74 = tpu.memref_slice %arg26[%mul3A_2, %dma_wait3A_73] : memref<10240x128xf32, #tpu.memory_space<vmem_shared>> -> memref<640x128xf32, #tpu.memory_space<vmem_shared>>
      tpu.wait_dma2 semaphore(%run_scoped3A : memref<!tpu.dma_semaphore, #tpu.memory_space<semaphore_mem>>) src(%arg5 : memref<640x128xf32, #tpu.memory_space<hbm>>) dst(%dma_wait3A_74 : memref<640x128xf32, #tpu.memory_space<vmem_shared>>)
      tpu.yield
    }) : () -> ()
    "tpu.region"() ({
      %run_scoped3A = tpu.sem_alloc : memref<!tpu.dma_semaphore, #tpu.memory_space<semaphore_mem>>
      %dma_start3A_71 = tpu.memref_slice %arg27[%mul3A_2] : memref<10240xf32, #tpu.memory_space<vmem_shared>> -> memref<640xf32, #tpu.memory_space<vmem_shared>>
      tpu.enqueue_dma source(%arg6 : memref<640xf32, #tpu.memory_space<hbm>>) target(%dma_start3A_71 : memref<640xf32, #tpu.memory_space<vmem_shared>>) target_semaphore(%run_scoped3A : memref<!tpu.dma_semaphore, #tpu.memory_space<semaphore_mem>>)
      %dma_wait3A_72 = tpu.memref_slice %arg27[%mul3A_2] : memref<10240xf32, #tpu.memory_space<vmem_shared>> -> memref<640xf32, #tpu.memory_space<vmem_shared>>
      tpu.wait_dma2 semaphore(%run_scoped3A : memref<!tpu.dma_semaphore, #tpu.memory_space<semaphore_mem>>) src(%arg6 : memref<640xf32, #tpu.memory_space<hbm>>) dst(%dma_wait3A_72 : memref<640xf32, #tpu.memory_space<vmem_shared>>)
      tpu.yield
    }) : () -> ()
    "tpu.region"() ({
      %run_scoped3A = tpu.sem_alloc : memref<!tpu.dma_semaphore, #tpu.memory_space<semaphore_mem>>
      tpu.enqueue_dma source(%arg7 : memref<120xf32, #tpu.memory_space<hbm>>) target(%arg25 : memref<120xf32, #tpu.memory_space<vmem>>) target_semaphore(%run_scoped3A : memref<!tpu.dma_semaphore, #tpu.memory_space<semaphore_mem>>)
      tpu.wait_dma2 semaphore(%run_scoped3A : memref<!tpu.dma_semaphore, #tpu.memory_space<semaphore_mem>>) src(%arg7 : memref<120xf32, #tpu.memory_space<hbm>>) dst(%arg25 : memref<120xf32, #tpu.memory_space<vmem>>)
      tpu.yield
    }) : () -> ()
    %barrier3A = arith.constant 0 : index
    tpu.barrier barrier_id(%barrier3A)
    %mul3A_3 = arith.constant 84 : i32
    %mul3A_4 = arith.muli %add3A, %mul3A_3 : i32
    %add3A_5 = arith.constant 0 : i32
    %add3A_6 = arith.addi %mul3A_4, %add3A_5 : i32
    %mul3A_7 = arith.constant 120 : i32
    %mul3A_8 = arith.muli %add3A_6, %mul3A_7 : i32
    %multiple_of3A = tpu.assume_multiple %mul3A_8, 8 : i32
    %dma_start3A = tpu.memref_slice %arg3[%multiple_of3A] : memref<322560xi32, #tpu.memory_space<hbm>> -> memref<120xi32, #tpu.memory_space<hbm>>
    %dma_start3A_9 = tpu.memref_slice %arg3[%multiple_of3A] : memref<322560xi32, #tpu.memory_space<hbm>> -> memref<120xi32, #tpu.memory_space<hbm>>
    tpu.enqueue_dma source(%dma_start3A_9 : memref<120xi32, #tpu.memory_space<hbm>>) target(%arg13 : memref<120xi32, #tpu.memory_space<vmem>>) target_semaphore(%arg31 : memref<!tpu.dma_semaphore, #tpu.memory_space<semaphore_mem>>)
    %dma_start3A_10 = tpu.memref_slice %arg4[%multiple_of3A] : memref<322560xi32, #tpu.memory_space<hbm>> -> memref<120xi32, #tpu.memory_space<hbm>>
    %dma_start3A_11 = tpu.memref_slice %arg4[%multiple_of3A] : memref<322560xi32, #tpu.memory_space<hbm>> -> memref<120xi32, #tpu.memory_space<hbm>>
    tpu.enqueue_dma source(%dma_start3A_11 : memref<120xi32, #tpu.memory_space<hbm>>) target(%arg19 : memref<120xi32, #tpu.memory_space<vmem>>) target_semaphore(%arg37 : memref<!tpu.dma_semaphore, #tpu.memory_space<semaphore_mem>>)
    %add3A_12 = arith.constant 1 : i32
    %add3A_13 = arith.addi %mul3A_4, %add3A_12 : i32
    %mul3A_14 = arith.constant 120 : i32
    %mul3A_15 = arith.muli %add3A_13, %mul3A_14 : i32
    %multiple_of3A_16 = tpu.assume_multiple %mul3A_15, 8 : i32
    %dma_start3A_17 = tpu.memref_slice %arg3[%multiple_of3A_16] : memref<322560xi32, #tpu.memory_space<hbm>> -> memref<120xi32, #tpu.memory_space<hbm>>
    %dma_start3A_18 = tpu.memref_slice %arg3[%multiple_of3A_16] : memref<322560xi32, #tpu.memory_space<hbm>> -> memref<120xi32, #tpu.memory_space<hbm>>
    tpu.enqueue_dma source(%dma_start3A_18 : memref<120xi32, #tpu.memory_space<hbm>>) target(%arg14 : memref<120xi32, #tpu.memory_space<vmem>>) target_semaphore(%arg32 : memref<!tpu.dma_semaphore, #tpu.memory_space<semaphore_mem>>)
    %dma_start3A_19 = tpu.memref_slice %arg4[%multiple_of3A_16] : memref<322560xi32, #tpu.memory_space<hbm>> -> memref<120xi32, #tpu.memory_space<hbm>>
    %dma_start3A_20 = tpu.memref_slice %arg4[%multiple_of3A_16] : memref<322560xi32, #tpu.memory_space<hbm>> -> memref<120xi32, #tpu.memory_space<hbm>>
    tpu.enqueue_dma source(%dma_start3A_20 : memref<120xi32, #tpu.memory_space<hbm>>) target(%arg20 : memref<120xi32, #tpu.memory_space<vmem>>) target_semaphore(%arg38 : memref<!tpu.dma_semaphore, #tpu.memory_space<semaphore_mem>>)
    %add3A_21 = arith.constant 2 : i32
    %add3A_22 = arith.addi %mul3A_4, %add3A_21 : i32
    %mul3A_23 = arith.constant 120 : i32
    %mul3A_24 = arith.muli %add3A_22, %mul3A_23 : i32
    %multiple_of3A_25 = tpu.assume_multiple %mul3A_24, 8 : i32
    %dma_start3A_26 = tpu.memref_slice %arg3[%multiple_of3A_25] : memref<322560xi32, #tpu.memory_space<hbm>> -> memref<120xi32, #tpu.memory_space<hbm>>
    %dma_start3A_27 = tpu.memref_slice %arg3[%multiple_of3A_25] : memref<322560xi32, #tpu.memory_space<hbm>> -> memref<120xi32, #tpu.memory_space<hbm>>
    tpu.enqueue_dma source(%dma_start3A_27 : memref<120xi32, #tpu.memory_space<hbm>>) target(%arg15 : memref<120xi32, #tpu.memory_space<vmem>>) target_semaphore(%arg33 : memref<!tpu.dma_semaphore, #tpu.memory_space<semaphore_mem>>)
    %dma_start3A_28 = tpu.memref_slice %arg4[%multiple_of3A_25] : memref<322560xi32, #tpu.memory_space<hbm>> -> memref<120xi32, #tpu.memory_space<hbm>>
    %dma_start3A_29 = tpu.memref_slice %arg4[%multiple_of3A_25] : memref<322560xi32, #tpu.memory_space<hbm>> -> memref<120xi32, #tpu.memory_space<hbm>>
    tpu.enqueue_dma source(%dma_start3A_29 : memref<120xi32, #tpu.memory_space<hbm>>) target(%arg21 : memref<120xi32, #tpu.memory_space<vmem>>) target_semaphore(%arg39 : memref<!tpu.dma_semaphore, #tpu.memory_space<semaphore_mem>>)
    %add3A_30 = arith.constant 3 : i32
    %add3A_31 = arith.addi %mul3A_4, %add3A_30 : i32
    %mul3A_32 = arith.constant 120 : i32
    %mul3A_33 = arith.muli %add3A_31, %mul3A_32 : i32
    %multiple_of3A_34 = tpu.assume_multiple %mul3A_33, 8 : i32
    %dma_start3A_35 = tpu.memref_slice %arg3[%multiple_of3A_34] : memref<322560xi32, #tpu.memory_space<hbm>> -> memref<120xi32, #tpu.memory_space<hbm>>
    %dma_start3A_36 = tpu.memref_slice %arg3[%multiple_of3A_34] : memref<322560xi32, #tpu.memory_space<hbm>> -> memref<120xi32, #tpu.memory_space<hbm>>
    tpu.enqueue_dma source(%dma_start3A_36 : memref<120xi32, #tpu.memory_space<hbm>>) target(%arg16 : memref<120xi32, #tpu.memory_space<vmem>>) target_semaphore(%arg34 : memref<!tpu.dma_semaphore, #tpu.memory_space<semaphore_mem>>)
    %dma_start3A_37 = tpu.memref_slice %arg4[%multiple_of3A_34] : memref<322560xi32, #tpu.memory_space<hbm>> -> memref<120xi32, #tpu.memory_space<hbm>>
    %dma_start3A_38 = tpu.memref_slice %arg4[%multiple_of3A_34] : memref<322560xi32, #tpu.memory_space<hbm>> -> memref<120xi32, #tpu.memory_space<hbm>>
    tpu.enqueue_dma source(%dma_start3A_38 : memref<120xi32, #tpu.memory_space<hbm>>) target(%arg22 : memref<120xi32, #tpu.memory_space<vmem>>) target_semaphore(%arg40 : memref<!tpu.dma_semaphore, #tpu.memory_space<semaphore_mem>>)
    %dma_wait3A = arith.constant 0 : i32
    %dma_wait3A_39 = tpu.memref_slice %arg3[%dma_wait3A] : memref<322560xi32, #tpu.memory_space<hbm>> -> memref<120xi32, #tpu.memory_space<hbm>>
    %dma_wait3A_40 = arith.constant 0 : i32
    %dma_wait3A_41 = tpu.memref_slice %arg3[%dma_wait3A_40] : memref<322560xi32, #tpu.memory_space<hbm>> -> memref<120xi32, #tpu.memory_space<hbm>>
    tpu.wait_dma2 semaphore(%arg31 : memref<!tpu.dma_semaphore, #tpu.memory_space<semaphore_mem>>) src(%dma_wait3A_41 : memref<120xi32, #tpu.memory_space<hbm>>) dst(%arg13 : memref<120xi32, #tpu.memory_space<vmem>>)
    %dma_start3A_42 = arith.constant 0 : i32
    %dma_start3A_43 = arith.constant 0 : i32
    %dma_start3A_44 = tpu.memref_slice %arg2[%dma_start3A_42, %dma_start3A_43] : memref<10000x128xf32, #tpu.memory_space<hbm>> -> memref<10000x128xf32, #tpu.memory_space<hbm>>
    tpu.enqueue_indirect_dma source(%dma_start3A_44 : memref<10000x128xf32, #tpu.memory_space<hbm>>) target(%arg10 : memref<120x128xf32, #tpu.memory_space<vmem>>) offsets(%arg13 : memref<120xi32, #tpu.memory_space<vmem>>) semaphore(%arg28 : memref<!tpu.dma_semaphore, #tpu.memory_space<semaphore_mem>>)
    %dma_wait3A_45 = arith.constant 0 : i32
    %dma_wait3A_46 = tpu.memref_slice %arg3[%dma_wait3A_45] : memref<322560xi32, #tpu.memory_space<hbm>> -> memref<120xi32, #tpu.memory_space<hbm>>
    %dma_wait3A_47 = arith.constant 0 : i32
    %dma_wait3A_48 = tpu.memref_slice %arg3[%dma_wait3A_47] : memref<322560xi32, #tpu.memory_space<hbm>> -> memref<120xi32, #tpu.memory_space<hbm>>
    tpu.wait_dma2 semaphore(%arg32 : memref<!tpu.dma_semaphore, #tpu.memory_space<semaphore_mem>>) src(%dma_wait3A_48 : memref<120xi32, #tpu.memory_space<hbm>>) dst(%arg14 : memref<120xi32, #tpu.memory_space<vmem>>)
    %dma_start3A_49 = arith.constant 0 : i32
    %dma_start3A_50 = arith.constant 0 : i32
    %dma_start3A_51 = tpu.memref_slice %arg2[%dma_start3A_49, %dma_start3A_50] : memref<10000x128xf32, #tpu.memory_space<hbm>> -> memref<10000x128xf32, #tpu.memory_space<hbm>>
    tpu.enqueue_indirect_dma source(%dma_start3A_51 : memref<10000x128xf32, #tpu.memory_space<hbm>>) target(%arg11 : memref<120x128xf32, #tpu.memory_space<vmem>>) offsets(%arg14 : memref<120xi32, #tpu.memory_space<vmem>>) semaphore(%arg29 : memref<!tpu.dma_semaphore, #tpu.memory_space<semaphore_mem>>)
    %scan3A = arith.constant 0 : i32
    %scan3A_52 = arith.constant 0 : i32
    %scan3A_53 = arith.constant 14 : i32
    %scan3A_54 = arith.addi %scan3A_52, %scan3A_53 : i32
    %scan3A_55 = arith.constant 1 : i32
    scf.for %scan3A_71 = %scan3A_52 to %scan3A_54 step %scan3A_55  : i32 {
      %dma_wait3A_72 = arith.constant 0 : i32
      %dma_wait3A_73 = arith.constant 0 : i32
      %dma_wait3A_74 = tpu.memref_slice %arg2[%dma_wait3A_72, %dma_wait3A_73] : memref<10000x128xf32, #tpu.memory_space<hbm>> -> memref<120x128xf32, #tpu.memory_space<hbm>>
      %dma_wait3A_75 = arith.constant 0 : i32
      %dma_wait3A_76 = arith.constant 0 : i32
      %dma_wait3A_77 = tpu.memref_slice %arg2[%dma_wait3A_75, %dma_wait3A_76] : memref<10000x128xf32, #tpu.memory_space<hbm>> -> memref<120x128xf32, #tpu.memory_space<hbm>>
      tpu.wait_dma2 semaphore(%arg28 : memref<!tpu.dma_semaphore, #tpu.memory_space<semaphore_mem>>) src(%dma_wait3A_77 : memref<120x128xf32, #tpu.memory_space<hbm>>) dst(%arg10 : memref<120x128xf32, #tpu.memory_space<vmem>>)
      %dma_wait3A_78 = arith.constant 0 : i32
      %dma_wait3A_79 = tpu.memref_slice %arg4[%dma_wait3A_78] : memref<322560xi32, #tpu.memory_space<hbm>> -> memref<120xi32, #tpu.memory_space<hbm>>
      %dma_wait3A_80 = arith.constant 0 : i32
      %dma_wait3A_81 = tpu.memref_slice %arg4[%dma_wait3A_80] : memref<322560xi32, #tpu.memory_space<hbm>> -> memref<120xi32, #tpu.memory_space<hbm>>
      tpu.wait_dma2 semaphore(%arg37 : memref<!tpu.dma_semaphore, #tpu.memory_space<semaphore_mem>>) src(%dma_wait3A_81 : memref<120xi32, #tpu.memory_space<hbm>>) dst(%arg19 : memref<120xi32, #tpu.memory_space<vmem>>)
      %dma_start3A_82 = arith.constant 0 : i32
      %dma_start3A_83 = arith.constant 0 : i32
      %dma_start3A_84 = tpu.memref_slice %arg26[%dma_start3A_82, %dma_start3A_83] : memref<10240x128xf32, #tpu.memory_space<vmem_shared>> -> memref<10240x128xf32, #tpu.memory_space<vmem_shared>>
      tpu.enqueue_indirect_dma source(%arg10 : memref<120x128xf32, #tpu.memory_space<vmem>>) target(%dma_start3A_84 : memref<10240x128xf32, #tpu.memory_space<vmem_shared>>) offsets(%arg19 : memref<120xi32, #tpu.memory_space<vmem>>) semaphore(%arg43 : memref<!tpu.dma_semaphore, #tpu.memory_space<semaphore_mem>>) {add = true}
      %dma_start3A_85 = arith.constant 0 : i32
      %dma_start3A_86 = tpu.memref_slice %arg27[%dma_start3A_85] : memref<10240xf32, #tpu.memory_space<vmem_shared>> -> memref<10240xf32, #tpu.memory_space<vmem_shared>>
      tpu.enqueue_indirect_dma source(%arg25 : memref<120xf32, #tpu.memory_space<vmem>>) target(%dma_start3A_86 : memref<10240xf32, #tpu.memory_space<vmem_shared>>) offsets(%arg19 : memref<120xi32, #tpu.memory_space<vmem>>) semaphore(%arg46 : memref<!tpu.dma_semaphore, #tpu.memory_space<semaphore_mem>>) {add = true}
      %gt3A = arith.constant 0 : i32
      %gt3A_87 = arith.cmpi sgt, %scan3A_71, %gt3A : i32
      %convert_element_type3A = arith.extui %gt3A_87 : i1 to i32
      %cond3A = arith.constant 0 : i32
      %cond3A_88 = arith.cmpi ne, %convert_element_type3A, %cond3A : i32
      scf.if %cond3A_88 {
        %dma_wait3A_299 = arith.constant 0 : i32
        %dma_wait3A_300 = arith.constant 0 : i32
        %dma_wait3A_301 = tpu.memref_slice %arg26[%dma_wait3A_299, %dma_wait3A_300] : memref<10240x128xf32, #tpu.memory_space<vmem_shared>> -> memref<120x128xf32, #tpu.memory_space<vmem_shared>>
        %dma_wait3A_302 = arith.constant 0 : i32
        %dma_wait3A_303 = arith.constant 0 : i32
        %dma_wait3A_304 = tpu.memref_slice %arg26[%dma_wait3A_302, %dma_wait3A_303] : memref<10240x128xf32, #tpu.memory_space<vmem_shared>> -> memref<120x128xf32, #tpu.memory_space<vmem_shared>>
        tpu.wait_dma2 semaphore(%arg45 : memref<!tpu.dma_semaphore, #tpu.memory_space<semaphore_mem>>) src(%arg12 : memref<120x128xf32, #tpu.memory_space<vmem>>) dst(%dma_wait3A_304 : memref<120x128xf32, #tpu.memory_space<vmem_shared>>)
        %dma_wait3A_305 = arith.constant 0 : i32
        %dma_wait3A_306 = tpu.memref_slice %arg27[%dma_wait3A_305] : memref<10240xf32, #tpu.memory_space<vmem_shared>> -> memref<120xf32, #tpu.memory_space<vmem_shared>>
        %dma_wait3A_307 = arith.constant 0 : i32
        %dma_wait3A_308 = tpu.memref_slice %arg27[%dma_wait3A_307] : memref<10240xf32, #tpu.memory_space<vmem_shared>> -> memref<120xf32, #tpu.memory_space<vmem_shared>>
        tpu.wait_dma2 semaphore(%arg48 : memref<!tpu.dma_semaphore, #tpu.memory_space<semaphore_mem>>) src(%arg25 : memref<120xf32, #tpu.memory_space<vmem>>) dst(%dma_wait3A_308 : memref<120xf32, #tpu.memory_space<vmem_shared>>)
      } else {
      }
      %dma_wait3A_89 = arith.constant 0 : i32
      %dma_wait3A_90 = tpu.memref_slice %arg3[%dma_wait3A_89] : memref<322560xi32, #tpu.memory_space<hbm>> -> memref<120xi32, #tpu.memory_space<hbm>>
      %dma_wait3A_91 = arith.constant 0 : i32
      %dma_wait3A_92 = tpu.memref_slice %arg3[%dma_wait3A_91] : memref<322560xi32, #tpu.memory_space<hbm>> -> memref<120xi32, #tpu.memory_space<hbm>>
      tpu.wait_dma2 semaphore(%arg33 : memref<!tpu.dma_semaphore, #tpu.memory_space<semaphore_mem>>) src(%dma_wait3A_92 : memref<120xi32, #tpu.memory_space<hbm>>) dst(%arg15 : memref<120xi32, #tpu.memory_space<vmem>>)
      %dma_start3A_93 = arith.constant 0 : i32
      %dma_start3A_94 = arith.constant 0 : i32
      %dma_start3A_95 = tpu.memref_slice %arg2[%dma_start3A_93, %dma_start3A_94] : memref<10000x128xf32, #tpu.memory_space<hbm>> -> memref<10000x128xf32, #tpu.memory_space<hbm>>
      tpu.enqueue_indirect_dma source(%dma_start3A_95 : memref<10000x128xf32, #tpu.memory_space<hbm>>) target(%arg12 : memref<120x128xf32, #tpu.memory_space<vmem>>) offsets(%arg15 : memref<120xi32, #tpu.memory_space<vmem>>) semaphore(%arg30 : memref<!tpu.dma_semaphore, #tpu.memory_space<semaphore_mem>>)
      %mul3A_96 = arith.constant 6 : i32
      %mul3A_97 = arith.muli %mul3A_96, %scan3A_71 : i32
      %add3A_98 = arith.constant 0 : i32
      %add3A_99 = arith.addi %mul3A_97, %add3A_98 : i32
      %add3A_100 = arith.constant 4 : i32
      %add3A_101 = arith.addi %add3A_99, %add3A_100 : i32
      %add3A_102 = arith.addi %mul3A_4, %add3A_101 : i32
      %mul3A_103 = arith.constant 120 : i32
      %mul3A_104 = arith.muli %add3A_102, %mul3A_103 : i32
      %multiple_of3A_105 = tpu.assume_multiple %mul3A_104, 8 : i32
      %dma_start3A_106 = tpu.memref_slice %arg3[%multiple_of3A_105] : memref<322560xi32, #tpu.memory_space<hbm>> -> memref<120xi32, #tpu.memory_space<hbm>>
      %dma_start3A_107 = tpu.memref_slice %arg3[%multiple_of3A_105] : memref<322560xi32, #tpu.memory_space<hbm>> -> memref<120xi32, #tpu.memory_space<hbm>>
      tpu.enqueue_dma source(%dma_start3A_107 : memref<120xi32, #tpu.memory_space<hbm>>) target(%arg17 : memref<120xi32, #tpu.memory_space<vmem>>) target_semaphore(%arg35 : memref<!tpu.dma_semaphore, #tpu.memory_space<semaphore_mem>>)
      %dma_start3A_108 = tpu.memref_slice %arg4[%multiple_of3A_105] : memref<322560xi32, #tpu.memory_space<hbm>> -> memref<120xi32, #tpu.memory_space<hbm>>
      %dma_start3A_109 = tpu.memref_slice %arg4[%multiple_of3A_105] : memref<322560xi32, #tpu.memory_space<hbm>> -> memref<120xi32, #tpu.memory_space<hbm>>
      tpu.enqueue_dma source(%dma_start3A_109 : memref<120xi32, #tpu.memory_space<hbm>>) target(%arg23 : memref<120xi32, #tpu.memory_space<vmem>>) target_semaphore(%arg41 : memref<!tpu.dma_semaphore, #tpu.memory_space<semaphore_mem>>)
      %dma_wait3A_110 = arith.constant 0 : i32
      %dma_wait3A_111 = arith.constant 0 : i32
      %dma_wait3A_112 = tpu.memref_slice %arg2[%dma_wait3A_110, %dma_wait3A_111] : memref<10000x128xf32, #tpu.memory_space<hbm>> -> memref<120x128xf32, #tpu.memory_space<hbm>>
      %dma_wait3A_113 = arith.constant 0 : i32
      %dma_wait3A_114 = arith.constant 0 : i32
      %dma_wait3A_115 = tpu.memref_slice %arg2[%dma_wait3A_113, %dma_wait3A_114] : memref<10000x128xf32, #tpu.memory_space<hbm>> -> memref<120x128xf32, #tpu.memory_space<hbm>>
      tpu.wait_dma2 semaphore(%arg29 : memref<!tpu.dma_semaphore, #tpu.memory_space<semaphore_mem>>) src(%dma_wait3A_115 : memref<120x128xf32, #tpu.memory_space<hbm>>) dst(%arg11 : memref<120x128xf32, #tpu.memory_space<vmem>>)
      %dma_wait3A_116 = arith.constant 0 : i32
      %dma_wait3A_117 = tpu.memref_slice %arg4[%dma_wait3A_116] : memref<322560xi32, #tpu.memory_space<hbm>> -> memref<120xi32, #tpu.memory_space<hbm>>
      %dma_wait3A_118 = arith.constant 0 : i32
      %dma_wait3A_119 = tpu.memref_slice %arg4[%dma_wait3A_118] : memref<322560xi32, #tpu.memory_space<hbm>> -> memref<120xi32, #tpu.memory_space<hbm>>
      tpu.wait_dma2 semaphore(%arg38 : memref<!tpu.dma_semaphore, #tpu.memory_space<semaphore_mem>>) src(%dma_wait3A_119 : memref<120xi32, #tpu.memory_space<hbm>>) dst(%arg20 : memref<120xi32, #tpu.memory_space<vmem>>)
      %dma_start3A_120 = arith.constant 0 : i32
      %dma_start3A_121 = arith.constant 0 : i32
      %dma_start3A_122 = tpu.memref_slice %arg26[%dma_start3A_120, %dma_start3A_121] : memref<10240x128xf32, #tpu.memory_space<vmem_shared>> -> memref<10240x128xf32, #tpu.memory_space<vmem_shared>>
      tpu.enqueue_indirect_dma source(%arg11 : memref<120x128xf32, #tpu.memory_space<vmem>>) target(%dma_start3A_122 : memref<10240x128xf32, #tpu.memory_space<vmem_shared>>) offsets(%arg20 : memref<120xi32, #tpu.memory_space<vmem>>) semaphore(%arg44 : memref<!tpu.dma_semaphore, #tpu.memory_space<semaphore_mem>>) {add = true}
      %dma_start3A_123 = arith.constant 0 : i32
      %dma_start3A_124 = tpu.memref_slice %arg27[%dma_start3A_123] : memref<10240xf32, #tpu.memory_space<vmem_shared>> -> memref<10240xf32, #tpu.memory_space<vmem_shared>>
      tpu.enqueue_indirect_dma source(%arg25 : memref<120xf32, #tpu.memory_space<vmem>>) target(%dma_start3A_124 : memref<10240xf32, #tpu.memory_space<vmem_shared>>) offsets(%arg20 : memref<120xi32, #tpu.memory_space<vmem>>) semaphore(%arg47 : memref<!tpu.dma_semaphore, #tpu.memory_space<semaphore_mem>>) {add = true}
      %dma_wait3A_125 = arith.constant 0 : i32
      %dma_wait3A_126 = arith.constant 0 : i32
      %dma_wait3A_127 = tpu.memref_slice %arg26[%dma_wait3A_125, %dma_wait3A_126] : memref<10240x128xf32, #tpu.memory_space<vmem_shared>> -> memref<120x128xf32, #tpu.memory_space<vmem_shared>>
      %dma_wait3A_128 = arith.constant 0 : i32
      %dma_wait3A_129 = arith.constant 0 : i32
      %dma_wait3A_130 = tpu.memref_slice %arg26[%dma_wait3A_128, %dma_wait3A_129] : memref<10240x128xf32, #tpu.memory_space<vmem_shared>> -> memref<120x128xf32, #tpu.memory_space<vmem_shared>>
      tpu.wait_dma2 semaphore(%arg43 : memref<!tpu.dma_semaphore, #tpu.memory_space<semaphore_mem>>) src(%arg10 : memref<120x128xf32, #tpu.memory_space<vmem>>) dst(%dma_wait3A_130 : memref<120x128xf32, #tpu.memory_space<vmem_shared>>)
      %dma_wait3A_131 = arith.constant 0 : i32
      %dma_wait3A_132 = tpu.memref_slice %arg27[%dma_wait3A_131] : memref<10240xf32, #tpu.memory_space<vmem_shared>> -> memref<120xf32, #tpu.memory_space<vmem_shared>>
      %dma_wait3A_133 = arith.constant 0 : i32
      %dma_wait3A_134 = tpu.memref_slice %arg27[%dma_wait3A_133] : memref<10240xf32, #tpu.memory_space<vmem_shared>> -> memref<120xf32, #tpu.memory_space<vmem_shared>>
      tpu.wait_dma2 semaphore(%arg46 : memref<!tpu.dma_semaphore, #tpu.memory_space<semaphore_mem>>) src(%arg25 : memref<120xf32, #tpu.memory_space<vmem>>) dst(%dma_wait3A_134 : memref<120xf32, #tpu.memory_space<vmem_shared>>)
      %dma_wait3A_135 = arith.constant 0 : i32
      %dma_wait3A_136 = tpu.memref_slice %arg3[%dma_wait3A_135] : memref<322560xi32, #tpu.memory_space<hbm>> -> memref<120xi32, #tpu.memory_space<hbm>>
      %dma_wait3A_137 = arith.constant 0 : i32
      %dma_wait3A_138 = tpu.memref_slice %arg3[%dma_wait3A_137] : memref<322560xi32, #tpu.memory_space<hbm>> -> memref<120xi32, #tpu.memory_space<hbm>>
      tpu.wait_dma2 semaphore(%arg34 : memref<!tpu.dma_semaphore, #tpu.memory_space<semaphore_mem>>) src(%dma_wait3A_138 : memref<120xi32, #tpu.memory_space<hbm>>) dst(%arg16 : memref<120xi32, #tpu.memory_space<vmem>>)
      %dma_start3A_139 = arith.constant 0 : i32
      %dma_start3A_140 = arith.constant 0 : i32
      %dma_start3A_141 = tpu.memref_slice %arg2[%dma_start3A_139, %dma_start3A_140] : memref<10000x128xf32, #tpu.memory_space<hbm>> -> memref<10000x128xf32, #tpu.memory_space<hbm>>
      tpu.enqueue_indirect_dma source(%dma_start3A_141 : memref<10000x128xf32, #tpu.memory_space<hbm>>) target(%arg10 : memref<120x128xf32, #tpu.memory_space<vmem>>) offsets(%arg16 : memref<120xi32, #tpu.memory_space<vmem>>) semaphore(%arg28 : memref<!tpu.dma_semaphore, #tpu.memory_space<semaphore_mem>>)
      %mul3A_142 = arith.constant 6 : i32
      %mul3A_143 = arith.muli %mul3A_142, %scan3A_71 : i32
      %add3A_144 = arith.constant 1 : i32
      %add3A_145 = arith.addi %mul3A_143, %add3A_144 : i32
      %add3A_146 = arith.constant 4 : i32
      %add3A_147 = arith.addi %add3A_145, %add3A_146 : i32
      %add3A_148 = arith.addi %mul3A_4, %add3A_147 : i32
      %mul3A_149 = arith.constant 120 : i32
      %mul3A_150 = arith.muli %add3A_148, %mul3A_149 : i32
      %multiple_of3A_151 = tpu.assume_multiple %mul3A_150, 8 : i32
      %dma_start3A_152 = tpu.memref_slice %arg3[%multiple_of3A_151] : memref<322560xi32, #tpu.memory_space<hbm>> -> memref<120xi32, #tpu.memory_space<hbm>>
      %dma_start3A_153 = tpu.memref_slice %arg3[%multiple_of3A_151] : memref<322560xi32, #tpu.memory_space<hbm>> -> memref<120xi32, #tpu.memory_space<hbm>>
      tpu.enqueue_dma source(%dma_start3A_153 : memref<120xi32, #tpu.memory_space<hbm>>) target(%arg18 : memref<120xi32, #tpu.memory_space<vmem>>) target_semaphore(%arg36 : memref<!tpu.dma_semaphore, #tpu.memory_space<semaphore_mem>>)
      %dma_start3A_154 = tpu.memref_slice %arg4[%multiple_of3A_151] : memref<322560xi32, #tpu.memory_space<hbm>> -> memref<120xi32, #tpu.memory_space<hbm>>
      %dma_start3A_155 = tpu.memref_slice %arg4[%multiple_of3A_151] : memref<322560xi32, #tpu.memory_space<hbm>> -> memref<120xi32, #tpu.memory_space<hbm>>
      tpu.enqueue_dma source(%dma_start3A_155 : memref<120xi32, #tpu.memory_space<hbm>>) target(%arg24 : memref<120xi32, #tpu.memory_space<vmem>>) target_semaphore(%arg42 : memref<!tpu.dma_semaphore, #tpu.memory_space<semaphore_mem>>)
      %dma_wait3A_156 = arith.constant 0 : i32
      %dma_wait3A_157 = arith.constant 0 : i32
      %dma_wait3A_158 = tpu.memref_slice %arg2[%dma_wait3A_156, %dma_wait3A_157] : memref<10000x128xf32, #tpu.memory_space<hbm>> -> memref<120x128xf32, #tpu.memory_space<hbm>>
      %dma_wait3A_159 = arith.constant 0 : i32
      %dma_wait3A_160 = arith.constant 0 : i32
      %dma_wait3A_161 = tpu.memref_slice %arg2[%dma_wait3A_159, %dma_wait3A_160] : memref<10000x128xf32, #tpu.memory_space<hbm>> -> memref<120x128xf32, #tpu.memory_space<hbm>>
      tpu.wait_dma2 semaphore(%arg30 : memref<!tpu.dma_semaphore, #tpu.memory_space<semaphore_mem>>) src(%dma_wait3A_161 : memref<120x128xf32, #tpu.memory_space<hbm>>) dst(%arg12 : memref<120x128xf32, #tpu.memory_space<vmem>>)
      %dma_wait3A_162 = arith.constant 0 : i32
      %dma_wait3A_163 = tpu.memref_slice %arg4[%dma_wait3A_162] : memref<322560xi32, #tpu.memory_space<hbm>> -> memref<120xi32, #tpu.memory_space<hbm>>
      %dma_wait3A_164 = arith.constant 0 : i32
      %dma_wait3A_165 = tpu.memref_slice %arg4[%dma_wait3A_164] : memref<322560xi32, #tpu.memory_space<hbm>> -> memref<120xi32, #tpu.memory_space<hbm>>
      tpu.wait_dma2 semaphore(%arg39 : memref<!tpu.dma_semaphore, #tpu.memory_space<semaphore_mem>>) src(%dma_wait3A_165 : memref<120xi32, #tpu.memory_space<hbm>>) dst(%arg21 : memref<120xi32, #tpu.memory_space<vmem>>)
      %dma_start3A_166 = arith.constant 0 : i32
      %dma_start3A_167 = arith.constant 0 : i32
      %dma_start3A_168 = tpu.memref_slice %arg26[%dma_start3A_166, %dma_start3A_167] : memref<10240x128xf32, #tpu.memory_space<vmem_shared>> -> memref<10240x128xf32, #tpu.memory_space<vmem_shared>>
      tpu.enqueue_indirect_dma source(%arg12 : memref<120x128xf32, #tpu.memory_space<vmem>>) target(%dma_start3A_168 : memref<10240x128xf32, #tpu.memory_space<vmem_shared>>) offsets(%arg21 : memref<120xi32, #tpu.memory_space<vmem>>) semaphore(%arg45 : memref<!tpu.dma_semaphore, #tpu.memory_space<semaphore_mem>>) {add = true}
      %dma_start3A_169 = arith.constant 0 : i32
      %dma_start3A_170 = tpu.memref_slice %arg27[%dma_start3A_169] : memref<10240xf32, #tpu.memory_space<vmem_shared>> -> memref<10240xf32, #tpu.memory_space<vmem_shared>>
      tpu.enqueue_indirect_dma source(%arg25 : memref<120xf32, #tpu.memory_space<vmem>>) target(%dma_start3A_170 : memref<10240xf32, #tpu.memory_space<vmem_shared>>) offsets(%arg21 : memref<120xi32, #tpu.memory_space<vmem>>) semaphore(%arg48 : memref<!tpu.dma_semaphore, #tpu.memory_space<semaphore_mem>>) {add = true}
      %dma_wait3A_171 = arith.constant 0 : i32
      %dma_wait3A_172 = arith.constant 0 : i32
      %dma_wait3A_173 = tpu.memref_slice %arg26[%dma_wait3A_171, %dma_wait3A_172] : memref<10240x128xf32, #tpu.memory_space<vmem_shared>> -> memref<120x128xf32, #tpu.memory_space<vmem_shared>>
      %dma_wait3A_174 = arith.constant 0 : i32
      %dma_wait3A_175 = arith.constant 0 : i32
      %dma_wait3A_176 = tpu.memref_slice %arg26[%dma_wait3A_174, %dma_wait3A_175] : memref<10240x128xf32, #tpu.memory_space<vmem_shared>> -> memref<120x128xf32, #tpu.memory_space<vmem_shared>>
      tpu.wait_dma2 semaphore(%arg44 : memref<!tpu.dma_semaphore, #tpu.memory_space<semaphore_mem>>) src(%arg11 : memref<120x128xf32, #tpu.memory_space<vmem>>) dst(%dma_wait3A_176 : memref<120x128xf32, #tpu.memory_space<vmem_shared>>)
      %dma_wait3A_177 = arith.constant 0 : i32
      %dma_wait3A_178 = tpu.memref_slice %arg27[%dma_wait3A_177] : memref<10240xf32, #tpu.memory_space<vmem_shared>> -> memref<120xf32, #tpu.memory_space<vmem_shared>>
      %dma_wait3A_179 = arith.constant 0 : i32
      %dma_wait3A_180 = tpu.memref_slice %arg27[%dma_wait3A_179] : memref<10240xf32, #tpu.memory_space<vmem_shared>> -> memref<120xf32, #tpu.memory_space<vmem_shared>>
      tpu.wait_dma2 semaphore(%arg47 : memref<!tpu.dma_semaphore, #tpu.memory_space<semaphore_mem>>) src(%arg25 : memref<120xf32, #tpu.memory_space<vmem>>) dst(%dma_wait3A_180 : memref<120xf32, #tpu.memory_space<vmem_shared>>)
      %dma_wait3A_181 = arith.constant 0 : i32
      %dma_wait3A_182 = tpu.memref_slice %arg3[%dma_wait3A_181] : memref<322560xi32, #tpu.memory_space<hbm>> -> memref<120xi32, #tpu.memory_space<hbm>>
      %dma_wait3A_183 = arith.constant 0 : i32
      %dma_wait3A_184 = tpu.memref_slice %arg3[%dma_wait3A_183] : memref<322560xi32, #tpu.memory_space<hbm>> -> memref<120xi32, #tpu.memory_space<hbm>>
      tpu.wait_dma2 semaphore(%arg35 : memref<!tpu.dma_semaphore, #tpu.memory_space<semaphore_mem>>) src(%dma_wait3A_184 : memref<120xi32, #tpu.memory_space<hbm>>) dst(%arg17 : memref<120xi32, #tpu.memory_space<vmem>>)
      %dma_start3A_185 = arith.constant 0 : i32
      %dma_start3A_186 = arith.constant 0 : i32
      %dma_start3A_187 = tpu.memref_slice %arg2[%dma_start3A_185, %dma_start3A_186] : memref<10000x128xf32, #tpu.memory_space<hbm>> -> memref<10000x128xf32, #tpu.memory_space<hbm>>
      tpu.enqueue_indirect_dma source(%dma_start3A_187 : memref<10000x128xf32, #tpu.memory_space<hbm>>) target(%arg11 : memref<120x128xf32, #tpu.memory_space<vmem>>) offsets(%arg17 : memref<120xi32, #tpu.memory_space<vmem>>) semaphore(%arg29 : memref<!tpu.dma_semaphore, #tpu.memory_space<semaphore_mem>>)
      %lt3A = arith.constant 13 : i32
      %lt3A_188 = arith.cmpi slt, %scan3A_71, %lt3A : i32
      %convert_element_type3A_189 = arith.extui %lt3A_188 : i1 to i32
      %cond3A_190 = arith.constant 0 : i32
      %cond3A_191 = arith.cmpi ne, %convert_element_type3A_189, %cond3A_190 : i32
      scf.if %cond3A_191 {
        %mul3A_299 = arith.constant 6 : i32
        %mul3A_300 = arith.muli %mul3A_299, %scan3A_71 : i32
        %add3A_301 = arith.constant 2 : i32
        %add3A_302 = arith.addi %mul3A_300, %add3A_301 : i32
        %add3A_303 = arith.constant 4 : i32
        %add3A_304 = arith.addi %add3A_302, %add3A_303 : i32
        %add3A_305 = arith.addi %mul3A_4, %add3A_304 : i32
        %mul3A_306 = arith.constant 120 : i32
        %mul3A_307 = arith.muli %add3A_305, %mul3A_306 : i32
        %multiple_of3A_308 = tpu.assume_multiple %mul3A_307, 8 : i32
        %dma_start3A_309 = tpu.memref_slice %arg3[%multiple_of3A_308] : memref<322560xi32, #tpu.memory_space<hbm>> -> memref<120xi32, #tpu.memory_space<hbm>>
        %dma_start3A_310 = tpu.memref_slice %arg3[%multiple_of3A_308] : memref<322560xi32, #tpu.memory_space<hbm>> -> memref<120xi32, #tpu.memory_space<hbm>>
        tpu.enqueue_dma source(%dma_start3A_310 : memref<120xi32, #tpu.memory_space<hbm>>) target(%arg13 : memref<120xi32, #tpu.memory_space<vmem>>) target_semaphore(%arg31 : memref<!tpu.dma_semaphore, #tpu.memory_space<semaphore_mem>>)
        %dma_start3A_311 = tpu.memref_slice %arg4[%multiple_of3A_308] : memref<322560xi32, #tpu.memory_space<hbm>> -> memref<120xi32, #tpu.memory_space<hbm>>
        %dma_start3A_312 = tpu.memref_slice %arg4[%multiple_of3A_308] : memref<322560xi32, #tpu.memory_space<hbm>> -> memref<120xi32, #tpu.memory_space<hbm>>
        tpu.enqueue_dma source(%dma_start3A_312 : memref<120xi32, #tpu.memory_space<hbm>>) target(%arg19 : memref<120xi32, #tpu.memory_space<vmem>>) target_semaphore(%arg37 : memref<!tpu.dma_semaphore, #tpu.memory_space<semaphore_mem>>)
      } else {
      }
      %dma_wait3A_192 = arith.constant 0 : i32
      %dma_wait3A_193 = arith.constant 0 : i32
      %dma_wait3A_194 = tpu.memref_slice %arg2[%dma_wait3A_192, %dma_wait3A_193] : memref<10000x128xf32, #tpu.memory_space<hbm>> -> memref<120x128xf32, #tpu.memory_space<hbm>>
      %dma_wait3A_195 = arith.constant 0 : i32
      %dma_wait3A_196 = arith.constant 0 : i32
      %dma_wait3A_197 = tpu.memref_slice %arg2[%dma_wait3A_195, %dma_wait3A_196] : memref<10000x128xf32, #tpu.memory_space<hbm>> -> memref<120x128xf32, #tpu.memory_space<hbm>>
      tpu.wait_dma2 semaphore(%arg28 : memref<!tpu.dma_semaphore, #tpu.memory_space<semaphore_mem>>) src(%dma_wait3A_197 : memref<120x128xf32, #tpu.memory_space<hbm>>) dst(%arg10 : memref<120x128xf32, #tpu.memory_space<vmem>>)
      %dma_wait3A_198 = arith.constant 0 : i32
      %dma_wait3A_199 = tpu.memref_slice %arg4[%dma_wait3A_198] : memref<322560xi32, #tpu.memory_space<hbm>> -> memref<120xi32, #tpu.memory_space<hbm>>
      %dma_wait3A_200 = arith.constant 0 : i32
      %dma_wait3A_201 = tpu.memref_slice %arg4[%dma_wait3A_200] : memref<322560xi32, #tpu.memory_space<hbm>> -> memref<120xi32, #tpu.memory_space<hbm>>
      tpu.wait_dma2 semaphore(%arg40 : memref<!tpu.dma_semaphore, #tpu.memory_space<semaphore_mem>>) src(%dma_wait3A_201 : memref<120xi32, #tpu.memory_space<hbm>>) dst(%arg22 : memref<120xi32, #tpu.memory_space<vmem>>)
      %dma_start3A_202 = arith.constant 0 : i32
      %dma_start3A_203 = arith.constant 0 : i32
      %dma_start3A_204 = tpu.memref_slice %arg26[%dma_start3A_202, %dma_start3A_203] : memref<10240x128xf32, #tpu.memory_space<vmem_shared>> -> memref<10240x128xf32, #tpu.memory_space<vmem_shared>>
      tpu.enqueue_indirect_dma source(%arg10 : memref<120x128xf32, #tpu.memory_space<vmem>>) target(%dma_start3A_204 : memref<10240x128xf32, #tpu.memory_space<vmem_shared>>) offsets(%arg22 : memref<120xi32, #tpu.memory_space<vmem>>) semaphore(%arg43 : memref<!tpu.dma_semaphore, #tpu.memory_space<semaphore_mem>>) {add = true}
      %dma_start3A_205 = arith.constant 0 : i32
      %dma_start3A_206 = tpu.memref_slice %arg27[%dma_start3A_205] : memref<10240xf32, #tpu.memory_space<vmem_shared>> -> memref<10240xf32, #tpu.memory_space<vmem_shared>>
      tpu.enqueue_indirect_dma source(%arg25 : memref<120xf32, #tpu.memory_space<vmem>>) target(%dma_start3A_206 : memref<10240xf32, #tpu.memory_space<vmem_shared>>) offsets(%arg22 : memref<120xi32, #tpu.memory_space<vmem>>) semaphore(%arg46 : memref<!tpu.dma_semaphore, #tpu.memory_space<semaphore_mem>>) {add = true}
      %dma_wait3A_207 = arith.constant 0 : i32
      %dma_wait3A_208 = arith.constant 0 : i32
      %dma_wait3A_209 = tpu.memref_slice %arg26[%dma_wait3A_207, %dma_wait3A_208] : memref<10240x128xf32, #tpu.memory_space<vmem_shared>> -> memref<120x128xf32, #tpu.memory_space<vmem_shared>>
      %dma_wait3A_210 = arith.constant 0 : i32
      %dma_wait3A_211 = arith.constant 0 : i32
      %dma_wait3A_212 = tpu.memref_slice %arg26[%dma_wait3A_210, %dma_wait3A_211] : memref<10240x128xf32, #tpu.memory_space<vmem_shared>> -> memref<120x128xf32, #tpu.memory_space<vmem_shared>>
      tpu.wait_dma2 semaphore(%arg45 : memref<!tpu.dma_semaphore, #tpu.memory_space<semaphore_mem>>) src(%arg12 : memref<120x128xf32, #tpu.memory_space<vmem>>) dst(%dma_wait3A_212 : memref<120x128xf32, #tpu.memory_space<vmem_shared>>)
      %dma_wait3A_213 = arith.constant 0 : i32
      %dma_wait3A_214 = tpu.memref_slice %arg27[%dma_wait3A_213] : memref<10240xf32, #tpu.memory_space<vmem_shared>> -> memref<120xf32, #tpu.memory_space<vmem_shared>>
      %dma_wait3A_215 = arith.constant 0 : i32
      %dma_wait3A_216 = tpu.memref_slice %arg27[%dma_wait3A_215] : memref<10240xf32, #tpu.memory_space<vmem_shared>> -> memref<120xf32, #tpu.memory_space<vmem_shared>>
      tpu.wait_dma2 semaphore(%arg48 : memref<!tpu.dma_semaphore, #tpu.memory_space<semaphore_mem>>) src(%arg25 : memref<120xf32, #tpu.memory_space<vmem>>) dst(%dma_wait3A_216 : memref<120xf32, #tpu.memory_space<vmem_shared>>)
      %dma_wait3A_217 = arith.constant 0 : i32
      %dma_wait3A_218 = tpu.memref_slice %arg3[%dma_wait3A_217] : memref<322560xi32, #tpu.memory_space<hbm>> -> memref<120xi32, #tpu.memory_space<hbm>>
      %dma_wait3A_219 = arith.constant 0 : i32
      %dma_wait3A_220 = tpu.memref_slice %arg3[%dma_wait3A_219] : memref<322560xi32, #tpu.memory_space<hbm>> -> memref<120xi32, #tpu.memory_space<hbm>>
      tpu.wait_dma2 semaphore(%arg36 : memref<!tpu.dma_semaphore, #tpu.memory_space<semaphore_mem>>) src(%dma_wait3A_220 : memref<120xi32, #tpu.memory_space<hbm>>) dst(%arg18 : memref<120xi32, #tpu.memory_space<vmem>>)
      %dma_start3A_221 = arith.constant 0 : i32
      %dma_start3A_222 = arith.constant 0 : i32
      %dma_start3A_223 = tpu.memref_slice %arg2[%dma_start3A_221, %dma_start3A_222] : memref<10000x128xf32, #tpu.memory_space<hbm>> -> memref<10000x128xf32, #tpu.memory_space<hbm>>
      tpu.enqueue_indirect_dma source(%dma_start3A_223 : memref<10000x128xf32, #tpu.memory_space<hbm>>) target(%arg12 : memref<120x128xf32, #tpu.memory_space<vmem>>) offsets(%arg18 : memref<120xi32, #tpu.memory_space<vmem>>) semaphore(%arg30 : memref<!tpu.dma_semaphore, #tpu.memory_space<semaphore_mem>>)
      %lt3A_224 = arith.constant 13 : i32
      %lt3A_225 = arith.cmpi slt, %scan3A_71, %lt3A_224 : i32
      %convert_element_type3A_226 = arith.extui %lt3A_225 : i1 to i32
      %cond3A_227 = arith.constant 0 : i32
      %cond3A_228 = arith.cmpi ne, %convert_element_type3A_226, %cond3A_227 : i32
      scf.if %cond3A_228 {
        %mul3A_299 = arith.constant 6 : i32
        %mul3A_300 = arith.muli %mul3A_299, %scan3A_71 : i32
        %add3A_301 = arith.constant 3 : i32
        %add3A_302 = arith.addi %mul3A_300, %add3A_301 : i32
        %add3A_303 = arith.constant 4 : i32
        %add3A_304 = arith.addi %add3A_302, %add3A_303 : i32
        %add3A_305 = arith.addi %mul3A_4, %add3A_304 : i32
        %mul3A_306 = arith.constant 120 : i32
        %mul3A_307 = arith.muli %add3A_305, %mul3A_306 : i32
        %multiple_of3A_308 = tpu.assume_multiple %mul3A_307, 8 : i32
        %dma_start3A_309 = tpu.memref_slice %arg3[%multiple_of3A_308] : memref<322560xi32, #tpu.memory_space<hbm>> -> memref<120xi32, #tpu.memory_space<hbm>>
        %dma_start3A_310 = tpu.memref_slice %arg3[%multiple_of3A_308] : memref<322560xi32, #tpu.memory_space<hbm>> -> memref<120xi32, #tpu.memory_space<hbm>>
        tpu.enqueue_dma source(%dma_start3A_310 : memref<120xi32, #tpu.memory_space<hbm>>) target(%arg14 : memref<120xi32, #tpu.memory_space<vmem>>) target_semaphore(%arg32 : memref<!tpu.dma_semaphore, #tpu.memory_space<semaphore_mem>>)
        %dma_start3A_311 = tpu.memref_slice %arg4[%multiple_of3A_308] : memref<322560xi32, #tpu.memory_space<hbm>> -> memref<120xi32, #tpu.memory_space<hbm>>
        %dma_start3A_312 = tpu.memref_slice %arg4[%multiple_of3A_308] : memref<322560xi32, #tpu.memory_space<hbm>> -> memref<120xi32, #tpu.memory_space<hbm>>
        tpu.enqueue_dma source(%dma_start3A_312 : memref<120xi32, #tpu.memory_space<hbm>>) target(%arg20 : memref<120xi32, #tpu.memory_space<vmem>>) target_semaphore(%arg38 : memref<!tpu.dma_semaphore, #tpu.memory_space<semaphore_mem>>)
      } else {
      }
      %dma_wait3A_229 = arith.constant 0 : i32
      %dma_wait3A_230 = arith.constant 0 : i32
      %dma_wait3A_231 = tpu.memref_slice %arg2[%dma_wait3A_229, %dma_wait3A_230] : memref<10000x128xf32, #tpu.memory_space<hbm>> -> memref<120x128xf32, #tpu.memory_space<hbm>>
      %dma_wait3A_232 = arith.constant 0 : i32
      %dma_wait3A_233 = arith.constant 0 : i32
      %dma_wait3A_234 = tpu.memref_slice %arg2[%dma_wait3A_232, %dma_wait3A_233] : memref<10000x128xf32, #tpu.memory_space<hbm>> -> memref<120x128xf32, #tpu.memory_space<hbm>>
      tpu.wait_dma2 semaphore(%arg29 : memref<!tpu.dma_semaphore, #tpu.memory_space<semaphore_mem>>) src(%dma_wait3A_234 : memref<120x128xf32, #tpu.memory_space<hbm>>) dst(%arg11 : memref<120x128xf32, #tpu.memory_space<vmem>>)
      %dma_wait3A_235 = arith.constant 0 : i32
      %dma_wait3A_236 = tpu.memref_slice %arg4[%dma_wait3A_235] : memref<322560xi32, #tpu.memory_space<hbm>> -> memref<120xi32, #tpu.memory_space<hbm>>
      %dma_wait3A_237 = arith.constant 0 : i32
      %dma_wait3A_238 = tpu.memref_slice %arg4[%dma_wait3A_237] : memref<322560xi32, #tpu.memory_space<hbm>> -> memref<120xi32, #tpu.memory_space<hbm>>
      tpu.wait_dma2 semaphore(%arg41 : memref<!tpu.dma_semaphore, #tpu.memory_space<semaphore_mem>>) src(%dma_wait3A_238 : memref<120xi32, #tpu.memory_space<hbm>>) dst(%arg23 : memref<120xi32, #tpu.memory_space<vmem>>)
      %dma_start3A_239 = arith.constant 0 : i32
      %dma_start3A_240 = arith.constant 0 : i32
      %dma_start3A_241 = tpu.memref_slice %arg26[%dma_start3A_239, %dma_start3A_240] : memref<10240x128xf32, #tpu.memory_space<vmem_shared>> -> memref<10240x128xf32, #tpu.memory_space<vmem_shared>>
      tpu.enqueue_indirect_dma source(%arg11 : memref<120x128xf32, #tpu.memory_space<vmem>>) target(%dma_start3A_241 : memref<10240x128xf32, #tpu.memory_space<vmem_shared>>) offsets(%arg23 : memref<120xi32, #tpu.memory_space<vmem>>) semaphore(%arg44 : memref<!tpu.dma_semaphore, #tpu.memory_space<semaphore_mem>>) {add = true}
      %dma_start3A_242 = arith.constant 0 : i32
      %dma_start3A_243 = tpu.memref_slice %arg27[%dma_start3A_242] : memref<10240xf32, #tpu.memory_space<vmem_shared>> -> memref<10240xf32, #tpu.memory_space<vmem_shared>>
      tpu.enqueue_indirect_dma source(%arg25 : memref<120xf32, #tpu.memory_space<vmem>>) target(%dma_start3A_243 : memref<10240xf32, #tpu.memory_space<vmem_shared>>) offsets(%arg23 : memref<120xi32, #tpu.memory_space<vmem>>) semaphore(%arg47 : memref<!tpu.dma_semaphore, #tpu.memory_space<semaphore_mem>>) {add = true}
      %dma_wait3A_244 = arith.constant 0 : i32
      %dma_wait3A_245 = arith.constant 0 : i32
      %dma_wait3A_246 = tpu.memref_slice %arg26[%dma_wait3A_244, %dma_wait3A_245] : memref<10240x128xf32, #tpu.memory_space<vmem_shared>> -> memref<120x128xf32, #tpu.memory_space<vmem_shared>>
      %dma_wait3A_247 = arith.constant 0 : i32
      %dma_wait3A_248 = arith.constant 0 : i32
      %dma_wait3A_249 = tpu.memref_slice %arg26[%dma_wait3A_247, %dma_wait3A_248] : memref<10240x128xf32, #tpu.memory_space<vmem_shared>> -> memref<120x128xf32, #tpu.memory_space<vmem_shared>>
      tpu.wait_dma2 semaphore(%arg43 : memref<!tpu.dma_semaphore, #tpu.memory_space<semaphore_mem>>) src(%arg10 : memref<120x128xf32, #tpu.memory_space<vmem>>) dst(%dma_wait3A_249 : memref<120x128xf32, #tpu.memory_space<vmem_shared>>)
      %dma_wait3A_250 = arith.constant 0 : i32
      %dma_wait3A_251 = tpu.memref_slice %arg27[%dma_wait3A_250] : memref<10240xf32, #tpu.memory_space<vmem_shared>> -> memref<120xf32, #tpu.memory_space<vmem_shared>>
      %dma_wait3A_252 = arith.constant 0 : i32
      %dma_wait3A_253 = tpu.memref_slice %arg27[%dma_wait3A_252] : memref<10240xf32, #tpu.memory_space<vmem_shared>> -> memref<120xf32, #tpu.memory_space<vmem_shared>>
      tpu.wait_dma2 semaphore(%arg46 : memref<!tpu.dma_semaphore, #tpu.memory_space<semaphore_mem>>) src(%arg25 : memref<120xf32, #tpu.memory_space<vmem>>) dst(%dma_wait3A_253 : memref<120xf32, #tpu.memory_space<vmem_shared>>)
      %lt3A_254 = arith.constant 13 : i32
      %lt3A_255 = arith.cmpi slt, %scan3A_71, %lt3A_254 : i32
      %convert_element_type3A_256 = arith.extui %lt3A_255 : i1 to i32
      %cond3A_257 = arith.constant 0 : i32
      %cond3A_258 = arith.cmpi ne, %convert_element_type3A_256, %cond3A_257 : i32
      scf.if %cond3A_258 {
        %dma_wait3A_299 = arith.constant 0 : i32
        %dma_wait3A_300 = tpu.memref_slice %arg3[%dma_wait3A_299] : memref<322560xi32, #tpu.memory_space<hbm>> -> memref<120xi32, #tpu.memory_space<hbm>>
        %dma_wait3A_301 = arith.constant 0 : i32
        %dma_wait3A_302 = tpu.memref_slice %arg3[%dma_wait3A_301] : memref<322560xi32, #tpu.memory_space<hbm>> -> memref<120xi32, #tpu.memory_space<hbm>>
        tpu.wait_dma2 semaphore(%arg31 : memref<!tpu.dma_semaphore, #tpu.memory_space<semaphore_mem>>) src(%dma_wait3A_302 : memref<120xi32, #tpu.memory_space<hbm>>) dst(%arg13 : memref<120xi32, #tpu.memory_space<vmem>>)
        %dma_start3A_303 = arith.constant 0 : i32
        %dma_start3A_304 = arith.constant 0 : i32
        %dma_start3A_305 = tpu.memref_slice %arg2[%dma_start3A_303, %dma_start3A_304] : memref<10000x128xf32, #tpu.memory_space<hbm>> -> memref<10000x128xf32, #tpu.memory_space<hbm>>
        tpu.enqueue_indirect_dma source(%dma_start3A_305 : memref<10000x128xf32, #tpu.memory_space<hbm>>) target(%arg10 : memref<120x128xf32, #tpu.memory_space<vmem>>) offsets(%arg13 : memref<120xi32, #tpu.memory_space<vmem>>) semaphore(%arg28 : memref<!tpu.dma_semaphore, #tpu.memory_space<semaphore_mem>>)
      } else {
      }
      %lt3A_259 = arith.constant 13 : i32
      %lt3A_260 = arith.cmpi slt, %scan3A_71, %lt3A_259 : i32
      %convert_element_type3A_261 = arith.extui %lt3A_260 : i1 to i32
      %cond3A_262 = arith.constant 0 : i32
      %cond3A_263 = arith.cmpi ne, %convert_element_type3A_261, %cond3A_262 : i32
      scf.if %cond3A_263 {
        %mul3A_299 = arith.constant 6 : i32
        %mul3A_300 = arith.muli %mul3A_299, %scan3A_71 : i32
        %add3A_301 = arith.constant 4 : i32
        %add3A_302 = arith.addi %mul3A_300, %add3A_301 : i32
        %add3A_303 = arith.constant 4 : i32
        %add3A_304 = arith.addi %add3A_302, %add3A_303 : i32
        %add3A_305 = arith.addi %mul3A_4, %add3A_304 : i32
        %mul3A_306 = arith.constant 120 : i32
        %mul3A_307 = arith.muli %add3A_305, %mul3A_306 : i32
        %multiple_of3A_308 = tpu.assume_multiple %mul3A_307, 8 : i32
        %dma_start3A_309 = tpu.memref_slice %arg3[%multiple_of3A_308] : memref<322560xi32, #tpu.memory_space<hbm>> -> memref<120xi32, #tpu.memory_space<hbm>>
        %dma_start3A_310 = tpu.memref_slice %arg3[%multiple_of3A_308] : memref<322560xi32, #tpu.memory_space<hbm>> -> memref<120xi32, #tpu.memory_space<hbm>>
        tpu.enqueue_dma source(%dma_start3A_310 : memref<120xi32, #tpu.memory_space<hbm>>) target(%arg15 : memref<120xi32, #tpu.memory_space<vmem>>) target_semaphore(%arg33 : memref<!tpu.dma_semaphore, #tpu.memory_space<semaphore_mem>>)
        %dma_start3A_311 = tpu.memref_slice %arg4[%multiple_of3A_308] : memref<322560xi32, #tpu.memory_space<hbm>> -> memref<120xi32, #tpu.memory_space<hbm>>
        %dma_start3A_312 = tpu.memref_slice %arg4[%multiple_of3A_308] : memref<322560xi32, #tpu.memory_space<hbm>> -> memref<120xi32, #tpu.memory_space<hbm>>
        tpu.enqueue_dma source(%dma_start3A_312 : memref<120xi32, #tpu.memory_space<hbm>>) target(%arg21 : memref<120xi32, #tpu.memory_space<vmem>>) target_semaphore(%arg39 : memref<!tpu.dma_semaphore, #tpu.memory_space<semaphore_mem>>)
      } else {
      }
      %dma_wait3A_264 = arith.constant 0 : i32
      %dma_wait3A_265 = arith.constant 0 : i32
      %dma_wait3A_266 = tpu.memref_slice %arg2[%dma_wait3A_264, %dma_wait3A_265] : memref<10000x128xf32, #tpu.memory_space<hbm>> -> memref<120x128xf32, #tpu.memory_space<hbm>>
      %dma_wait3A_267 = arith.constant 0 : i32
      %dma_wait3A_268 = arith.constant 0 : i32
      %dma_wait3A_269 = tpu.memref_slice %arg2[%dma_wait3A_267, %dma_wait3A_268] : memref<10000x128xf32, #tpu.memory_space<hbm>> -> memref<120x128xf32, #tpu.memory_space<hbm>>
      tpu.wait_dma2 semaphore(%arg30 : memref<!tpu.dma_semaphore, #tpu.memory_space<semaphore_mem>>) src(%dma_wait3A_269 : memref<120x128xf32, #tpu.memory_space<hbm>>) dst(%arg12 : memref<120x128xf32, #tpu.memory_space<vmem>>)
      %dma_wait3A_270 = arith.constant 0 : i32
      %dma_wait3A_271 = tpu.memref_slice %arg4[%dma_wait3A_270] : memref<322560xi32, #tpu.memory_space<hbm>> -> memref<120xi32, #tpu.memory_space<hbm>>
      %dma_wait3A_272 = arith.constant 0 : i32
      %dma_wait3A_273 = tpu.memref_slice %arg4[%dma_wait3A_272] : memref<322560xi32, #tpu.memory_space<hbm>> -> memref<120xi32, #tpu.memory_space<hbm>>
      tpu.wait_dma2 semaphore(%arg42 : memref<!tpu.dma_semaphore, #tpu.memory_space<semaphore_mem>>) src(%dma_wait3A_273 : memref<120xi32, #tpu.memory_space<hbm>>) dst(%arg24 : memref<120xi32, #tpu.memory_space<vmem>>)
      %dma_start3A_274 = arith.constant 0 : i32
      %dma_start3A_275 = arith.constant 0 : i32
      %dma_start3A_276 = tpu.memref_slice %arg26[%dma_start3A_274, %dma_start3A_275] : memref<10240x128xf32, #tpu.memory_space<vmem_shared>> -> memref<10240x128xf32, #tpu.memory_space<vmem_shared>>
      tpu.enqueue_indirect_dma source(%arg12 : memref<120x128xf32, #tpu.memory_space<vmem>>) target(%dma_start3A_276 : memref<10240x128xf32, #tpu.memory_space<vmem_shared>>) offsets(%arg24 : memref<120xi32, #tpu.memory_space<vmem>>) semaphore(%arg45 : memref<!tpu.dma_semaphore, #tpu.memory_space<semaphore_mem>>) {add = true}
      %dma_start3A_277 = arith.constant 0 : i32
      %dma_start3A_278 = tpu.memref_slice %arg27[%dma_start3A_277] : memref<10240xf32, #tpu.memory_space<vmem_shared>> -> memref<10240xf32, #tpu.memory_space<vmem_shared>>
      tpu.enqueue_indirect_dma source(%arg25 : memref<120xf32, #tpu.memory_space<vmem>>) target(%dma_start3A_278 : memref<10240xf32, #tpu.memory_space<vmem_shared>>) offsets(%arg24 : memref<120xi32, #tpu.memory_space<vmem>>) semaphore(%arg48 : memref<!tpu.dma_semaphore, #tpu.memory_space<semaphore_mem>>) {add = true}
      %dma_wait3A_279 = arith.constant 0 : i32
      %dma_wait3A_280 = arith.constant 0 : i32
      %dma_wait3A_281 = tpu.memref_slice %arg26[%dma_wait3A_279, %dma_wait3A_280] : memref<10240x128xf32, #tpu.memory_space<vmem_shared>> -> memref<120x128xf32, #tpu.memory_space<vmem_shared>>
      %dma_wait3A_282 = arith.constant 0 : i32
      %dma_wait3A_283 = arith.constant 0 : i32
      %dma_wait3A_284 = tpu.memref_slice %arg26[%dma_wait3A_282, %dma_wait3A_283] : memref<10240x128xf32, #tpu.memory_space<vmem_shared>> -> memref<120x128xf32, #tpu.memory_space<vmem_shared>>
      tpu.wait_dma2 semaphore(%arg44 : memref<!tpu.dma_semaphore, #tpu.memory_space<semaphore_mem>>) src(%arg11 : memref<120x128xf32, #tpu.memory_space<vmem>>) dst(%dma_wait3A_284 : memref<120x128xf32, #tpu.memory_space<vmem_shared>>)
      %dma_wait3A_285 = arith.constant 0 : i32
      %dma_wait3A_286 = tpu.memref_slice %arg27[%dma_wait3A_285] : memref<10240xf32, #tpu.memory_space<vmem_shared>> -> memref<120xf32, #tpu.memory_space<vmem_shared>>
      %dma_wait3A_287 = arith.constant 0 : i32
      %dma_wait3A_288 = tpu.memref_slice %arg27[%dma_wait3A_287] : memref<10240xf32, #tpu.memory_space<vmem_shared>> -> memref<120xf32, #tpu.memory_space<vmem_shared>>
      tpu.wait_dma2 semaphore(%arg47 : memref<!tpu.dma_semaphore, #tpu.memory_space<semaphore_mem>>) src(%arg25 : memref<120xf32, #tpu.memory_space<vmem>>) dst(%dma_wait3A_288 : memref<120xf32, #tpu.memory_space<vmem_shared>>)
      %lt3A_289 = arith.constant 13 : i32
      %lt3A_290 = arith.cmpi slt, %scan3A_71, %lt3A_289 : i32
      %convert_element_type3A_291 = arith.extui %lt3A_290 : i1 to i32
      %cond3A_292 = arith.constant 0 : i32
      %cond3A_293 = arith.cmpi ne, %convert_element_type3A_291, %cond3A_292 : i32
      scf.if %cond3A_293 {
        %dma_wait3A_299 = arith.constant 0 : i32
        %dma_wait3A_300 = tpu.memref_slice %arg3[%dma_wait3A_299] : memref<322560xi32, #tpu.memory_space<hbm>> -> memref<120xi32, #tpu.memory_space<hbm>>
        %dma_wait3A_301 = arith.constant 0 : i32
        %dma_wait3A_302 = tpu.memref_slice %arg3[%dma_wait3A_301] : memref<322560xi32, #tpu.memory_space<hbm>> -> memref<120xi32, #tpu.memory_space<hbm>>
        tpu.wait_dma2 semaphore(%arg32 : memref<!tpu.dma_semaphore, #tpu.memory_space<semaphore_mem>>) src(%dma_wait3A_302 : memref<120xi32, #tpu.memory_space<hbm>>) dst(%arg14 : memref<120xi32, #tpu.memory_space<vmem>>)
        %dma_start3A_303 = arith.constant 0 : i32
        %dma_start3A_304 = arith.constant 0 : i32
        %dma_start3A_305 = tpu.memref_slice %arg2[%dma_start3A_303, %dma_start3A_304] : memref<10000x128xf32, #tpu.memory_space<hbm>> -> memref<10000x128xf32, #tpu.memory_space<hbm>>
        tpu.enqueue_indirect_dma source(%dma_start3A_305 : memref<10000x128xf32, #tpu.memory_space<hbm>>) target(%arg11 : memref<120x128xf32, #tpu.memory_space<vmem>>) offsets(%arg14 : memref<120xi32, #tpu.memory_space<vmem>>) semaphore(%arg29 : memref<!tpu.dma_semaphore, #tpu.memory_space<semaphore_mem>>)
      } else {
      }
      %lt3A_294 = arith.constant 13 : i32
      %lt3A_295 = arith.cmpi slt, %scan3A_71, %lt3A_294 : i32
      %convert_element_type3A_296 = arith.extui %lt3A_295 : i1 to i32
      %cond3A_297 = arith.constant 0 : i32
      %cond3A_298 = arith.cmpi ne, %convert_element_type3A_296, %cond3A_297 : i32
      scf.if %cond3A_298 {
        %mul3A_299 = arith.constant 6 : i32
        %mul3A_300 = arith.muli %mul3A_299, %scan3A_71 : i32
        %add3A_301 = arith.constant 5 : i32
        %add3A_302 = arith.addi %mul3A_300, %add3A_301 : i32
        %add3A_303 = arith.constant 4 : i32
        %add3A_304 = arith.addi %add3A_302, %add3A_303 : i32
        %add3A_305 = arith.addi %mul3A_4, %add3A_304 : i32
        %mul3A_306 = arith.constant 120 : i32
        %mul3A_307 = arith.muli %add3A_305, %mul3A_306 : i32
        %multiple_of3A_308 = tpu.assume_multiple %mul3A_307, 8 : i32
        %dma_start3A_309 = tpu.memref_slice %arg3[%multiple_of3A_308] : memref<322560xi32, #tpu.memory_space<hbm>> -> memref<120xi32, #tpu.memory_space<hbm>>
        %dma_start3A_310 = tpu.memref_slice %arg3[%multiple_of3A_308] : memref<322560xi32, #tpu.memory_space<hbm>> -> memref<120xi32, #tpu.memory_space<hbm>>
        tpu.enqueue_dma source(%dma_start3A_310 : memref<120xi32, #tpu.memory_space<hbm>>) target(%arg16 : memref<120xi32, #tpu.memory_space<vmem>>) target_semaphore(%arg34 : memref<!tpu.dma_semaphore, #tpu.memory_space<semaphore_mem>>)
        %dma_start3A_311 = tpu.memref_slice %arg4[%multiple_of3A_308] : memref<322560xi32, #tpu.memory_space<hbm>> -> memref<120xi32, #tpu.memory_space<hbm>>
        %dma_start3A_312 = tpu.memref_slice %arg4[%multiple_of3A_308] : memref<322560xi32, #tpu.memory_space<hbm>> -> memref<120xi32, #tpu.memory_space<hbm>>
        tpu.enqueue_dma source(%dma_start3A_312 : memref<120xi32, #tpu.memory_space<hbm>>) target(%arg22 : memref<120xi32, #tpu.memory_space<vmem>>) target_semaphore(%arg40 : memref<!tpu.dma_semaphore, #tpu.memory_space<semaphore_mem>>)
      } else {
      }
    }
    %scan3A_56 = arith.constant 14 : i32
    %dma_wait3A_57 = arith.constant 0 : i32
    %dma_wait3A_58 = arith.constant 0 : i32
    %dma_wait3A_59 = tpu.memref_slice %arg26[%dma_wait3A_57, %dma_wait3A_58] : memref<10240x128xf32, #tpu.memory_space<vmem_shared>> -> memref<120x128xf32, #tpu.memory_space<vmem_shared>>
    %dma_wait3A_60 = arith.constant 0 : i32
    %dma_wait3A_61 = arith.constant 0 : i32
    %dma_wait3A_62 = tpu.memref_slice %arg26[%dma_wait3A_60, %dma_wait3A_61] : memref<10240x128xf32, #tpu.memory_space<vmem_shared>> -> memref<120x128xf32, #tpu.memory_space<vmem_shared>>
    tpu.wait_dma2 semaphore(%arg45 : memref<!tpu.dma_semaphore, #tpu.memory_space<semaphore_mem>>) src(%arg12 : memref<120x128xf32, #tpu.memory_space<vmem>>) dst(%dma_wait3A_62 : memref<120x128xf32, #tpu.memory_space<vmem_shared>>)
    %dma_wait3A_63 = arith.constant 0 : i32
    %dma_wait3A_64 = tpu.memref_slice %arg27[%dma_wait3A_63] : memref<10240xf32, #tpu.memory_space<vmem_shared>> -> memref<120xf32, #tpu.memory_space<vmem_shared>>
    %dma_wait3A_65 = arith.constant 0 : i32
    %dma_wait3A_66 = tpu.memref_slice %arg27[%dma_wait3A_65] : memref<10240xf32, #tpu.memory_space<vmem_shared>> -> memref<120xf32, #tpu.memory_space<vmem_shared>>
    tpu.wait_dma2 semaphore(%arg48 : memref<!tpu.dma_semaphore, #tpu.memory_space<semaphore_mem>>) src(%arg25 : memref<120xf32, #tpu.memory_space<vmem>>) dst(%dma_wait3A_66 : memref<120xf32, #tpu.memory_space<vmem_shared>>)
    %barrier3A_67 = arith.constant 0 : index
    tpu.barrier barrier_id(%barrier3A_67)
    "tpu.region"() ({
      %run_scoped3A = tpu.sem_alloc : memref<!tpu.dma_semaphore, #tpu.memory_space<semaphore_mem>>
      %dma_start3A_71 = arith.constant 0 : i32
      %dma_start3A_72 = tpu.memref_slice %arg8[%arg0, %mul3A_2, %dma_start3A_71] : memref<2x10240x128xf32, #tpu.memory_space<hbm>> -> memref<1x640x128xf32, #tpu.memory_space<hbm>>
      %dma_start3A_73 = tpu.memref_squeeze %dma_start3A_72 : memref<1x640x128xf32, #tpu.memory_space<hbm>> -> memref<640x128xf32, #tpu.memory_space<hbm>>
      %dma_start3A_74 = arith.constant 0 : i32
      %dma_start3A_75 = tpu.memref_slice %arg26[%mul3A_2, %dma_start3A_74] : memref<10240x128xf32, #tpu.memory_space<vmem_shared>> -> memref<640x128xf32, #tpu.memory_space<vmem_shared>>
      tpu.enqueue_dma source(%dma_start3A_75 : memref<640x128xf32, #tpu.memory_space<vmem_shared>>) target(%dma_start3A_73 : memref<640x128xf32, #tpu.memory_space<hbm>>) target_semaphore(%run_scoped3A : memref<!tpu.dma_semaphore, #tpu.memory_space<semaphore_mem>>)
      %dma_wait3A_76 = arith.constant 0 : i32
      %dma_wait3A_77 = tpu.memref_slice %arg8[%arg0, %mul3A_2, %dma_wait3A_76] : memref<2x10240x128xf32, #tpu.memory_space<hbm>> -> memref<1x640x128xf32, #tpu.memory_space<hbm>>
      %dma_wait3A_78 = tpu.memref_squeeze %dma_wait3A_77 : memref<1x640x128xf32, #tpu.memory_space<hbm>> -> memref<640x128xf32, #tpu.memory_space<hbm>>
      %dma_wait3A_79 = arith.constant 0 : i32
      %dma_wait3A_80 = tpu.memref_slice %arg26[%mul3A_2, %dma_wait3A_79] : memref<10240x128xf32, #tpu.memory_space<vmem_shared>> -> memref<640x128xf32, #tpu.memory_space<vmem_shared>>
      tpu.wait_dma2 semaphore(%run_scoped3A : memref<!tpu.dma_semaphore, #tpu.memory_space<semaphore_mem>>) src(%dma_wait3A_80 : memref<640x128xf32, #tpu.memory_space<vmem_shared>>) dst(%dma_wait3A_78 : memref<640x128xf32, #tpu.memory_space<hbm>>)
      tpu.yield
    }) : () -> ()
    %mul3A_68 = arith.constant 10240 : i32
    %mul3A_69 = arith.muli %arg0, %mul3A_68 : i32
    %add3A_70 = arith.addi %mul3A_69, %mul3A_2 : i32
    "tpu.region"() ({
      %run_scoped3A = tpu.sem_alloc : memref<!tpu.dma_semaphore, #tpu.memory_space<semaphore_mem>>
      %dma_start3A_71 = tpu.memref_slice %arg9[%add3A_70] : memref<20480xf32, #tpu.memory_space<hbm>> -> memref<640xf32, #tpu.memory_space<hbm>>
      %dma_start3A_72 = tpu.memref_slice %arg27[%mul3A_2] : memref<10240xf32, #tpu.memory_space<vmem_shared>> -> memref<640xf32, #tpu.memory_space<vmem_shared>>
      tpu.enqueue_dma source(%dma_start3A_72 : memref<640xf32, #tpu.memory_space<vmem_shared>>) target(%dma_start3A_71 : memref<640xf32, #tpu.memory_space<hbm>>) target_semaphore(%run_scoped3A : memref<!tpu.dma_semaphore, #tpu.memory_space<semaphore_mem>>)
      %dma_wait3A_73 = tpu.memref_slice %arg9[%add3A_70] : memref<20480xf32, #tpu.memory_space<hbm>> -> memref<640xf32, #tpu.memory_space<hbm>>
      %dma_wait3A_74 = tpu.memref_slice %arg27[%mul3A_2] : memref<10240xf32, #tpu.memory_space<vmem_shared>> -> memref<640xf32, #tpu.memory_space<vmem_shared>>
      tpu.wait_dma2 semaphore(%run_scoped3A : memref<!tpu.dma_semaphore, #tpu.memory_space<semaphore_mem>>) src(%dma_wait3A_74 : memref<640xf32, #tpu.memory_space<vmem_shared>>) dst(%dma_wait3A_73 : memref<640xf32, #tpu.memory_space<hbm>>)
      tpu.yield
    }) : () -> ()
    return
  }
}

module attributes {stable_mosaic.version = 14 : i64} {
  func.func @_tc_layer1_body(%arg0: i32, %arg1: memref<2000x128xf32, #tpu.memory_space<vmem>>, %arg2: memref<2000x128xf32, #tpu.memory_space<vmem>>, %arg3: memref<2000x1xf32, #tpu.memory_space<vmem>>, %arg4: memref<2000x1xf32, #tpu.memory_space<vmem>>, %arg5: memref<2000x128xf32, #tpu.memory_space<vmem>>, %arg6: memref<128x128xf32, #tpu.memory_space<vmem>>, %arg7: memref<128x128xf32, #tpu.memory_space<vmem>>, %arg8: memref<128x128xf32, #tpu.memory_space<vmem>>, %arg9: memref<1x128xf32, #tpu.memory_space<vmem>>, %arg10: memref<2000x128xf32, #tpu.memory_space<vmem>>) attributes {dimension_semantics = [#tpu.dimension_semantics<arbitrary>], iteration_bounds = array<i64: 5>, scalar_prefetch = 0 : i64, scratch_operands = 0 : i64, tpu.core_type = #tpu.core_type<tc>, window_params = [{transform_indices = @transform_0, window_bounds = array<i64: 2000, 128>}, {transform_indices = @transform_1, window_bounds = array<i64: 2000, 128>}, {transform_indices = @transform_2, window_bounds = array<i64: 2000, 1>}, {transform_indices = @transform_3, window_bounds = array<i64: 2000, 1>}, {transform_indices = @transform_4, window_bounds = array<i64: 2000, 128>}, {pipeline_mode = #tpu.pipeline_mode<synchronous>, transform_indices = @transform_5, window_bounds = array<i64: 128, 128>}, {pipeline_mode = #tpu.pipeline_mode<synchronous>, transform_indices = @transform_6, window_bounds = array<i64: 128, 128>}, {pipeline_mode = #tpu.pipeline_mode<synchronous>, transform_indices = @transform_7, window_bounds = array<i64: 128, 128>}, {pipeline_mode = #tpu.pipeline_mode<synchronous>, transform_indices = @transform_8, window_bounds = array<i64: 1, 128>}, {transform_indices = @transform_9, window_bounds = array<i64: 2000, 128>}]} {
    %get3A = arith.constant 0 : index
    %get3A_0 = arith.constant 0 : index
    %get3A_1 = vector.load %arg1[%get3A, %get3A_0] : memref<2000x128xf32, #tpu.memory_space<vmem>>, vector<2000x128xf32>
    %get3A_2 = arith.constant 0 : index
    %get3A_3 = arith.constant 0 : index
    %get3A_4 = vector.load %arg2[%get3A_2, %get3A_3] : memref<2000x128xf32, #tpu.memory_space<vmem>>, vector<2000x128xf32>
    %add3A = arith.addf %get3A_1, %get3A_4 : vector<2000x128xf32>
    %get3A_5 = arith.constant 0 : index
    %get3A_6 = arith.constant 0 : index
    %get3A_7 = vector.load %arg5[%get3A_5, %get3A_6] : memref<2000x128xf32, #tpu.memory_space<vmem>>, vector<2000x128xf32>
    %add3A_8 = arith.addf %add3A, %get3A_7 : vector<2000x128xf32>
    %get3A_9 = arith.constant 0 : index
    %get3A_10 = arith.constant 0 : index
    %get3A_11 = vector.load %arg3[%get3A_9, %get3A_10] : memref<2000x1xf32, #tpu.memory_space<vmem>>, vector<2000x1xf32>
    %get3A_12 = arith.constant 0 : index
    %get3A_13 = arith.constant 0 : index
    %get3A_14 = vector.load %arg4[%get3A_12, %get3A_13] : memref<2000x1xf32, #tpu.memory_space<vmem>>, vector<2000x1xf32>
    %add3A_15 = arith.addf %get3A_11, %get3A_14 : vector<2000x1xf32>
    %add3A_16 = arith.constant 1.000000e+00 : f32
    %add3A_17 = vector.broadcast %add3A_16 : f32 to vector<2000x1xf32>
    %add3A_18 = arith.addf %add3A_15, %add3A_17 : vector<2000x1xf32>
    %div3A = vector.broadcast %add3A_18 : vector<2000x1xf32> to vector<2000x128xf32>
    %div3A_19 = arith.divf %add3A_8, %div3A : vector<2000x128xf32>
    %get3A_20 = arith.constant 0 : index
    %get3A_21 = arith.constant 0 : index
    %get3A_22 = vector.load %arg6[%get3A_20, %get3A_21] : memref<128x128xf32, #tpu.memory_space<vmem>>, vector<128x128xf32>
    %get3A_23 = arith.constant 0 : index
    %get3A_24 = arith.constant 0 : index
    %get3A_25 = vector.load %arg7[%get3A_23, %get3A_24] : memref<128x128xf32, #tpu.memory_space<vmem>>, vector<128x128xf32>
    %get3A_26 = arith.constant 0 : index
    %get3A_27 = arith.constant 0 : index
    %get3A_28 = vector.load %arg8[%get3A_26, %get3A_27] : memref<128x128xf32, #tpu.memory_space<vmem>>, vector<128x128xf32>
    %get3A_29 = arith.constant 0 : index
    %get3A_30 = arith.constant 0 : index
    %get3A_31 = vector.load %arg9[%get3A_29, %get3A_30] : memref<1x128xf32, #tpu.memory_space<vmem>>, vector<1x128xf32>
    %add3A_32 = arith.constant 1.000000e+00 : f32
    %add3A_33 = vector.broadcast %add3A_32 : f32 to vector<2000x128xf32>
    %add3A_34 = arith.addf %div3A_19, %add3A_33 : vector<2000x128xf32>
    %mul3A = arith.constant 5.000000e-01 : f32
    %mul3A_35 = vector.broadcast %mul3A : f32 to vector<2000x128xf32>
    %mul3A_36 = arith.mulf %add3A_34, %mul3A_35 : vector<2000x128xf32>
    %sub3A = arith.constant 1.000000e+00 : f32
    %sub3A_37 = vector.broadcast %sub3A : f32 to vector<2000x128xf32>
    %sub3A_38 = arith.subf %div3A_19, %sub3A_37 : vector<2000x128xf32>
    %mul3A_39 = arith.constant 5.000000e-01 : f32
    %mul3A_40 = vector.broadcast %mul3A_39 : f32 to vector<2000x128xf32>
    %mul3A_41 = arith.mulf %sub3A_38, %mul3A_40 : vector<2000x128xf32>
    %mul3A_42 = arith.mulf %mul3A_36, %mul3A_36 : vector<2000x128xf32>
    %neg3A = arith.constant 0.000000e+00 : f32
    %neg3A_43 = vector.broadcast %neg3A : f32 to vector<2000x128xf32>
    %neg3A_44 = arith.subf %neg3A_43, %mul3A_42 : vector<2000x128xf32>
    %exp3A = math.exp %neg3A_44 : vector<2000x128xf32>
    %mul3A_45 = arith.mulf %mul3A_41, %mul3A_41 : vector<2000x128xf32>
    %neg3A_46 = arith.constant 0.000000e+00 : f32
    %neg3A_47 = vector.broadcast %neg3A_46 : f32 to vector<2000x128xf32>
    %neg3A_48 = arith.subf %neg3A_47, %mul3A_45 : vector<2000x128xf32>
    %exp3A_49 = math.exp %neg3A_48 : vector<2000x128xf32>
    %neg3A_50 = arith.constant 0.000000e+00 : f32
    %neg3A_51 = vector.broadcast %neg3A_50 : f32 to vector<2000x128xf32>
    %neg3A_52 = arith.subf %neg3A_51, %div3A_19 : vector<2000x128xf32>
    %exp3A_53 = math.exp %neg3A_52 : vector<2000x128xf32>
    %add3A_54 = arith.constant 1.000000e+00 : f32
    %add3A_55 = vector.broadcast %add3A_54 : f32 to vector<2000x128xf32>
    %add3A_56 = arith.addf %add3A_55, %exp3A_53 : vector<2000x128xf32>
    %div3A_57 = arith.divf %div3A_19, %add3A_56 : vector<2000x128xf32>
    %dot_general3A = arith.constant dense<0.000000e+00> : vector<2000x128xf32>
    %dot_general3A_58 = tpu.matmul %exp3A, %get3A_22, %dot_general3A {dimension_numbers = #tpu.dot_dimension_numbers<[1], [0], [0], [1], [0, 0, 1, 1], [], []>, transpose_lhs_hint = false} : vector<2000x128xf32>, vector<128x128xf32>, vector<2000x128xf32> -> vector<2000x128xf32>
    %dot_general3A_59 = arith.constant dense<0.000000e+00> : vector<2000x128xf32>
    %dot_general3A_60 = tpu.matmul %exp3A_49, %get3A_25, %dot_general3A_59 {dimension_numbers = #tpu.dot_dimension_numbers<[1], [0], [0], [1], [0, 0, 1, 1], [], []>, transpose_lhs_hint = false} : vector<2000x128xf32>, vector<128x128xf32>, vector<2000x128xf32> -> vector<2000x128xf32>
    %add3A_61 = arith.addf %dot_general3A_58, %dot_general3A_60 : vector<2000x128xf32>
    %dot_general3A_62 = arith.constant dense<0.000000e+00> : vector<2000x128xf32>
    %dot_general3A_63 = tpu.matmul %div3A_57, %get3A_28, %dot_general3A_62 {dimension_numbers = #tpu.dot_dimension_numbers<[1], [0], [0], [1], [0, 0, 1, 1], [], []>, transpose_lhs_hint = false} : vector<2000x128xf32>, vector<128x128xf32>, vector<2000x128xf32> -> vector<2000x128xf32>
    %add3A_64 = arith.addf %add3A_61, %dot_general3A_63 : vector<2000x128xf32>
    %add3A_65 = vector.broadcast %get3A_31 : vector<1x128xf32> to vector<2000x128xf32>
    %add3A_66 = arith.addf %add3A_64, %add3A_65 : vector<2000x128xf32>
    %reduce_sum3A = arith.constant dense<0.000000e+00> : vector<2000xf32>
    %reduce_sum3A_67 = vector.multi_reduction <add>, %add3A_66, %reduce_sum3A [1] : vector<2000x128xf32> to vector<2000xf32>
    %broadcast_in_dim3A = vector.shape_cast %reduce_sum3A_67 : vector<2000xf32> to vector<2000x1xf32>
    %div3A_68 = arith.constant 1.280000e+02 : f32
    %div3A_69 = vector.broadcast %div3A_68 : f32 to vector<2000x1xf32>
    %div3A_70 = arith.divf %broadcast_in_dim3A, %div3A_69 : vector<2000x1xf32>
    %sub3A_71 = vector.broadcast %div3A_70 : vector<2000x1xf32> to vector<2000x128xf32>
    %sub3A_72 = arith.subf %add3A_66, %sub3A_71 : vector<2000x128xf32>
    %integer_pow3A = arith.mulf %sub3A_72, %sub3A_72 : vector<2000x128xf32>
    %reduce_sum3A_73 = arith.constant dense<0.000000e+00> : vector<2000xf32>
    %reduce_sum3A_74 = vector.multi_reduction <add>, %integer_pow3A, %reduce_sum3A_73 [1] : vector<2000x128xf32> to vector<2000xf32>
    %broadcast_in_dim3A_75 = vector.shape_cast %reduce_sum3A_74 : vector<2000xf32> to vector<2000x1xf32>
    %div3A_76 = arith.constant 1.280000e+02 : f32
    %div3A_77 = vector.broadcast %div3A_76 : f32 to vector<2000x1xf32>
    %div3A_78 = arith.divf %broadcast_in_dim3A_75, %div3A_77 : vector<2000x1xf32>
    %sub3A_79 = vector.broadcast %div3A_70 : vector<2000x1xf32> to vector<2000x128xf32>
    %sub3A_80 = arith.subf %add3A_66, %sub3A_79 : vector<2000x128xf32>
    %add3A_81 = arith.constant 9.99999974E-6 : f32
    %add3A_82 = vector.broadcast %add3A_81 : f32 to vector<2000x1xf32>
    %add3A_83 = arith.addf %div3A_78, %add3A_82 : vector<2000x1xf32>
    %rsqrt3A = math.rsqrt %add3A_83 : vector<2000x1xf32>
    %mul3A_84 = vector.broadcast %rsqrt3A : vector<2000x1xf32> to vector<2000x128xf32>
    %mul3A_85 = arith.mulf %sub3A_80, %mul3A_84 : vector<2000x128xf32>
    %swap3A = arith.constant 0 : index
    %swap3A_86 = arith.constant 0 : index
    %swap3A_87 = vector.load %arg10[%swap3A, %swap3A_86] : memref<2000x128xf32, #tpu.memory_space<vmem>>, vector<2000x128xf32>
    tpu.vector_store %arg10[%swap3A, %swap3A_86], %mul3A_85 {strides = array<i32>} : memref<2000x128xf32, #tpu.memory_space<vmem>>, vector<2000x128xf32>,
    return
  }
  func.func @transform_0(%arg0: i32) -> (i32, i32) {
    %c0_i32 = arith.constant 0 : i32
    %c0_i32_0 = arith.constant 0 : i32
    return %arg0, %c0_i32 : i32, i32
  }
  func.func @transform_1(%arg0: i32) -> (i32, i32) {
    %c0_i32 = arith.constant 0 : i32
    %c0_i32_0 = arith.constant 0 : i32
    return %arg0, %c0_i32 : i32, i32
  }
  func.func @transform_2(%arg0: i32) -> (i32, i32) {
    %c0_i32 = arith.constant 0 : i32
    %c0_i32_0 = arith.constant 0 : i32
    return %arg0, %c0_i32 : i32, i32
  }
  func.func @transform_3(%arg0: i32) -> (i32, i32) {
    %c0_i32 = arith.constant 0 : i32
    %c0_i32_0 = arith.constant 0 : i32
    return %arg0, %c0_i32 : i32, i32
  }
  func.func @transform_4(%arg0: i32) -> (i32, i32) {
    %c0_i32 = arith.constant 0 : i32
    %c0_i32_0 = arith.constant 0 : i32
    return %arg0, %c0_i32 : i32, i32
  }
  func.func @transform_5(%arg0: i32) -> (i32, i32) {
    %c0_i32 = arith.constant 0 : i32
    %c0_i32_0 = arith.constant 0 : i32
    %c0_i32_1 = arith.constant 0 : i32
    return %c0_i32, %c0_i32_0 : i32, i32
  }
  func.func @transform_6(%arg0: i32) -> (i32, i32) {
    %c0_i32 = arith.constant 0 : i32
    %c0_i32_0 = arith.constant 0 : i32
    %c0_i32_1 = arith.constant 0 : i32
    return %c0_i32, %c0_i32_0 : i32, i32
  }
  func.func @transform_7(%arg0: i32) -> (i32, i32) {
    %c0_i32 = arith.constant 0 : i32
    %c0_i32_0 = arith.constant 0 : i32
    %c0_i32_1 = arith.constant 0 : i32
    return %c0_i32, %c0_i32_0 : i32, i32
  }
  func.func @transform_8(%arg0: i32) -> (i32, i32) {
    %c0_i32 = arith.constant 0 : i32
    %c0_i32_0 = arith.constant 0 : i32
    %c0_i32_1 = arith.constant 0 : i32
    return %c0_i32, %c0_i32_0 : i32, i32
  }
  func.func @transform_9(%arg0: i32) -> (i32, i32) {
    %c0_i32 = arith.constant 0 : i32
    %c0_i32_0 = arith.constant 0 : i32
    return %arg0, %c0_i32 : i32, i32
  }
}

module attributes {stable_mosaic.version = 14 : i64} {
  func.func @_tc_layer23_body(%arg0: i32, %arg1: memref<2000x128xf32, #tpu.memory_space<vmem>>, %arg2: memref<2000x128xf32, #tpu.memory_space<vmem>>, %arg3: memref<2000x1xf32, #tpu.memory_space<vmem>>, %arg4: memref<2000x1xf32, #tpu.memory_space<vmem>>, %arg5: memref<2000x128xf32, #tpu.memory_space<vmem>>, %arg6: memref<128x128xf32, #tpu.memory_space<vmem>>, %arg7: memref<128x128xf32, #tpu.memory_space<vmem>>, %arg8: memref<128x128xf32, #tpu.memory_space<vmem>>, %arg9: memref<1x128xf32, #tpu.memory_space<vmem>>, %arg10: memref<128x128xf32, #tpu.memory_space<vmem>>, %arg11: memref<128x128xf32, #tpu.memory_space<vmem>>, %arg12: memref<128x128xf32, #tpu.memory_space<vmem>>, %arg13: memref<1x128xf32, #tpu.memory_space<vmem>>, %arg14: memref<2000x128xf32, #tpu.memory_space<vmem>>) attributes {dimension_semantics = [#tpu.dimension_semantics<arbitrary>], iteration_bounds = array<i64: 5>, scalar_prefetch = 0 : i64, scratch_operands = 0 : i64, tpu.core_type = #tpu.core_type<tc>, window_params = [{transform_indices = @transform_0, window_bounds = array<i64: 2000, 128>}, {transform_indices = @transform_1, window_bounds = array<i64: 2000, 128>}, {transform_indices = @transform_2, window_bounds = array<i64: 2000, 1>}, {transform_indices = @transform_3, window_bounds = array<i64: 2000, 1>}, {transform_indices = @transform_4, window_bounds = array<i64: 2000, 128>}, {pipeline_mode = #tpu.pipeline_mode<synchronous>, transform_indices = @transform_5, window_bounds = array<i64: 128, 128>}, {pipeline_mode = #tpu.pipeline_mode<synchronous>, transform_indices = @transform_6, window_bounds = array<i64: 128, 128>}, {pipeline_mode = #tpu.pipeline_mode<synchronous>, transform_indices = @transform_7, window_bounds = array<i64: 128, 128>}, {pipeline_mode = #tpu.pipeline_mode<synchronous>, transform_indices = @transform_8, window_bounds = array<i64: 1, 128>}, {pipeline_mode = #tpu.pipeline_mode<synchronous>, transform_indices = @transform_9, window_bounds = array<i64: 128, 128>}, {pipeline_mode = #tpu.pipeline_mode<synchronous>, transform_indices = @transform_10, window_bounds = array<i64: 128, 128>}, {pipeline_mode = #tpu.pipeline_mode<synchronous>, transform_indices = @transform_11, window_bounds = array<i64: 128, 128>}, {pipeline_mode = #tpu.pipeline_mode<synchronous>, transform_indices = @transform_12, window_bounds = array<i64: 1, 128>}, {transform_indices = @transform_13, window_bounds = array<i64: 2000, 128>}]} {
    %get3A = arith.constant 0 : index
    %get3A_0 = arith.constant 0 : index
    %get3A_1 = vector.load %arg1[%get3A, %get3A_0] : memref<2000x128xf32, #tpu.memory_space<vmem>>, vector<2000x128xf32>
    %get3A_2 = arith.constant 0 : index
    %get3A_3 = arith.constant 0 : index
    %get3A_4 = vector.load %arg2[%get3A_2, %get3A_3] : memref<2000x128xf32, #tpu.memory_space<vmem>>, vector<2000x128xf32>
    %add3A = arith.addf %get3A_1, %get3A_4 : vector<2000x128xf32>
    %get3A_5 = arith.constant 0 : index
    %get3A_6 = arith.constant 0 : index
    %get3A_7 = vector.load %arg5[%get3A_5, %get3A_6] : memref<2000x128xf32, #tpu.memory_space<vmem>>, vector<2000x128xf32>
    %add3A_8 = arith.addf %add3A, %get3A_7 : vector<2000x128xf32>
    %get3A_9 = arith.constant 0 : index
    %get3A_10 = arith.constant 0 : index
    %get3A_11 = vector.load %arg3[%get3A_9, %get3A_10] : memref<2000x1xf32, #tpu.memory_space<vmem>>, vector<2000x1xf32>
    %get3A_12 = arith.constant 0 : index
    %get3A_13 = arith.constant 0 : index
    %get3A_14 = vector.load %arg4[%get3A_12, %get3A_13] : memref<2000x1xf32, #tpu.memory_space<vmem>>, vector<2000x1xf32>
    %add3A_15 = arith.addf %get3A_11, %get3A_14 : vector<2000x1xf32>
    %add3A_16 = arith.constant 1.000000e+00 : f32
    %add3A_17 = vector.broadcast %add3A_16 : f32 to vector<2000x1xf32>
    %add3A_18 = arith.addf %add3A_15, %add3A_17 : vector<2000x1xf32>
    %div3A = vector.broadcast %add3A_18 : vector<2000x1xf32> to vector<2000x128xf32>
    %div3A_19 = arith.divf %add3A_8, %div3A : vector<2000x128xf32>
    %get3A_20 = arith.constant 0 : index
    %get3A_21 = arith.constant 0 : index
    %get3A_22 = vector.load %arg6[%get3A_20, %get3A_21] : memref<128x128xf32, #tpu.memory_space<vmem>>, vector<128x128xf32>
    %get3A_23 = arith.constant 0 : index
    %get3A_24 = arith.constant 0 : index
    %get3A_25 = vector.load %arg7[%get3A_23, %get3A_24] : memref<128x128xf32, #tpu.memory_space<vmem>>, vector<128x128xf32>
    %get3A_26 = arith.constant 0 : index
    %get3A_27 = arith.constant 0 : index
    %get3A_28 = vector.load %arg8[%get3A_26, %get3A_27] : memref<128x128xf32, #tpu.memory_space<vmem>>, vector<128x128xf32>
    %get3A_29 = arith.constant 0 : index
    %get3A_30 = arith.constant 0 : index
    %get3A_31 = vector.load %arg9[%get3A_29, %get3A_30] : memref<1x128xf32, #tpu.memory_space<vmem>>, vector<1x128xf32>
    %add3A_32 = arith.constant 1.000000e+00 : f32
    %add3A_33 = vector.broadcast %add3A_32 : f32 to vector<2000x128xf32>
    %add3A_34 = arith.addf %div3A_19, %add3A_33 : vector<2000x128xf32>
    %mul3A = arith.constant 5.000000e-01 : f32
    %mul3A_35 = vector.broadcast %mul3A : f32 to vector<2000x128xf32>
    %mul3A_36 = arith.mulf %add3A_34, %mul3A_35 : vector<2000x128xf32>
    %sub3A = arith.constant 1.000000e+00 : f32
    %sub3A_37 = vector.broadcast %sub3A : f32 to vector<2000x128xf32>
    %sub3A_38 = arith.subf %div3A_19, %sub3A_37 : vector<2000x128xf32>
    %mul3A_39 = arith.constant 5.000000e-01 : f32
    %mul3A_40 = vector.broadcast %mul3A_39 : f32 to vector<2000x128xf32>
    %mul3A_41 = arith.mulf %sub3A_38, %mul3A_40 : vector<2000x128xf32>
    %mul3A_42 = arith.mulf %mul3A_36, %mul3A_36 : vector<2000x128xf32>
    %neg3A = arith.constant 0.000000e+00 : f32
    %neg3A_43 = vector.broadcast %neg3A : f32 to vector<2000x128xf32>
    %neg3A_44 = arith.subf %neg3A_43, %mul3A_42 : vector<2000x128xf32>
    %exp3A = math.exp %neg3A_44 : vector<2000x128xf32>
    %mul3A_45 = arith.mulf %mul3A_41, %mul3A_41 : vector<2000x128xf32>
    %neg3A_46 = arith.constant 0.000000e+00 : f32
    %neg3A_47 = vector.broadcast %neg3A_46 : f32 to vector<2000x128xf32>
    %neg3A_48 = arith.subf %neg3A_47, %mul3A_45 : vector<2000x128xf32>
    %exp3A_49 = math.exp %neg3A_48 : vector<2000x128xf32>
    %neg3A_50 = arith.constant 0.000000e+00 : f32
    %neg3A_51 = vector.broadcast %neg3A_50 : f32 to vector<2000x128xf32>
    %neg3A_52 = arith.subf %neg3A_51, %div3A_19 : vector<2000x128xf32>
    %exp3A_53 = math.exp %neg3A_52 : vector<2000x128xf32>
    %add3A_54 = arith.constant 1.000000e+00 : f32
    %add3A_55 = vector.broadcast %add3A_54 : f32 to vector<2000x128xf32>
    %add3A_56 = arith.addf %add3A_55, %exp3A_53 : vector<2000x128xf32>
    %div3A_57 = arith.divf %div3A_19, %add3A_56 : vector<2000x128xf32>
    %dot_general3A = arith.constant dense<0.000000e+00> : vector<2000x128xf32>
    %dot_general3A_58 = tpu.matmul %exp3A, %get3A_22, %dot_general3A {dimension_numbers = #tpu.dot_dimension_numbers<[1], [0], [0], [1], [0, 0, 1, 1], [], []>, transpose_lhs_hint = false} : vector<2000x128xf32>, vector<128x128xf32>, vector<2000x128xf32> -> vector<2000x128xf32>
    %dot_general3A_59 = arith.constant dense<0.000000e+00> : vector<2000x128xf32>
    %dot_general3A_60 = tpu.matmul %exp3A_49, %get3A_25, %dot_general3A_59 {dimension_numbers = #tpu.dot_dimension_numbers<[1], [0], [0], [1], [0, 0, 1, 1], [], []>, transpose_lhs_hint = false} : vector<2000x128xf32>, vector<128x128xf32>, vector<2000x128xf32> -> vector<2000x128xf32>
    %add3A_61 = arith.addf %dot_general3A_58, %dot_general3A_60 : vector<2000x128xf32>
    %dot_general3A_62 = arith.constant dense<0.000000e+00> : vector<2000x128xf32>
    %dot_general3A_63 = tpu.matmul %div3A_57, %get3A_28, %dot_general3A_62 {dimension_numbers = #tpu.dot_dimension_numbers<[1], [0], [0], [1], [0, 0, 1, 1], [], []>, transpose_lhs_hint = false} : vector<2000x128xf32>, vector<128x128xf32>, vector<2000x128xf32> -> vector<2000x128xf32>
    %add3A_64 = arith.addf %add3A_61, %dot_general3A_63 : vector<2000x128xf32>
    %add3A_65 = vector.broadcast %get3A_31 : vector<1x128xf32> to vector<2000x128xf32>
    %add3A_66 = arith.addf %add3A_64, %add3A_65 : vector<2000x128xf32>
    %reduce_sum3A = arith.constant dense<0.000000e+00> : vector<2000xf32>
    %reduce_sum3A_67 = vector.multi_reduction <add>, %add3A_66, %reduce_sum3A [1] : vector<2000x128xf32> to vector<2000xf32>
    %broadcast_in_dim3A = vector.shape_cast %reduce_sum3A_67 : vector<2000xf32> to vector<2000x1xf32>
    %div3A_68 = arith.constant 1.280000e+02 : f32
    %div3A_69 = vector.broadcast %div3A_68 : f32 to vector<2000x1xf32>
    %div3A_70 = arith.divf %broadcast_in_dim3A, %div3A_69 : vector<2000x1xf32>
    %sub3A_71 = vector.broadcast %div3A_70 : vector<2000x1xf32> to vector<2000x128xf32>
    %sub3A_72 = arith.subf %add3A_66, %sub3A_71 : vector<2000x128xf32>
    %integer_pow3A = arith.mulf %sub3A_72, %sub3A_72 : vector<2000x128xf32>
    %reduce_sum3A_73 = arith.constant dense<0.000000e+00> : vector<2000xf32>
    %reduce_sum3A_74 = vector.multi_reduction <add>, %integer_pow3A, %reduce_sum3A_73 [1] : vector<2000x128xf32> to vector<2000xf32>
    %broadcast_in_dim3A_75 = vector.shape_cast %reduce_sum3A_74 : vector<2000xf32> to vector<2000x1xf32>
    %div3A_76 = arith.constant 1.280000e+02 : f32
    %div3A_77 = vector.broadcast %div3A_76 : f32 to vector<2000x1xf32>
    %div3A_78 = arith.divf %broadcast_in_dim3A_75, %div3A_77 : vector<2000x1xf32>
    %sub3A_79 = vector.broadcast %div3A_70 : vector<2000x1xf32> to vector<2000x128xf32>
    %sub3A_80 = arith.subf %add3A_66, %sub3A_79 : vector<2000x128xf32>
    %add3A_81 = arith.constant 9.99999974E-6 : f32
    %add3A_82 = vector.broadcast %add3A_81 : f32 to vector<2000x1xf32>
    %add3A_83 = arith.addf %div3A_78, %add3A_82 : vector<2000x1xf32>
    %rsqrt3A = math.rsqrt %add3A_83 : vector<2000x1xf32>
    %mul3A_84 = vector.broadcast %rsqrt3A : vector<2000x1xf32> to vector<2000x128xf32>
    %mul3A_85 = arith.mulf %sub3A_80, %mul3A_84 : vector<2000x128xf32>
    %get3A_86 = arith.constant 0 : index
    %get3A_87 = arith.constant 0 : index
    %get3A_88 = vector.load %arg10[%get3A_86, %get3A_87] : memref<128x128xf32, #tpu.memory_space<vmem>>, vector<128x128xf32>
    %get3A_89 = arith.constant 0 : index
    %get3A_90 = arith.constant 0 : index
    %get3A_91 = vector.load %arg11[%get3A_89, %get3A_90] : memref<128x128xf32, #tpu.memory_space<vmem>>, vector<128x128xf32>
    %get3A_92 = arith.constant 0 : index
    %get3A_93 = arith.constant 0 : index
    %get3A_94 = vector.load %arg12[%get3A_92, %get3A_93] : memref<128x128xf32, #tpu.memory_space<vmem>>, vector<128x128xf32>
    %get3A_95 = arith.constant 0 : index
    %get3A_96 = arith.constant 0 : index
    %get3A_97 = vector.load %arg13[%get3A_95, %get3A_96] : memref<1x128xf32, #tpu.memory_space<vmem>>, vector<1x128xf32>
    %add3A_98 = arith.constant 1.000000e+00 : f32
    %add3A_99 = vector.broadcast %add3A_98 : f32 to vector<2000x128xf32>
    %add3A_100 = arith.addf %mul3A_85, %add3A_99 : vector<2000x128xf32>
    %mul3A_101 = arith.constant 5.000000e-01 : f32
    %mul3A_102 = vector.broadcast %mul3A_101 : f32 to vector<2000x128xf32>
    %mul3A_103 = arith.mulf %add3A_100, %mul3A_102 : vector<2000x128xf32>
    %sub3A_104 = arith.constant 1.000000e+00 : f32
    %sub3A_105 = vector.broadcast %sub3A_104 : f32 to vector<2000x128xf32>
    %sub3A_106 = arith.subf %mul3A_85, %sub3A_105 : vector<2000x128xf32>
    %mul3A_107 = arith.constant 5.000000e-01 : f32
    %mul3A_108 = vector.broadcast %mul3A_107 : f32 to vector<2000x128xf32>
    %mul3A_109 = arith.mulf %sub3A_106, %mul3A_108 : vector<2000x128xf32>
    %mul3A_110 = arith.mulf %mul3A_103, %mul3A_103 : vector<2000x128xf32>
    %neg3A_111 = arith.constant 0.000000e+00 : f32
    %neg3A_112 = vector.broadcast %neg3A_111 : f32 to vector<2000x128xf32>
    %neg3A_113 = arith.subf %neg3A_112, %mul3A_110 : vector<2000x128xf32>
    %exp3A_114 = math.exp %neg3A_113 : vector<2000x128xf32>
    %mul3A_115 = arith.mulf %mul3A_109, %mul3A_109 : vector<2000x128xf32>
    %neg3A_116 = arith.constant 0.000000e+00 : f32
    %neg3A_117 = vector.broadcast %neg3A_116 : f32 to vector<2000x128xf32>
    %neg3A_118 = arith.subf %neg3A_117, %mul3A_115 : vector<2000x128xf32>
    %exp3A_119 = math.exp %neg3A_118 : vector<2000x128xf32>
    %neg3A_120 = arith.constant 0.000000e+00 : f32
    %neg3A_121 = vector.broadcast %neg3A_120 : f32 to vector<2000x128xf32>
    %neg3A_122 = arith.subf %neg3A_121, %mul3A_85 : vector<2000x128xf32>
    %exp3A_123 = math.exp %neg3A_122 : vector<2000x128xf32>
    %add3A_124 = arith.constant 1.000000e+00 : f32
    %add3A_125 = vector.broadcast %add3A_124 : f32 to vector<2000x128xf32>
    %add3A_126 = arith.addf %add3A_125, %exp3A_123 : vector<2000x128xf32>
    %div3A_127 = arith.divf %mul3A_85, %add3A_126 : vector<2000x128xf32>
    %dot_general3A_128 = arith.constant dense<0.000000e+00> : vector<2000x128xf32>
    %dot_general3A_129 = tpu.matmul %exp3A_114, %get3A_88, %dot_general3A_128 {dimension_numbers = #tpu.dot_dimension_numbers<[1], [0], [0], [1], [0, 0, 1, 1], [], []>, transpose_lhs_hint = false} : vector<2000x128xf32>, vector<128x128xf32>, vector<2000x128xf32> -> vector<2000x128xf32>
    %dot_general3A_130 = arith.constant dense<0.000000e+00> : vector<2000x128xf32>
    %dot_general3A_131 = tpu.matmul %exp3A_119, %get3A_91, %dot_general3A_130 {dimension_numbers = #tpu.dot_dimension_numbers<[1], [0], [0], [1], [0, 0, 1, 1], [], []>, transpose_lhs_hint = false} : vector<2000x128xf32>, vector<128x128xf32>, vector<2000x128xf32> -> vector<2000x128xf32>
    %add3A_132 = arith.addf %dot_general3A_129, %dot_general3A_131 : vector<2000x128xf32>
    %dot_general3A_133 = arith.constant dense<0.000000e+00> : vector<2000x128xf32>
    %dot_general3A_134 = tpu.matmul %div3A_127, %get3A_94, %dot_general3A_133 {dimension_numbers = #tpu.dot_dimension_numbers<[1], [0], [0], [1], [0, 0, 1, 1], [], []>, transpose_lhs_hint = false} : vector<2000x128xf32>, vector<128x128xf32>, vector<2000x128xf32> -> vector<2000x128xf32>
    %add3A_135 = arith.addf %add3A_132, %dot_general3A_134 : vector<2000x128xf32>
    %add3A_136 = vector.broadcast %get3A_97 : vector<1x128xf32> to vector<2000x128xf32>
    %add3A_137 = arith.addf %add3A_135, %add3A_136 : vector<2000x128xf32>
    %reduce_max3A = arith.constant dense<0xFF800000> : vector<2000xf32>
    %reduce_max3A_138 = vector.multi_reduction <maximumf>, %add3A_137, %reduce_max3A [1] : vector<2000x128xf32> to vector<2000xf32>
    %broadcast_in_dim3A_139 = vector.shape_cast %reduce_max3A_138 : vector<2000xf32> to vector<2000x1xf32>
    %sub3A_140 = vector.broadcast %broadcast_in_dim3A_139 : vector<2000x1xf32> to vector<2000x128xf32>
    %sub3A_141 = arith.subf %add3A_137, %sub3A_140 : vector<2000x128xf32>
    %exp3A_142 = math.exp %sub3A_141 : vector<2000x128xf32>
    %reduce_sum3A_143 = arith.constant dense<0.000000e+00> : vector<2000xf32>
    %reduce_sum3A_144 = vector.multi_reduction <add>, %exp3A_142, %reduce_sum3A_143 [1] : vector<2000x128xf32> to vector<2000xf32>
    %broadcast_in_dim3A_145 = vector.shape_cast %reduce_sum3A_144 : vector<2000xf32> to vector<2000x1xf32>
    %log3A = math.log %broadcast_in_dim3A_145 : vector<2000x1xf32>
    %add3A_146 = arith.addf %broadcast_in_dim3A_139, %log3A : vector<2000x1xf32>
    %sub3A_147 = vector.broadcast %add3A_146 : vector<2000x1xf32> to vector<2000x128xf32>
    %sub3A_148 = arith.subf %add3A_137, %sub3A_147 : vector<2000x128xf32>
    %swap3A = arith.constant 0 : index
    %swap3A_149 = arith.constant 0 : index
    %swap3A_150 = vector.load %arg14[%swap3A, %swap3A_149] : memref<2000x128xf32, #tpu.memory_space<vmem>>, vector<2000x128xf32>
    tpu.vector_store %arg14[%swap3A, %swap3A_149], %sub3A_148 {strides = array<i32>} : memref<2000x128xf32, #tpu.memory_space<vmem>>, vector<2000x128xf32>,
    return
  }
  func.func @transform_0(%arg0: i32) -> (i32, i32) {
    %c0_i32 = arith.constant 0 : i32
    %c0_i32_0 = arith.constant 0 : i32
    return %arg0, %c0_i32 : i32, i32
  }
  func.func @transform_1(%arg0: i32) -> (i32, i32) {
    %c0_i32 = arith.constant 0 : i32
    %c0_i32_0 = arith.constant 0 : i32
    return %arg0, %c0_i32 : i32, i32
  }
  func.func @transform_2(%arg0: i32) -> (i32, i32) {
    %c0_i32 = arith.constant 0 : i32
    %c0_i32_0 = arith.constant 0 : i32
    return %arg0, %c0_i32 : i32, i32
  }
  func.func @transform_3(%arg0: i32) -> (i32, i32) {
    %c0_i32 = arith.constant 0 : i32
    %c0_i32_0 = arith.constant 0 : i32
    return %arg0, %c0_i32 : i32, i32
  }
  func.func @transform_4(%arg0: i32) -> (i32, i32) {
    %c0_i32 = arith.constant 0 : i32
    %c0_i32_0 = arith.constant 0 : i32
    return %arg0, %c0_i32 : i32, i32
  }
  func.func @transform_5(%arg0: i32) -> (i32, i32) {
    %c0_i32 = arith.constant 0 : i32
    %c0_i32_0 = arith.constant 0 : i32
    %c0_i32_1 = arith.constant 0 : i32
    return %c0_i32, %c0_i32_0 : i32, i32
  }
  func.func @transform_6(%arg0: i32) -> (i32, i32) {
    %c0_i32 = arith.constant 0 : i32
    %c0_i32_0 = arith.constant 0 : i32
    %c0_i32_1 = arith.constant 0 : i32
    return %c0_i32, %c0_i32_0 : i32, i32
  }
  func.func @transform_7(%arg0: i32) -> (i32, i32) {
    %c0_i32 = arith.constant 0 : i32
    %c0_i32_0 = arith.constant 0 : i32
    %c0_i32_1 = arith.constant 0 : i32
    return %c0_i32, %c0_i32_0 : i32, i32
  }
  func.func @transform_8(%arg0: i32) -> (i32, i32) {
    %c0_i32 = arith.constant 0 : i32
    %c0_i32_0 = arith.constant 0 : i32
    %c0_i32_1 = arith.constant 0 : i32
    return %c0_i32, %c0_i32_0 : i32, i32
  }
  func.func @transform_9(%arg0: i32) -> (i32, i32) {
    %c0_i32 = arith.constant 0 : i32
    %c0_i32_0 = arith.constant 0 : i32
    %c0_i32_1 = arith.constant 0 : i32
    return %c0_i32, %c0_i32_0 : i32, i32
  }
  func.func @transform_10(%arg0: i32) -> (i32, i32) {
    %c0_i32 = arith.constant 0 : i32
    %c0_i32_0 = arith.constant 0 : i32
    %c0_i32_1 = arith.constant 0 : i32
    return %c0_i32, %c0_i32_0 : i32, i32
  }
  func.func @transform_11(%arg0: i32) -> (i32, i32) {
    %c0_i32 = arith.constant 0 : i32
    %c0_i32_0 = arith.constant 0 : i32
    %c0_i32_1 = arith.constant 0 : i32
    return %c0_i32, %c0_i32_0 : i32, i32
  }
  func.func @transform_12(%arg0: i32) -> (i32, i32) {
    %c0_i32 = arith.constant 0 : i32
    %c0_i32_0 = arith.constant 0 : i32
    %c0_i32_1 = arith.constant 0 : i32
    return %c0_i32, %c0_i32_0 : i32, i32
  }
  func.func @transform_13(%arg0: i32) -> (i32, i32) {
    %c0_i32 = arith.constant 0 : i32
    %c0_i32_0 = arith.constant 0 : i32
    return %arg0, %c0_i32 : i32, i32
  }
}

</mosaic_0001>

<sc_bundles>
// kernel: kernel.6.cloned.1.call-start
scs
__scs_entry_jumppad:
0x0: {  	(pc) =	sbr.rel $0x88, $3  }
0x1: {  	(tag) =	ssettag $0x0;
	lr =	simm.s32 $0x1  }
0x2: {  	[smem:$0x3F93] =	sst lr;
	_ =	strace $0xD0000000  }
0x3: {  	_ = 	snop  }
0x4: {  	_ = 	snop  }
0x5: {  	_ = 	snop  }
0x6: {  	_ = 	snop  }
0x7: {  	_ = 	snop  }
__scs_overlays_trampoline_lowered:
0x8: {  	[smem:$0x3FA2] =	sst s0  }
0x9: {  	[smem:$0x3FA3] =	sst s1  }
0xa: {  	[smem:$0x3FA4] =	sst s2  }
0xb: {  	[smem:$0x3FA5] =	sst s3  }
0xc: {  	[smem:$0x3FA6] =	sst s4  }
0xd: {  	[smem:$0x3FA7] =	sst s5  }
0xe: {  	[smem:$0x3FA8] =	sst s6  }
0xf: {  	[smem:$0x3FA9] =	sst s7  }
0x10: {  	[smem:$0x3FAA] =	sst s8  }
0x11: {  	[smem:$0x3FAB] =	sst s9;
	s0 =	simm.s32 @!p0 $0x0  }
0x12: {  	s1 =	sld [smem:$0x3F91];
	s0 =	simm.s32 @p0 $0x1  }
0x13: {  	[smem:$0x3FAC] =	sst s0;
	s0 =	simm.s32 @!p1 $0x0  }
0x14: {  	s2 =	sld [smem:$0x3F90];
	s0 =	simm.s32 @p1 $0x1  }
0x15: {  	[smem:$0x3FAD] =	sst s0;
	s0 =	simm.s32 @!p2 $0x0  }
0x16: {  	s3 =	sld [smem:$0x3FDB];
	s0 =	simm.s32 @p2 $0x1  }
0x17: {  	s4 =	simm.s32 $0x1BF5;
	[smem:$0x3FAF] =	sst s0  }
0x18: {  	s0 =	sld [smem:$0x3F92];
	_ =	swait.ge [sflag:s4], $0x0  }
0x19: {  	s7 =	sld [smem:$0x3F93]  }
0x1a: {  	s8 =	sadd.s32 $0xFFFFE003, lr  }
0x1b: {  	s9 =	sadd.s32 $0xFFFFFEF7, lr;
	s5 =	simm.s32 $0xFFFFFFFF;
	p2 =	slt.u32 s8, $0xFFFFF086  }
0x1c: {  	p1 =	slt.u32 s9, $0xF7A;
	s5 =	simm.s32 @!p2 $0x0  }
0x1d: {  	s5 =	simm.s32 @p1 $0x1;
	p0 =	seq.s32 s7, s2  }
0x1e: {  	s7 =	smul.u32 @!p0 $0xF7A, s2;
	p2 =	seq.s32 @!p0 s5, $0x0  }
0x1f: {  	s9 =	smul.u32 $0xF7A, s1;
	s8 =	simm.s32 @!p0 $0x1BF5;
	p2 =	por !p2, p0  }
0x20: {  	[sflag:s8] =	ssyncset.s32 @!p0 $0xFFFFF086;
	s6 =	sadd.s32 @!p0 s3, s7;
	s7 =	simm.s32 @!p0 $0x108  }
0x21: {  	s3 =	sadd.s32 s3, s9;
	s6 =	sadd.s32 @!p0 $0x88, s6;
	s7 =	simm.s32 @p2 $0x1082  }
0x22: {  	[simem:s7], [sflag:s8] =	dma.local @!p0 [hbm:s6], $0xF7A  }
0x23: {  	s9 =	sor.u32 $0xD0000000, s2;
	s6 =	simm.s32 $0x108;
	_ =	swait.ge @!p0 [sflag:s8], $0x0  }
0x24: {  	s3 =	sadd.s32 $0x88, s3;
	s6 =	simm.s32 @!p1 $0x1082;
	[sflag:s4] =	ssyncset.s32 $0xFFFFF086  }
0x25: {  	[simem:s6], [sflag:s4] =	dma.local [hbm:s3], $0xF7A  }
0x26: {  	[smem:$0x3F93] =	sst s1;
	(tag) =	ssettag s2;
	_ =	strace s9  }
0x27: {  	s1 =	sld [smem:$0x3FA3]  }
0x28: {  	s2 =	sld [smem:$0x3FA4]  }
0x29: {  	s4 =	sld [smem:$0x3FA6]  }
0x2a: {  	p0 =	seq.s32 s5, $0x0;
	s5 =	sld [smem:$0x3FA7]  }
0x2b: {  	s6 =	sld [smem:$0x3FA8]  }
0x2c: {  	s7 =	sld [smem:$0x3FA9]  }
0x2d: {  	s3 =	simm.s32 $0x108;
	s8 =	sld [smem:$0x3FAA]  }
0x2e: {  	s3 =	simm.s32 @!p0 $0x1082;
	s9 =	sld [smem:$0x3FAB]  }
0x2f: {  	lr =	sadd.s32 s0, s3;
	s0 =	sld [smem:$0x3FA2]  }
0x30: {  	s3 =	sld [smem:$0x3FA5]  }
0x31: {  	[smem:$0x3FAE] =	sst s10  }
0x32: {  	s10 =	sld [smem:$0x3FAC];
	_ =	sdelay $0x3  }
0x33: {  	p0 =	seq.s32 s10, $0x1;
	s10 =	sld [smem:$0x3FAE];
	_ =	sdelay $0x3  }
0x34: {  	[smem:$0x3FAE] =	sst s10  }
0x35: {  	s10 =	sld [smem:$0x3FAD];
	_ =	sdelay $0x3  }
0x36: {  	p1 =	seq.s32 s10, $0x1;
	s10 =	sld [smem:$0x3FAE];
	_ =	sdelay $0x3  }
0x37: {  	[smem:$0x3FAE] =	sst s10  }
0x38: {  	s10 =	sld [smem:$0x3FAF]  }
0x39: {  	_ = 	snop;
	(pc) =	sbr.ind lr, $3  }
0x3a: {  	_ = 	snop  }
0x3b: {  	_ = 	snop  }
0x3c: {  	p2 =	seq.s32 s10, $0x1;
	s10 =	sld [smem:$0x3FAE]  }
0x3d: {  	_ =	shalt  }
0x3e: {  	_ =	shalt  }
0x3f: {  	_ =	shalt  }
0x40: {  	_ =	shalt  }
0x41: {  	_ =	shalt  }
0x42: {  	_ =	shalt  }
0x43: {  	_ =	shalt  }
0x44: {  	_ =	shalt  }
0x45: {  	_ =	shalt  }
0x46: {  	_ =	shalt  }
0x47: {  	_ =	shalt  }
0x48: {  	_ =	shalt  }
0x49: {  	_ =	shalt  }
0x4a: {  	_ =	shalt  }
0x4b: {  	_ =	shalt  }
0x4c: {  	_ =	shalt  }
0x4d: {  	_ =	shalt  }
0x4e: {  	_ =	shalt  }
0x4f: {  	_ =	shalt  }
0x50: {  	_ =	shalt  }
0x51: {  	_ =	shalt  }
0x52: {  	_ =	shalt  }
0x53: {  	_ =	shalt  }
0x54: {  	_ =	shalt  }
0x55: {  	_ =	shalt  }
0x56: {  	_ =	shalt  }
0x57: {  	_ =	shalt  }
0x58: {  	_ =	shalt  }
0x59: {  	_ =	shalt  }
0x5a: {  	_ =	shalt  }
0x5b: {  	_ =	shalt  }
0x5c: {  	_ =	shalt  }
0x5d: {  	_ =	shalt  }
0x5e: {  	_ =	shalt  }
0x5f: {  	_ =	shalt  }
0x60: {  	_ =	shalt  }
0x61: {  	_ =	shalt  }
0x62: {  	_ =	shalt  }
0x63: {  	_ =	shalt  }
0x64: {  	_ =	shalt  }
0x65: {  	_ =	shalt  }
0x66: {  	_ =	shalt  }
0x67: {  	_ =	shalt  }
0x68: {  	_ =	shalt  }
0x69: {  	_ =	shalt  }
0x6a: {  	_ =	shalt  }
0x6b: {  	_ =	shalt  }
0x6c: {  	_ =	shalt  }
0x6d: {  	_ =	shalt  }
0x6e: {  	_ =	shalt  }
0x6f: {  	_ =	shalt  }
0x70: {  	_ =	shalt  }
0x71: {  	_ =	shalt  }
0x72: {  	_ =	shalt  }
0x73: {  	_ =	shalt  }
0x74: {  	_ =	shalt  }
0x75: {  	_ =	shalt  }
0x76: {  	_ =	shalt  }
0x77: {  	_ =	shalt  }
0x78: {  	_ =	shalt  }
0x79: {  	_ =	shalt  }
0x7a: {  	_ =	shalt  }
0x7b: {  	_ =	shalt  }
0x7c: {  	_ =	shalt  }
0x7d: {  	_ =	shalt  }
0x7e: {  	_ =	shalt  }
0x7f: {  	_ =	shalt  }
0x80: {  	_ =	shalt  }
0x81: {  	_ =	shalt  }
0x82: {  	_ =	shalt  }
0x83: {  	_ =	shalt  }
0x84: {  	_ =	shalt  }
0x85: {  	_ =	shalt  }
0x86: {  	_ =	shalt  }
0x87: {  	_ =	shalt  }
.Lfunc_end0:
.L_simem_size_0:
called_computation_lowered:
.L_overlay_start_0:
0x88: {  	s2 =	sld [smem:$0x3FD9]  }
0x89: {  	s3 =	sld [smem:$0x3FFE];
	_ =	sdelay $0x1  }
0x8a: {  	s1 =	srdreg.scid  }
0x8b: {  	s0 =	sand.u32 $0x1, s1  }
0x8c: {  	s17 =	sshll.u32 s0, $0xA;
	s2 =	sadd.s32 s3, s2  }
0x8d: {  	s2 =	sadd.s32 s2, s17  }
0x8e: {  	[smem:$0x3FBA] =	sst s2  }
0x8f: {  	_ = 	snop  }
0x90: {  	s2 =	sld [smem:$0x3FC9]  }
0x91: {  	s18 =	sld [smem:$0x3FD0];
	(tm) =	ssettm $0x1  }
0x92: {  	s4 =	sld [smem:$0x3FFB];
	_ =	sdelay $0x3  }
0x93: {  	_ =	strace s4  }
0x94: {  	s4 =	sld [smem:$0x3FFC];
	_ =	sdelay $0x3  }
0x95: {  	_ =	strace s4  }
0x96: {  	s4 =	sld [smem:$0x3FFD];
	_ =	sdelay $0x3  }
0x97: {  	_ =	strace s4  }
0x98: {  	_ =	strace $0x8FFFFFFF  }
0x99: {  	s19 =	sld [smem:$0x3FDB];
	_ =	sdelay $0x1  }
0x9a: {  	s5 =	simm.s32 $_scs_section_size  }
0x9b: {  	s6 =	simm.s32 $_size__tile_overlayer_lowered;
	s7 =	simm.s32 $_tile_overlayer_lowered  }
0x9c: {  	s22 =	simm.s32 $0x1BFF;
	s21 =	sshll.u32 s7, $0x1;
	s4 =	sadd.s32 s5, s19  }
0x9d: {  	s8 =	simm.s32 $0x0;
	s20 =	sshll.u32 s6, $0x1;
	s6 =	sadd.s32 s21, s4  }
0x9e: {  	[timem:s8], [sflag:s22] =	dma.local [hbm:s6], s20  }
0x9f: {  	_ =	swait.ge [sflag:s22], s20  }
0xa0: {  	s5 =	ssub.s32 $0x0, s20;
	[sflag:s22] =	ssyncset.done $0x0  }
0xa1: {  	[sflag:s22] =	ssyncadd.s32 s5;
	_ =	sdelay $0x1  }
0xa2: {  	s23 =	simm.s32 $0x1B8B  }
0xa3: {  	_ =	swait.ge [sflag:s23], $0x1  }
0xa4: {  	[sflag:s23] =	ssyncset.done $0x0  }
0xa5: {  	s25 =	simm.s32 $0x1B8E;
	s24 =	sld [smem:$0x3FFE];
	[sflag:s23] =	ssyncadd.s32 $0xFFFFFFFF  }
0xa6: {  	s26 =	simm.s32 $execute0_lowered;
	[smem:$0x3FD2] =	sst s25  }
0xa7: {  	s6 =	sshll.u32 s26, $0x1;
	_ =	strace $0x80000046;
	[dreg:$0x1] =	wrdreg $0xFFFFFFFF  }
0xa8: {  	s28 =	simm.s32 $_size_execute0_lowered;
	s4 =	sadd.s32 s4, s6;
	[dreg:$0x0] =	wrdreg $0x0  }
0xa9: {  	s6 =	sshll.u32 s28, $0x1;
	[dreg:$0x2] =	wrdreg s4  }
0xaa: {  	[dreg:$0x3] =	wrdreg s6  }
0xab: {  	[dreg:$0x4] =	wrdreg $0xC0  }
0xac: {  	_ =	task [dreg:s8], $0x5FFFF  }
0xad: {  	[dreg:$0x1] =	wrdreg $0xFFFFFFFF  }
0xae: {  	[dreg:$0x0] =	wrdreg $0x60  }
0xaf: {  	[dreg:$0x2] =	wrdreg s2  }
0xb0: {  	[dreg:$0x3] =	wrdreg s24  }
0xb1: {  	[dreg:$0x4] =	wrdreg s18  }
0xb2: {  	[dreg:$0x5] =	wrdreg $0xBA800  }
0xb3: {  	[dreg:$0x6] =	wrdreg $0x1FA800  }
0xb4: {  	[dreg:$0x7] =	wrdreg $0x9  }
0xb5: {  	_ =	task.clear_ibuf [dreg:s8], $0x8FFFF;
	_ =	strace $0x90000046  }
0xb6: {  	s29 =	simm.s32 $0x9;
	_ =	strace $0x80000048  }
0xb7: {  	_ =	swait.ge [sflag:s29], $0x1  }
0xb8: {  	[sflag:s29] =	ssyncadd.s32 $0xFFFFFFFF  }
0xb9: {  	_ =	strace $0x90000048  }
0xba: {  	_ =	sfence  }
0xbb: {  	s30 =	sld [smem:$0x0];
	_ =	sdelay $0x2  }
0xbc: {  	s31 =	sshll.u32 s1, $0xD;
	s1 =	sshrl.u32 s1, $0x2  }
0xbd: {  	s3 =	sand.u32 $0x4000, s31;
	s1 =	sadd.s32 s1, s30  }
0xbe: {  	s0 =	sor.u32 s3, s0;
	s1 =	sshll.u32 s1, $0x11  }
0xbf: {  	s0 =	sor.u32 s1, s0  }
0xc0: {  	s0 =	sadd.s32 $0x8F2B, s0  }
0xc1: {  	[sflag:s0] =	ssyncadd.remote.s32 $0x1  }
0xc2: {  	_ =	sfence.sel $0xFFFF  }
0xc3: {  	[dreg:$0x0] =	wrdreg $0xFFFFFFFF;
	(pc) =	sbr.abs _section_cstart, $3  }
0xc4: {  	[dreg:$0x1] =	wrdreg $0xFFFFFFFF  }
0xc5: {  	_ =	task.clear_ibuf [dreg:s8], $0x2FFFF;
	_ =	strace $0x9FFFFFFF  }
0xc6: {  	(tm) =	ssettm $0x7FFFFFFF  }
0xc7: {  	_ =	shalt  }
tec
execute0_lowered:
.L_overlay_start_1:
0x0: {  	(tag) =	ssettag $0x1  }
0x1: {  	s1 =	rddreg [dreg:$0x0]  }
0x2: {  	s0 =	rddreg [dreg:$0x1]  }
0x3: {  	s5 =	rddreg [dreg:$0x2]  }
0x4: {  	s2 =	rddreg [dreg:$0x3]  }
0x5: {  	s3 =	rddreg [dreg:$0x4]  }
0x6: {  	s4 =	simm.s32 $0x0;
	s6 =	srdreg.scid;
	s16 =	stileid.u32  }
0x7: {  	s29 =	simm.s32 $0x14;
	[smem:$0x7FF] =	sst s4;
	s6 =	sand.u32 $0x1, s6  }
0x8: {  	s7 =	sadd.s32 $0x3A00, s0;
	s9 =	sadd.s32 $0xD800, s0;
	s20 =	smul.u32 $0x14000, s16  }
0x9: {  	s10 =	sadd.s32 $0x17600, s0;
	s11 =	sadd.s32 $0x19E00, s0;
	s24 =	smul.u32 $0x50000, s16  }
0xa: {  	s26 =	smul.u32 $0x280, s16;
	_ =	strace $0x80000047;
	[dreg:$0x6] =	wrdreg s10  }
0xb: {  	s21 =	sadd.s32 $0x1A000, s0;
	s8 =	smul.u32 $0x140000, s6;
	[dreg:$0x7] =	wrdreg s11  }
0xc: {  	s22 =	sshll.u32 s16, $0x1;
	[dreg:$0x8] =	wrdreg s21;
	s15 =	smul.u32 $0x2800, s6  }
0xd: {  	s23 =	sor.u32 s6, s22;
	s12 =	ssub.s32 $0x2, s6;
	s6 =	smul.u32 $0x4EC, s6  }
0xe: {  	s13 =	smul.u32 $0x4EC, s23;
	s25 =	sshrl.u32 s12, $0x1;
	s11 =	sshrl.u32 s24, $0x2  }
0xf: {  	s10 =	smul.u32 $0x2760, s23;
	s8 =	sadd.s32 s20, s8;
	s11 =	sadd.s32 s11, s2  }
0x10: {  	s19 =	sadd.s32 s26, s15;
	s20 =	smul.u32 $0x9D8, s16;
	s26 =	sadd.s32 s26, s3  }
0x11: {  	s15 =	simm.s32 $0x7800;
	s8 =	sshrl.u32 s8, $0x3;
	[dreg:$0x9] =	wrdreg s11  }
0x12: {  	s28 =	sadd.s32 s7, s13;
	s30 =	sadd.s32 $0x78, s10;
	s14 =	sshrl.u32 s10, $0x3  }
0x13: {  	s13 =	sadd.s32 s9, s13;
	s10 =	sadd.s32 $0x168, s10;
	[dreg:$0x14] =	wrdreg s26  }
0x14: {  	s26 =	simm.s32 $0xBA00;
	s0 =	sadd.s32 s8, s0;
	[dreg:$0xa] =	wrdreg s28  }
0x15: {  	s8 =	ssub.s32 s12, s25;
	s11 =	sshrl.u32 s30, $0x3;
	[dreg:$0xb] =	wrdreg s13  }
0x16: {  	s17 =	sadd.s32 $0x1E, s14;
	s10 =	sshrl.u32 s10, $0x3;
	s23 =	sadd.s32 s20, s7  }
0x17: {  	s24 =	sadd.s32 s20, s9;
	s25 =	sshll.u32 s16, $0x6;
	s31 =	sadd.s32 s7, s11  }
0x18: {  	s14 =	simm.s32 $0x16;
	s11 =	sadd.s32 s9, s11;
	[dreg:$0xc] =	wrdreg s31  }
0x19: {  	s12 =	simm.s32 $0x1;
	s18 =	sadd.s32 s7, s17;
	[dreg:$0xd] =	wrdreg s11  }
0x1a: {  	s16 =	simm.s32 $0xB880;
	s13 =	sadd.s32 s9, s17;
	[dreg:$0xe] =	wrdreg s18  }
0x1b: {  	s21 =	sadd.s32 s7, s10;
	s22 =	sadd.s32 s9, s10;
	[dreg:$0xf] =	wrdreg s13  }
0x1c: {  	s0 =	sadd.s32 $0x1A200, s0;
	s28 =	smax.u32 s8, $0x1;
	[dreg:$0x11] =	wrdreg s21  }
0x1d: {  	s30 =	sadd.s32 s6, s23;
	s8 =	simm.s32 $0xB700;
	[dreg:$0x12] =	wrdreg s22  }
0x1e: {  	s7 =	simm.s32 $0xB780;
	s10 =	simm.s32 $0xB800;
	[dreg:$0x15] =	wrdreg s0  }
0x1f: {  	s9 =	simm.s32 $0x78;
	s23 =	simm.s32 $0xB900;
	[dreg:$0x16] =	wrdreg s28  }
0x20: {  	s11 =	sshrl.u32 s19, $0x3;
	s13 =	sor.u32 $0x1C16, s25;
	[dreg:$0x17] =	wrdreg s30  }
.Ltmp0:
0x21: {  	s31 =	sadd.s32 s6, s24;
	s19 =	simm.s32 $0xB580;
	(pc) =	sbr.rel .LBB2_1-.Ltmp0, $4  }
0x22: {  	s24 =	simm.s32 $0x3C00;
	s18 =	simm.s32 $0x2;
	s21 =	simm.s32 $0x10  }
0x23: {  	s22 =	simm.s32 $0x13;
	s25 =	simm.s32 $0x3;
	[dreg:$0x18] =	wrdreg s31  }
0x24: {  	s0 =	simm.s32 $0x11;
	s5 =	sadd.s32 s5, s11;
	[dreg:$0x13] =	wrdreg s13  }
0x25: {  	s11 =	simm.s32 $0x0;
	[dreg:$0x10] =	wrdreg s5;
	s5 =	simm.s32 $0xB880  }
.LBB2_4:
0x26: {  	s5 =	simm.s32 $0x12  }
0x27: {  	_ =	swait.ge [sflag:s5], $0x3C00  }
0x28: {  	[sflag:s5] =	ssyncset.done $0x0  }
0x29: {  	s19 =	simm.s32 $0x15;
	[sflag:s5] =	ssyncadd.s32 $0xFFFFC400  }
0x2a: {  	_ =	swait.ge [sflag:s19], $0x78  }
0x2b: {  	[sflag:s19] =	ssyncset.done $0x0  }
0x2c: {  	[sflag:s19] =	ssyncadd.s32 $0xFFFFFF88  }
0x2d: {  	[bflag:$0x0] =	sbarrier.arrive $0xFFFF  }
0x2e: {  	s13 =	rddreg [dreg:$0x13]  }
0x2f: {  	s6 =	rddreg [dreg:$0x15]  }
0x30: {  	s14 =	simm.s32 $0x16;
	s20 =	rddreg [dreg:$0x1a]  }
0x31: {  	[hbm:s6], [sflag:s13] =	dma.local [spmem:s20], $0x2800  }
0x32: {  	_ =	swait.ge [sflag:s14], $0x2800  }
0x33: {  	[sflag:s14] =	ssyncset.done $0x0;
	s28 =	rddreg [dreg:$0x10]  }
0x34: {  	s30 =	rddreg [dreg:$0x1b];
	[sflag:s14] =	ssyncadd.s32 $0xFFFFD800  }
0x35: {  	[hbm:s28], [sflag:s13] =	dma.local [spmem:s30], $0x50  }
0x36: {  	_ =	swait.ge [sflag:s14], $0x50  }
0x37: {  	s11 =	rddreg [dreg:$0x19]  }
0x38: {  	s31 =	rddreg [dreg:$0x16];
	s11 =	sadd.s32 $0x1, s11  }
0x39: {  	p0 =	sne.s32 s11, s31  }
.Ltmp1:
0x3a: {  	_ = 	snop;
	(pc) =	sbr.rel @!p0 .LBB2_5-.Ltmp1, $3  }
0x3b: {  	_ =	sdelay $0x1  }
0x3c: {  	[sflag:s14] =	ssyncset.done $0x0  }
0x3d: {  	s5 =	simm.s32 $0xB880;
	s19 =	simm.s32 $0xB580;
	[sflag:s14] =	ssyncadd.s32 $0xFFFFFFB0  }
.LBB2_1:
0x3e: {  	[dreg:$0x19] =	wrdreg s11  }
0x3f: {  	s6 =	rddreg [dreg:$0x9]  }
0x40: {  	s20 =	rddreg [dreg:$0x6];
	s17 =	sshrl.u32 s6, $0x3  }
0x41: {  	[dreg:$0x1a] =	wrdreg s17  }
0x42: {  	[spmem:s17], [sflag:s13] =	dma.local [hbm:s20], $0x2800  }
0x43: {  	_ =	swait.ge [sflag:s14], $0x2800  }
0x44: {  	s28 =	rddreg [dreg:$0x14]  }
0x45: {  	[sflag:s14] =	ssyncset.done $0x0;
	s31 =	rddreg [dreg:$0x7];
	s30 =	sshrl.u32 s28, $0x3  }
0x46: {  	[sflag:s14] =	ssyncadd.s32 $0xFFFFD800;
	[dreg:$0x1b] =	wrdreg s30  }
0x47: {  	[spmem:s30], [sflag:s13] =	dma.local [hbm:s31], $0x50  }
0x48: {  	_ =	swait.ge [sflag:s14], $0x50  }
0x49: {  	[sflag:s14] =	ssyncset.done $0x0  }
0x4a: {  	s17 =	rddreg [dreg:$0x8];
	[sflag:s14] =	ssyncadd.s32 $0xFFFFFFB0  }
0x4b: {  	[tilespmem:s26], [sflag:$0x16] =	stream.linear.gather [hbm4b:s17+s4], $0x80, $0x38;
	[tilespmem:$0x1FD00] =	vst v63  }
0x4c: {  	_ =	swait.ge [sflag:s14], $0x80  }
0x4d: {  	[sflag:s14] =	ssyncset.done $0x0  }
0x4e: {  	[sflag:s14] =	ssyncadd.s32 $0xFFFFFF80  }
0x4f: {  	[bflag:$0x0] =	sbarrier.arrive $0xFFFF  }
0x50: {  	s13 =	simm.s32 $0xB400;
	s20 =	rddreg [dreg:$0xa]  }
0x51: {  	[tilespmem:s13], [sflag:$0x4] =	stream.linear.gather [hbm4b:s20+s4], $0x78, $0x38;
	[tilespmem:$0x1FD00] =	vst v63  }
0x52: {  	s28 =	rddreg [dreg:$0xb]  }
0x53: {  	[tilespmem:s8], [sflag:$0xA] =	stream.linear.gather [hbm4b:s28+s4], $0x78, $0x38;
	[tilespmem:$0x1FD00] =	vst v63  }
0x54: {  	s30 =	rddreg [dreg:$0xc];
	s8 =	simm.s32 $0xB480  }
0x55: {  	[tilespmem:s8], [sflag:$0x5] =	stream.linear.gather [hbm4b:s30+s4], $0x78, $0x38;
	[tilespmem:$0x1FD00] =	vst v63  }
0x56: {  	s31 =	rddreg [dreg:$0xd]  }
0x57: {  	[tilespmem:s7], [sflag:$0xB] =	stream.linear.gather [hbm4b:s31+s4], $0x78, $0x38;
	[tilespmem:$0x1FD00] =	vst v63  }
0x58: {  	s14 =	simm.s32 $0xB500;
	s11 =	rddreg [dreg:$0xe]  }
0x59: {  	[tilespmem:s14], [sflag:$0x6] =	stream.linear.gather [hbm4b:s11+s4], $0x78, $0x38;
	[tilespmem:$0x1FD00] =	vst v63  }
0x5a: {  	s17 =	rddreg [dreg:$0xf]  }
0x5b: {  	[tilespmem:s10], [sflag:$0xC] =	stream.linear.gather [hbm4b:s17+s4], $0x78, $0x38;
	[tilespmem:$0x1FD00] =	vst v63  }
0x5c: {  	s20 =	rddreg [dreg:$0x11]  }
0x5d: {  	[tilespmem:s19], [sflag:$0x7] =	stream.linear.gather [hbm4b:s20+s4], $0x78, $0x38;
	[tilespmem:$0x1FD00] =	vst v63  }
0x5e: {  	s28 =	rddreg [dreg:$0x12];
	s30 =	simm.s32 $0x4  }
0x5f: {  	[tilespmem:s5], [sflag:$0xD] =	stream.linear.gather [hbm4b:s28+s4], $0x78, $0x38;
	[tilespmem:$0x1FD00] =	vst v63  }
0x60: {  	_ =	swait.ge [sflag:s30], $0x78  }
0x61: {  	[sflag:s30] =	ssyncset.done $0x0  }
0x62: {  	s31 =	simm.s32 $0x5;
	[sflag:s30] =	ssyncadd.s32 $0xFFFFFF88  }
0x63: {  	[tilespmem:s4], [sflag:$0x1] =	stream.indirect.gather [hbm4b:s1+s9], $0x80, s13, s9, $0xb8;
	[tilespmem:$0x1FD00] =	vst v63  }
0x64: {  	_ =	swait.ge [sflag:s31], $0x78  }
0x65: {  	[sflag:s31] =	ssyncset.done $0x0  }
0x66: {  	s13 =	simm.s32 $0x0;
	[sflag:s31] =	ssyncadd.s32 $0xFFFFFF88  }
0x67: {  	[tilespmem:s24], [sflag:$0x2] =	stream.indirect.gather [hbm4b:s1+s9], $0x80, s8, s9, $0xb8;
	[tilespmem:$0x1FD00] =	vst v63  }
.LBB2_2:
0x68: {  	_ =	swait.ge [sflag:s12], $0x3C00  }
0x69: {  	[sflag:s12] =	ssyncset.done $0x0  }
0x6a: {  	s5 =	simm.s32 $0xA;
	[sflag:s12] =	ssyncadd.s32 $0xFFFFC400  }
0x6b: {  	_ =	swait.ge [sflag:s5], $0x78  }
0x6c: {  	[sflag:s5] =	ssyncset.done $0x0  }
0x6d: {  	s6 =	simm.s32 $0xB700;
	p0 =	seq.s32 s13, $0x0;
	[sflag:s5] =	ssyncadd.s32 $0xFFFFFF88  }
0x6e: {  	[spmem:s2] =	stream.indirect.scatter.add.f32 [tilespmem:s4], [sflag:$0x10], $0x80, s6, s9, $0xb8;
	[tilespmem:$0x1FD00] =	vst v63  }
0x6f: {  	s14 =	simm.s32 @!p0 $0x12  }
0x70: {  	[spmem:s3] =	stream.indirect.scatter.add.f32 [tilespmem:s26], [sflag:$0x13], $0x1, s6, s9, $0xb8;
	[tilespmem:$0x1FD00] =	vst v63  }
0x71: {  	_ =	swait.ge @!p0 [sflag:s14], $0x3C00  }
0x72: {  	[sflag:s14] =	ssyncset.done @!p0 $0x0  }
0x73: {  	[sflag:s14] =	ssyncadd.s32 @!p0 $0xFFFFC400;
	s14 =	simm.s32 @!p0 $0x15  }
0x74: {  	_ =	swait.ge @!p0 [sflag:s14], $0x78  }
0x75: {  	[sflag:s14] =	ssyncset.done @!p0 $0x0  }
0x76: {  	s7 =	simm.s32 $0x6;
	[sflag:s14] =	ssyncadd.s32 @!p0 $0xFFFFFF88  }
0x77: {  	_ =	swait.ge [sflag:s7], $0x78  }
0x78: {  	[sflag:s7] =	ssyncset.done $0x0;
	s28 =	rddreg [dreg:$0x17]  }
0x79: {  	s10 =	simm.s32 $0xB500;
	[sflag:s7] =	ssyncadd.s32 $0xFFFFFF88;
	s14 =	sadd.s32 s13, s28  }
0x7a: {  	[tilespmem:s15], [sflag:$0x3] =	stream.indirect.gather [hbm4b:s1+s9], $0x80, s10, s9, $0xb8;
	[tilespmem:$0x1FD00] =	vst v63  }
0x7b: {  	s5 =	simm.s32 $0xB600;
	s31 =	rddreg [dreg:$0x18];
	s17 =	sadd.s32 $0x3C, s14  }
0x7c: {  	[tilespmem:s5], [sflag:$0x8] =	stream.linear.gather [hbm4b:s17+s4], $0x78, $0x38;
	[tilespmem:$0x1FD00] =	vst v63  }
0x7d: {  	s17 =	sadd.s32 s13, s31  }
0x7e: {  	s20 =	sadd.s32 $0x3C, s17  }
0x7f: {  	[tilespmem:s23], [sflag:$0xE] =	stream.linear.gather [hbm4b:s20+s4], $0x78, $0x38;
	[tilespmem:$0x1FD00] =	vst v63  }
0x80: {  	_ =	swait.ge [sflag:s18], $0x3C00  }
0x81: {  	[sflag:s18] =	ssyncset.done $0x0  }
0x82: {  	s11 =	simm.s32 $0xB;
	[sflag:s18] =	ssyncadd.s32 $0xFFFFC400  }
0x83: {  	_ =	swait.ge [sflag:s11], $0x78  }
0x84: {  	[sflag:s11] =	ssyncset.done $0x0  }
0x85: {  	s20 =	simm.s32 $0xB780;
	[sflag:s11] =	ssyncadd.s32 $0xFFFFFF88  }
0x86: {  	[spmem:s2] =	stream.indirect.scatter.add.f32 [tilespmem:s24], [sflag:$0x11], $0x80, s20, s9, $0xb8;
	[tilespmem:$0x1FD00] =	vst v63  }
0x87: {  	_ = 	snop  }
0x88: {  	[spmem:s3] =	stream.indirect.scatter.add.f32 [tilespmem:s26], [sflag:$0x14], $0x1, s20, s9, $0xb8;
	[tilespmem:$0x1FD00] =	vst v63  }
0x89: {  	_ =	swait.ge [sflag:s21], $0x3C00  }
0x8a: {  	[sflag:s21] =	ssyncset.done $0x0  }
0x8b: {  	[sflag:s21] =	ssyncadd.s32 $0xFFFFC400  }
0x8c: {  	_ =	swait.ge [sflag:s22], $0x78  }
0x8d: {  	[sflag:s22] =	ssyncset.done $0x0  }
0x8e: {  	s24 =	simm.s32 $0x7;
	[sflag:s22] =	ssyncadd.s32 $0xFFFFFF88  }
0x8f: {  	_ =	swait.ge [sflag:s24], $0x78  }
0x90: {  	[sflag:s24] =	ssyncset.done $0x0  }
0x91: {  	[sflag:s24] =	ssyncadd.s32 $0xFFFFFF88  }
0x92: {  	[tilespmem:s4], [sflag:$0x1] =	stream.indirect.gather [hbm4b:s1+s9], $0x80, s19, s9, $0xb8;
	[tilespmem:$0x1FD00] =	vst v63  }
0x93: {  	s30 =	sadd.s32 $0x4B, s14;
	s24 =	simm.s32 $0xB680  }
0x94: {  	[tilespmem:s24], [sflag:$0x9] =	stream.linear.gather [hbm4b:s30+s4], $0x78, $0x38;
	[tilespmem:$0x1FD00] =	vst v63  }
0x95: {  	s6 =	sadd.s32 $0x4B, s17;
	s11 =	simm.s32 $0xB980  }
0x96: {  	[tilespmem:s11], [sflag:$0xF] =	stream.linear.gather [hbm4b:s6+s4], $0x78, $0x38;
	[tilespmem:$0x1FD00] =	vst v63  }
0x97: {  	_ =	swait.ge [sflag:s25], $0x3C00  }
0x98: {  	[sflag:s25] =	ssyncset.done $0x0  }
0x99: {  	s10 =	simm.s32 $0xC;
	[sflag:s25] =	ssyncadd.s32 $0xFFFFC400  }
0x9a: {  	_ =	swait.ge [sflag:s10], $0x78  }
0x9b: {  	[sflag:s10] =	ssyncset.done $0x0  }
0x9c: {  	s20 =	simm.s32 $0xB800;
	[sflag:s10] =	ssyncadd.s32 $0xFFFFFF88  }
0x9d: {  	[spmem:s2] =	stream.indirect.scatter.add.f32 [tilespmem:s15], [sflag:$0x12], $0x80, s20, s9, $0xb8;
	[tilespmem:$0x1FD00] =	vst v63  }
0x9e: {  	_ = 	snop  }
0x9f: {  	[spmem:s3] =	stream.indirect.scatter.add.f32 [tilespmem:s26], [sflag:$0x15], $0x1, s20, s9, $0xb8;
	[tilespmem:$0x1FD00] =	vst v63  }
0xa0: {  	_ =	swait.ge [sflag:s0], $0x3C00  }
0xa1: {  	[sflag:s0] =	ssyncset.done $0x0  }
0xa2: {  	[sflag:s0] =	ssyncadd.s32 $0xFFFFC400  }
0xa3: {  	_ =	swait.ge [sflag:s29], $0x78  }
0xa4: {  	[sflag:s29] =	ssyncset.done $0x0  }
0xa5: {  	s30 =	simm.s32 $0x8;
	[sflag:s29] =	ssyncadd.s32 $0xFFFFFF88  }
0xa6: {  	_ =	swait.ge [sflag:s30], $0x78  }
0xa7: {  	p0 =	seq.s32 s13, $0x492;
	[sflag:s30] =	ssyncset.done $0x0  }
0xa8: {  	s19 =	simm.s32 $0x3C00;
	s20 =	sadd.s32 @!p0 s13, s28;
	[sflag:s30] =	ssyncadd.s32 $0xFFFFFF88  }
0xa9: {  	[tilespmem:s19], [sflag:$0x2] =	stream.indirect.gather [hbm4b:s1+s9], $0x80, s5, s9, $0xb8;
	[tilespmem:$0x1FD00] =	vst v63  }
0xaa: {  	s28 =	sadd.s32 @!p0 $0x5A, s20;
	s30 =	simm.s32 @!p0 $0xB400;
	s19 =	simm.s32 @!p0 $0x0  }
0xab: {  	[tilespmem:s30], [sflag:$0x4] =	stream.linear.gather @!p0 [hbm4b:s28+s19], $0x78, $0x38;
	[tilespmem:$0x1FD00] =	vst v63  }
0xac: {  	s28 =	sadd.s32 @!p0 s13, s31  }
0xad: {  	s31 =	simm.s32 @!p0 $0xB700;
	s6 =	sadd.s32 @!p0 $0x5A, s28  }
0xae: {  	[tilespmem:s31], [sflag:$0xA] =	stream.linear.gather @!p0 [hbm4b:s6+s19], $0x78, $0x38;
	[tilespmem:$0x1FD00] =	vst v63  }
0xaf: {  	_ =	swait.ge [sflag:s12], $0x3C00  }
0xb0: {  	[sflag:s12] =	ssyncset.done $0x0  }
0xb1: {  	s31 =	simm.s32 $0xD;
	[sflag:s12] =	ssyncadd.s32 $0xFFFFC400  }
0xb2: {  	_ =	swait.ge [sflag:s31], $0x78  }
0xb3: {  	[sflag:s31] =	ssyncset.done $0x0  }
0xb4: {  	[sflag:s31] =	ssyncadd.s32 $0xFFFFFF88  }
0xb5: {  	[spmem:s2] =	stream.indirect.scatter.add.f32 [tilespmem:s4], [sflag:$0x10], $0x80, s16, s9, $0xb8;
	[tilespmem:$0x1FD00] =	vst v63  }
0xb6: {  	s31 =	simm.s32 $0x12  }
0xb7: {  	[spmem:s3] =	stream.indirect.scatter.add.f32 [tilespmem:s26], [sflag:$0x13], $0x1, s16, s9, $0xb8;
	[tilespmem:$0x1FD00] =	vst v63  }
0xb8: {  	_ =	swait.ge [sflag:s31], $0x3C00  }
0xb9: {  	[sflag:s31] =	ssyncset.done $0x0  }
0xba: {  	[sflag:s31] =	ssyncadd.s32 $0xFFFFC400;
	s31 =	simm.s32 $0x15  }
0xbb: {  	_ =	swait.ge [sflag:s31], $0x78  }
0xbc: {  	[sflag:s31] =	ssyncset.done $0x0  }
0xbd: {  	[sflag:s31] =	ssyncadd.s32 $0xFFFFFF88;
	s31 =	simm.s32 $0x9  }
0xbe: {  	_ =	swait.ge [sflag:s31], $0x78  }
0xbf: {  	[sflag:s31] =	ssyncset.done $0x0  }
0xc0: {  	[sflag:s31] =	ssyncadd.s32 $0xFFFFFF88  }
0xc1: {  	[tilespmem:s15], [sflag:$0x3] =	stream.indirect.gather [hbm4b:s1+s9], $0x80, s24, s9, $0xb8;
	[tilespmem:$0x1FD00] =	vst v63  }
0xc2: {  	s6 =	sadd.s32 @!p0 $0x69, s20;
	s31 =	simm.s32 @!p0 $0xB480  }
0xc3: {  	[tilespmem:s31], [sflag:$0x5] =	stream.linear.gather @!p0 [hbm4b:s6+s19], $0x78, $0x38;
	[tilespmem:$0x1FD00] =	vst v63  }
0xc4: {  	s6 =	sadd.s32 @!p0 $0x69, s28;
	s31 =	simm.s32 @!p0 $0xB780  }
0xc5: {  	[tilespmem:s31], [sflag:$0xB] =	stream.linear.gather @!p0 [hbm4b:s6+s19], $0x78, $0x38;
	[tilespmem:$0x1FD00] =	vst v63  }
0xc6: {  	_ =	swait.ge [sflag:s18], $0x3C00  }
0xc7: {  	[sflag:s18] =	ssyncset.done $0x0  }
0xc8: {  	s31 =	simm.s32 $0xE;
	[sflag:s18] =	ssyncadd.s32 $0xFFFFC400  }
0xc9: {  	_ =	swait.ge [sflag:s31], $0x78  }
0xca: {  	[sflag:s31] =	ssyncset.done $0x0  }
0xcb: {  	s24 =	simm.s32 $0x3C00;
	[sflag:s31] =	ssyncadd.s32 $0xFFFFFF88  }
0xcc: {  	[spmem:s2] =	stream.indirect.scatter.add.f32 [tilespmem:s24], [sflag:$0x11], $0x80, s23, s9, $0xb8;
	[tilespmem:$0x1FD00] =	vst v63  }
0xcd: {  	_ = 	snop  }
0xce: {  	[spmem:s3] =	stream.indirect.scatter.add.f32 [tilespmem:s26], [sflag:$0x14], $0x1, s23, s9, $0xb8;
	[tilespmem:$0x1FD00] =	vst v63  }
0xcf: {  	_ =	swait.ge [sflag:s21], $0x3C00  }
0xd0: {  	[sflag:s21] =	ssyncset.done $0x0  }
0xd1: {  	[sflag:s21] =	ssyncadd.s32 $0xFFFFC400  }
0xd2: {  	_ =	swait.ge [sflag:s22], $0x78  }
0xd3: {  	[sflag:s22] =	ssyncset.done $0x0  }
0xd4: {  	s6 =	simm.s32 @!p0 $0x4;
	[sflag:s22] =	ssyncadd.s32 $0xFFFFFF88  }
0xd5: {  	_ =	swait.ge @!p0 [sflag:s6], $0x78  }
0xd6: {  	[sflag:s6] =	ssyncset.done @!p0 $0x0  }
0xd7: {  	[sflag:s6] =	ssyncadd.s32 @!p0 $0xFFFFFF88;
	s6 =	simm.s32 @!p0 $0x78  }
0xd8: {  	[tilespmem:s19], [sflag:$0x1] =	stream.indirect.gather @!p0 [hbm4b:s1+s6], $0x80, s30, s6, $0xb8;
	[tilespmem:$0x1FD00] =	vst v63  }
0xd9: {  	s6 =	sadd.s32 @!p0 $0x78, s20;
	s20 =	simm.s32 @!p0 $0xB500  }
0xda: {  	[tilespmem:s20], [sflag:$0x6] =	stream.linear.gather @!p0 [hbm4b:s6+s19], $0x78, $0x38;
	[tilespmem:$0x1FD00] =	vst v63  }
0xdb: {  	s6 =	sadd.s32 @!p0 $0x78, s28;
	s20 =	simm.s32 @!p0 $0xB800  }
0xdc: {  	[tilespmem:s20], [sflag:$0xC] =	stream.linear.gather @!p0 [hbm4b:s6+s19], $0x78, $0x38;
	[tilespmem:$0x1FD00] =	vst v63  }
0xdd: {  	_ =	swait.ge [sflag:s25], $0x3C00  }
0xde: {  	[sflag:s25] =	ssyncset.done $0x0  }
0xdf: {  	s31 =	simm.s32 $0xF;
	[sflag:s25] =	ssyncadd.s32 $0xFFFFC400  }
0xe0: {  	_ =	swait.ge [sflag:s31], $0x78  }
0xe1: {  	[sflag:s31] =	ssyncset.done $0x0  }
0xe2: {  	[sflag:s31] =	ssyncadd.s32 $0xFFFFFF88  }
0xe3: {  	[spmem:s2] =	stream.indirect.scatter.add.f32 [tilespmem:s15], [sflag:$0x12], $0x80, s11, s9, $0xb8;
	[tilespmem:$0x1FD00] =	vst v63  }
0xe4: {  	_ = 	snop  }
0xe5: {  	[spmem:s3] =	stream.indirect.scatter.add.f32 [tilespmem:s26], [sflag:$0x15], $0x1, s11, s9, $0xb8;
	[tilespmem:$0x1FD00] =	vst v63  }
0xe6: {  	_ =	swait.ge [sflag:s0], $0x3C00  }
.Ltmp2:
0xe7: {  	[sflag:s0] =	ssyncset.done $0x0;
	(pc) =	sbr.rel @p0 .LBB2_4-.Ltmp2, $4  }
0xe8: {  	[sflag:s0] =	ssyncadd.s32 $0xFFFFC400  }
0xe9: {  	_ =	swait.ge [sflag:s29], $0x78  }
0xea: {  	s8 =	simm.s32 $0xB700;
	s7 =	simm.s32 $0xB780;
	[sflag:s29] =	ssyncset.done $0x0  }
0xeb: {  	s10 =	simm.s32 $0xB800;
	s5 =	simm.s32 $0xB580;
	[sflag:s29] =	ssyncadd.s32 $0xFFFFFF88  }
0xec: {  	s6 =	simm.s32 $0x5  }
0xed: {  	_ =	swait.ge [sflag:s6], $0x78  }
0xee: {  	[sflag:s6] =	ssyncset.done $0x0  }
0xef: {  	s28 =	simm.s32 $0xB480;
	[sflag:s6] =	ssyncadd.s32 $0xFFFFFF88  }
0xf0: {  	[tilespmem:s24], [sflag:$0x2] =	stream.indirect.gather [hbm4b:s1+s9], $0x80, s28, s9, $0xb8;
	[tilespmem:$0x1FD00] =	vst v63  }
.Ltmp3:
0xf1: {  	_ = 	snop;
	(pc) =	sbr.rel .LBB2_2-.Ltmp3, $4  }
0xf2: {  	s30 =	sadd.s32 $0x87, s14  }
0xf3: {  	[tilespmem:s5], [sflag:$0x7] =	stream.linear.gather [hbm4b:s30+s4], $0x78, $0x38;
	[tilespmem:$0x1FD00] =	vst v63  }
0xf4: {  	s31 =	sadd.s32 $0x87, s17;
	s13 =	sadd.s32 $0x5A, s13;
	s19 =	simm.s32 $0xB580  }
0xf5: {  	[tilespmem:s16], [sflag:$0xD] =	stream.linear.gather [hbm4b:s31+s4], $0x78, $0x38;
	[tilespmem:$0x1FD00] =	vst v63  }
.LBB2_5:
0xf6: {  	_ =	sfence.sel $0x180000  }
0xf7: {  	[bflag:$0x0] =	sbarrier.arrive $0xFFFF  }
0xf8: {  	_ =	strace $0x90000047  }
0xf9: {  	s0 =	stileid.u32;
	[bflag:$0x2] =	sbarrier.arrive $0xFFFF  }
0xfa: {  	p0 =	sne.s32 s0, $0x0;
	s0 =	rddreg [dreg:$0x5]  }
0xfb: {  	s0 =	sadd.s32 @!p0 $0x100000, s0  }
0xfc: {  	[sflag:s0] =	ssyncadd.tile.s32 @!p0 $0x1;
	_ =	shalt  }
.Lfunc_end2:
_tile_overlayer_lowered:
.L_overlay_start_2:
0xfd: {  	(tag) =	ssettag $0x2  }
0xfe: {  	s0 =	rddreg [dreg:$0x0];
	s2 =	stileid.u32  }
0xff: {  	s1 =	rddreg [dreg:$0x1];
	p0 =	sne.s32 s2, $0x0  }
0x100: {  	s3 =	rddreg [dreg:$0x2];
	[bflag:$0x3] =	sbarrier.arrive $0xFFFF;
	s2 =	simm.s32 @!p0 $0x1C16  }
0x101: {  	[timem:s3], [sflag:s2] =	dma.local @!p0 [hbm:s0], s1  }
0x102: {  	s0 =	simm.s32 @!p0 $0x16  }
0x103: {  	_ =	swait.ge @!p0 [sflag:s0], s1  }
0x104: {  	s1 =	ssub.s32 @!p0 $0x0, s1;
	[sflag:s0] =	ssyncset.done @!p0 $0x0  }
0x105: {  	[sflag:s0] =	ssyncadd.s32 @!p0 s1  }
0x106: {  	[bflag:$0x3] =	sbarrier.arrive $0xFFFF  }
0x107: {  	_ =	shalt  }

// kernel: kernel.9.cloned.1.call-start
scs
__scs_entry_jumppad:
0x0: {  	(pc) =	sbr.rel $0x88, $3  }
0x1: {  	(tag) =	ssettag $0x0;
	lr =	simm.s32 $0x1  }
0x2: {  	[smem:$0x3F93] =	sst lr;
	_ =	strace $0xD0000000  }
0x3: {  	_ = 	snop  }
0x4: {  	_ = 	snop  }
0x5: {  	_ = 	snop  }
0x6: {  	_ = 	snop  }
0x7: {  	_ = 	snop  }
__scs_overlays_trampoline_lowered:
0x8: {  	[smem:$0x3FA2] =	sst s0  }
0x9: {  	[smem:$0x3FA3] =	sst s1  }
0xa: {  	[smem:$0x3FA4] =	sst s2  }
0xb: {  	[smem:$0x3FA5] =	sst s3  }
0xc: {  	[smem:$0x3FA6] =	sst s4  }
0xd: {  	[smem:$0x3FA7] =	sst s5  }
0xe: {  	[smem:$0x3FA8] =	sst s6  }
0xf: {  	[smem:$0x3FA9] =	sst s7  }
0x10: {  	[smem:$0x3FAA] =	sst s8  }
0x11: {  	[smem:$0x3FAB] =	sst s9;
	s0 =	simm.s32 @!p0 $0x0  }
0x12: {  	s1 =	sld [smem:$0x3F91];
	s0 =	simm.s32 @p0 $0x1  }
0x13: {  	[smem:$0x3FAC] =	sst s0;
	s0 =	simm.s32 @!p1 $0x0  }
0x14: {  	s2 =	sld [smem:$0x3F90];
	s0 =	simm.s32 @p1 $0x1  }
0x15: {  	[smem:$0x3FAD] =	sst s0;
	s0 =	simm.s32 @!p2 $0x0  }
0x16: {  	s3 =	sld [smem:$0x3FDB];
	s0 =	simm.s32 @p2 $0x1  }
0x17: {  	s4 =	simm.s32 $0x1BF5;
	[smem:$0x3FAF] =	sst s0  }
0x18: {  	s0 =	sld [smem:$0x3F92];
	_ =	swait.ge [sflag:s4], $0x0  }
0x19: {  	s7 =	sld [smem:$0x3F93]  }
0x1a: {  	s8 =	sadd.s32 $0xFFFFE003, lr  }
0x1b: {  	s9 =	sadd.s32 $0xFFFFFEF7, lr;
	s5 =	simm.s32 $0xFFFFFFFF;
	p2 =	slt.u32 s8, $0xFFFFF086  }
0x1c: {  	p1 =	slt.u32 s9, $0xF7A;
	s5 =	simm.s32 @!p2 $0x0  }
0x1d: {  	s5 =	simm.s32 @p1 $0x1;
	p0 =	seq.s32 s7, s2  }
0x1e: {  	s7 =	smul.u32 @!p0 $0xF7A, s2;
	p2 =	seq.s32 @!p0 s5, $0x0  }
0x1f: {  	s9 =	smul.u32 $0xF7A, s1;
	s8 =	simm.s32 @!p0 $0x1BF5;
	p2 =	por !p2, p0  }
0x20: {  	[sflag:s8] =	ssyncset.s32 @!p0 $0xFFFFF086;
	s6 =	sadd.s32 @!p0 s3, s7;
	s7 =	simm.s32 @!p0 $0x108  }
0x21: {  	s3 =	sadd.s32 s3, s9;
	s6 =	sadd.s32 @!p0 $0x88, s6;
	s7 =	simm.s32 @p2 $0x1082  }
0x22: {  	[simem:s7], [sflag:s8] =	dma.local @!p0 [hbm:s6], $0xF7A  }
0x23: {  	s9 =	sor.u32 $0xD0000000, s2;
	s6 =	simm.s32 $0x108;
	_ =	swait.ge @!p0 [sflag:s8], $0x0  }
0x24: {  	s3 =	sadd.s32 $0x88, s3;
	s6 =	simm.s32 @!p1 $0x1082;
	[sflag:s4] =	ssyncset.s32 $0xFFFFF086  }
0x25: {  	[simem:s6], [sflag:s4] =	dma.local [hbm:s3], $0xF7A  }
0x26: {  	[smem:$0x3F93] =	sst s1;
	(tag) =	ssettag s2;
	_ =	strace s9  }
0x27: {  	s1 =	sld [smem:$0x3FA3]  }
0x28: {  	s2 =	sld [smem:$0x3FA4]  }
0x29: {  	s4 =	sld [smem:$0x3FA6]  }
0x2a: {  	p0 =	seq.s32 s5, $0x0;
	s5 =	sld [smem:$0x3FA7]  }
0x2b: {  	s6 =	sld [smem:$0x3FA8]  }
0x2c: {  	s7 =	sld [smem:$0x3FA9]  }
0x2d: {  	s3 =	simm.s32 $0x108;
	s8 =	sld [smem:$0x3FAA]  }
0x2e: {  	s3 =	simm.s32 @!p0 $0x1082;
	s9 =	sld [smem:$0x3FAB]  }
0x2f: {  	lr =	sadd.s32 s0, s3;
	s0 =	sld [smem:$0x3FA2]  }
0x30: {  	s3 =	sld [smem:$0x3FA5]  }
0x31: {  	[smem:$0x3FAE] =	sst s10  }
0x32: {  	s10 =	sld [smem:$0x3FAC];
	_ =	sdelay $0x3  }
0x33: {  	p0 =	seq.s32 s10, $0x1;
	s10 =	sld [smem:$0x3FAE];
	_ =	sdelay $0x3  }
0x34: {  	[smem:$0x3FAE] =	sst s10  }
0x35: {  	s10 =	sld [smem:$0x3FAD];
	_ =	sdelay $0x3  }
0x36: {  	p1 =	seq.s32 s10, $0x1;
	s10 =	sld [smem:$0x3FAE];
	_ =	sdelay $0x3  }
0x37: {  	[smem:$0x3FAE] =	sst s10  }
0x38: {  	s10 =	sld [smem:$0x3FAF]  }
0x39: {  	_ = 	snop;
	(pc) =	sbr.ind lr, $3  }
0x3a: {  	_ = 	snop  }
0x3b: {  	_ = 	snop  }
0x3c: {  	p2 =	seq.s32 s10, $0x1;
	s10 =	sld [smem:$0x3FAE]  }
0x3d: {  	_ =	shalt  }
0x3e: {  	_ =	shalt  }
0x3f: {  	_ =	shalt  }
0x40: {  	_ =	shalt  }
0x41: {  	_ =	shalt  }
0x42: {  	_ =	shalt  }
0x43: {  	_ =	shalt  }
0x44: {  	_ =	shalt  }
0x45: {  	_ =	shalt  }
0x46: {  	_ =	shalt  }
0x47: {  	_ =	shalt  }
0x48: {  	_ =	shalt  }
0x49: {  	_ =	shalt  }
0x4a: {  	_ =	shalt  }
0x4b: {  	_ =	shalt  }
0x4c: {  	_ =	shalt  }
0x4d: {  	_ =	shalt  }
0x4e: {  	_ =	shalt  }
0x4f: {  	_ =	shalt  }
0x50: {  	_ =	shalt  }
0x51: {  	_ =	shalt  }
0x52: {  	_ =	shalt  }
0x53: {  	_ =	shalt  }
0x54: {  	_ =	shalt  }
0x55: {  	_ =	shalt  }
0x56: {  	_ =	shalt  }
0x57: {  	_ =	shalt  }
0x58: {  	_ =	shalt  }
0x59: {  	_ =	shalt  }
0x5a: {  	_ =	shalt  }
0x5b: {  	_ =	shalt  }
0x5c: {  	_ =	shalt  }
0x5d: {  	_ =	shalt  }
0x5e: {  	_ =	shalt  }
0x5f: {  	_ =	shalt  }
0x60: {  	_ =	shalt  }
0x61: {  	_ =	shalt  }
0x62: {  	_ =	shalt  }
0x63: {  	_ =	shalt  }
0x64: {  	_ =	shalt  }
0x65: {  	_ =	shalt  }
0x66: {  	_ =	shalt  }
0x67: {  	_ =	shalt  }
0x68: {  	_ =	shalt  }
0x69: {  	_ =	shalt  }
0x6a: {  	_ =	shalt  }
0x6b: {  	_ =	shalt  }
0x6c: {  	_ =	shalt  }
0x6d: {  	_ =	shalt  }
0x6e: {  	_ =	shalt  }
0x6f: {  	_ =	shalt  }
0x70: {  	_ =	shalt  }
0x71: {  	_ =	shalt  }
0x72: {  	_ =	shalt  }
0x73: {  	_ =	shalt  }
0x74: {  	_ =	shalt  }
0x75: {  	_ =	shalt  }
0x76: {  	_ =	shalt  }
0x77: {  	_ =	shalt  }
0x78: {  	_ =	shalt  }
0x79: {  	_ =	shalt  }
0x7a: {  	_ =	shalt  }
0x7b: {  	_ =	shalt  }
0x7c: {  	_ =	shalt  }
0x7d: {  	_ =	shalt  }
0x7e: {  	_ =	shalt  }
0x7f: {  	_ =	shalt  }
0x80: {  	_ =	shalt  }
0x81: {  	_ =	shalt  }
0x82: {  	_ =	shalt  }
0x83: {  	_ =	shalt  }
0x84: {  	_ =	shalt  }
0x85: {  	_ =	shalt  }
0x86: {  	_ =	shalt  }
0x87: {  	_ =	shalt  }
.Lfunc_end0:
.L_simem_size_0:
called_computation.1_lowered:
.L_overlay_start_0:
0x88: {  	s2 =	sld [smem:$0x3FD9]  }
0x89: {  	s3 =	sld [smem:$0x3FFE];
	_ =	sdelay $0x1  }
0x8a: {  	s1 =	srdreg.scid  }
0x8b: {  	s0 =	sand.u32 $0x1, s1  }
0x8c: {  	s17 =	sshll.u32 s0, $0xA;
	s2 =	sadd.s32 s3, s2  }
0x8d: {  	s2 =	sadd.s32 s2, s17  }
0x8e: {  	[smem:$0x3FBA] =	sst s2  }
0x8f: {  	_ = 	snop  }
0x90: {  	s2 =	sld [smem:$0x3FD0];
	(tm) =	ssettm $0x1  }
0x91: {  	s18 =	sld [smem:$0x3FFB];
	_ =	sdelay $0x3  }
0x92: {  	_ =	strace s18  }
0x93: {  	s3 =	sld [smem:$0x3FFC];
	_ =	sdelay $0x3  }
0x94: {  	_ =	strace s3  }
0x95: {  	s3 =	sld [smem:$0x3FFD];
	_ =	sdelay $0x3  }
0x96: {  	_ =	strace s3  }
0x97: {  	_ =	strace $0x8FFFFFFF  }
0x98: {  	s19 =	sld [smem:$0x3FDB];
	_ =	sdelay $0x1  }
0x99: {  	s4 =	simm.s32 $_scs_section_size  }
0x9a: {  	s5 =	simm.s32 $_size__tile_overlayer_lowered;
	s6 =	simm.s32 $_tile_overlayer_lowered  }
0x9b: {  	s22 =	simm.s32 $0x1BFF;
	s21 =	sshll.u32 s6, $0x1;
	s3 =	sadd.s32 s4, s19  }
0x9c: {  	s7 =	simm.s32 $0x0;
	s20 =	sshll.u32 s5, $0x1;
	s5 =	sadd.s32 s21, s3  }
0x9d: {  	[timem:s7], [sflag:s22] =	dma.local [hbm:s5], s20  }
0x9e: {  	_ =	swait.ge [sflag:s22], s20  }
0x9f: {  	s4 =	ssub.s32 $0x0, s20;
	[sflag:s22] =	ssyncset.done $0x0  }
0xa0: {  	[sflag:s22] =	ssyncadd.s32 s4;
	_ =	sdelay $0x1  }
0xa1: {  	s23 =	simm.s32 $0x1B8B  }
0xa2: {  	_ =	swait.ge [sflag:s23], $0x1  }
0xa3: {  	[sflag:s23] =	ssyncset.done $0x0  }
0xa4: {  	s25 =	simm.s32 $0x1B8E;
	s24 =	sld [smem:$0x3FFE];
	[sflag:s23] =	ssyncadd.s32 $0xFFFFFFFF  }
0xa5: {  	s26 =	simm.s32 $execute0_lowered;
	[smem:$0x3FD2] =	sst s25  }
0xa6: {  	s5 =	sshll.u32 s26, $0x1;
	_ =	strace $0x80000049;
	[dreg:$0x1] =	wrdreg $0xFFFFFFFF  }
0xa7: {  	s28 =	simm.s32 $_size_execute0_lowered;
	s3 =	sadd.s32 s3, s5;
	[dreg:$0x0] =	wrdreg $0x0  }
0xa8: {  	s5 =	sshll.u32 s28, $0x1;
	[dreg:$0x2] =	wrdreg s3  }
0xa9: {  	[dreg:$0x3] =	wrdreg s5  }
0xaa: {  	[dreg:$0x4] =	wrdreg $0xC0  }
0xab: {  	_ =	task [dreg:s7], $0x5FFFF  }
0xac: {  	[dreg:$0x1] =	wrdreg $0xFFFFFFFF  }
0xad: {  	[dreg:$0x0] =	wrdreg $0x60  }
0xae: {  	[dreg:$0x2] =	wrdreg s2  }
0xaf: {  	[dreg:$0x3] =	wrdreg s24  }
0xb0: {  	[dreg:$0x4] =	wrdreg $0xBA000  }
0xb1: {  	[dreg:$0x5] =	wrdreg $0x9  }
0xb2: {  	_ =	task.clear_ibuf [dreg:s7], $0x6FFFF;
	_ =	strace $0x90000049  }
0xb3: {  	s29 =	simm.s32 $0x9;
	_ =	strace $0x8000004B  }
0xb4: {  	_ =	swait.ge [sflag:s29], $0x1  }
0xb5: {  	[sflag:s29] =	ssyncadd.s32 $0xFFFFFFFF  }
0xb6: {  	_ =	strace $0x9000004B  }
0xb7: {  	_ =	sfence  }
0xb8: {  	s30 =	sld [smem:$0x0];
	_ =	sdelay $0x2  }
0xb9: {  	s31 =	sshll.u32 s1, $0xD;
	s1 =	sshrl.u32 s1, $0x2  }
0xba: {  	s3 =	sand.u32 $0x4000, s31;
	s1 =	sadd.s32 s1, s30  }
0xbb: {  	s0 =	sor.u32 s3, s0;
	s1 =	sshll.u32 s1, $0x11  }
0xbc: {  	s0 =	sor.u32 s1, s0  }
0xbd: {  	s0 =	sadd.s32 $0x8F2B, s0  }
0xbe: {  	[sflag:s0] =	ssyncadd.remote.s32 $0x1  }
0xbf: {  	_ =	sfence.sel $0xFFFF  }
0xc0: {  	[dreg:$0x0] =	wrdreg $0xFFFFFFFF;
	(pc) =	sbr.abs _section_cstart, $3  }
0xc1: {  	[dreg:$0x1] =	wrdreg $0xFFFFFFFF  }
0xc2: {  	_ =	task.clear_ibuf [dreg:s7], $0x2FFFF;
	_ =	strace $0x9FFFFFFF  }
0xc3: {  	(tm) =	ssettm $0x7FFFFFFF  }
tec
execute0_lowered:
.L_overlay_start_1:
0x0: {  	(tag) =	ssettag $0x1  }
0x1: {  	s1 =	rddreg [dreg:$0x0]  }
0x2: {  	s0 =	rddreg [dreg:$0x1]  }
0x3: {  	s2 =	rddreg [dreg:$0x2];
	s3 =	srdreg.scid;
	s4 =	simm.s32 $0x0  }
0x4: {  	s12 =	stileid.u32;
	s31 =	simm.s32 $0x78;
	s30 =	simm.s32 $0xC  }
0x5: {  	s3 =	sand.u32 $0x1, s3;
	[smem:$0x7FF] =	sst s4;
	s6 =	smul.u32 $0x14000, s12  }
0x6: {  	s7 =	sadd.s32 $0x3A00, s0;
	s8 =	sadd.s32 $0xD800, s0;
	s15 =	smul.u32 $0x50000, s12  }
0x7: {  	s9 =	sadd.s32 $0x17600, s0;
	s14 =	sshll.u32 s12, $0x1;
	s24 =	smul.u32 $0x9D8, s12  }
0x8: {  	s17 =	sshll.u32 s12, $0x6;
	s12 =	simm.s32 $0x3C00;
	s5 =	smul.u32 $0x140000, s3  }
0x9: {  	_ =	strace $0x8000004A;
	[dreg:$0x4] =	wrdreg s9;
	s16 =	ssub.s32 $0x2, s3  }
0xa: {  	s25 =	smul.u32 $0x4EC, s3;
	s11 =	sshrl.u32 s16, $0x1;
	s9 =	sshrl.u32 s15, $0x2  }
0xb: {  	s28 =	sadd.s32 s24, s7;
	s29 =	sadd.s32 s24, s8;
	s24 =	simm.s32 $0x9  }
0xc: {  	s15 =	simm.s32 $0xB980;
	s5 =	sadd.s32 s6, s5;
	s6 =	sor.u32 s3, s14  }
0xd: {  	s9 =	sadd.s32 s9, s2;
	s3 =	simm.s32 $0x13;
	s10 =	smul.u32 $0x4EC, s6  }
0xe: {  	s14 =	simm.s32 $0xB680;
	s5 =	sshrl.u32 s5, $0x3;
	s6 =	smul.u32 $0x2760, s6  }
0xf: {  	[dreg:$0x5] =	wrdreg s9;
	s0 =	sadd.s32 s5, s0;
	s5 =	ssub.s32 s16, s11  }
0x10: {  	s11 =	sor.u32 $0x1C13, s17;
	s16 =	simm.s32 $0xB580;
	s18 =	sadd.s32 s7, s10  }
0x11: {  	s19 =	sadd.s32 $0x78, s6;
	s10 =	sadd.s32 s8, s10;
	[dreg:$0x6] =	wrdreg s11  }
0x12: {  	s20 =	sshrl.u32 s6, $0x3;
	s6 =	sadd.s32 $0x168, s6;
	[dreg:$0x7] =	wrdreg s18  }
0x13: {  	s0 =	sadd.s32 $0x19E00, s0;
	s26 =	smax.u32 s5, $0x1;
	[dreg:$0x8] =	wrdreg s10  }
0x14: {  	s5 =	simm.s32 $0x1;
	s9 =	sshrl.u32 s19, $0x3;
	[dreg:$0xf] =	wrdreg s0  }
0x15: {  	s10 =	sadd.s32 $0x1E, s20;
	[dreg:$0x10] =	wrdreg s26;
	s13 =	sadd.s32 s7, s9  }
0x16: {  	s6 =	sshrl.u32 s6, $0x3;
	s9 =	sadd.s32 s8, s9;
	[dreg:$0x9] =	wrdreg s13  }
0x17: {  	s18 =	sadd.s32 s25, s28;
	s21 =	sadd.s32 s7, s10;
	[dreg:$0xa] =	wrdreg s9  }
0x18: {  	s19 =	sadd.s32 s25, s29;
	s22 =	sadd.s32 s8, s10;
	[dreg:$0xb] =	wrdreg s21  }
.Ltmp0:
0x19: {  	s23 =	sadd.s32 s7, s6;
	[dreg:$0xc] =	wrdreg s22;
	(pc) =	sbr.rel .LBB2_1-.Ltmp0, $4  }
0x1a: {  	s20 =	simm.s32 $0x8;
	s6 =	sadd.s32 s8, s6;
	[dreg:$0xd] =	wrdreg s23  }
0x1b: {  	s25 =	simm.s32 $0xF;
	s7 =	simm.s32 $0x11;
	[dreg:$0xe] =	wrdreg s6  }
0x1c: {  	s9 =	simm.s32 $0x7800;
	s21 =	simm.s32 $0x3;
	s22 =	simm.s32 $0xD  }
0x1d: {  	s23 =	simm.s32 $0x12;
	s6 =	simm.s32 $0x0;
	s13 =	simm.s32 $0x3C00  }
.LBB2_4:
0x1e: {  	_ =	swait.ge [sflag:s23], $0x3C00  }
0x1f: {  	[sflag:s23] =	ssyncset.done $0x0  }
0x20: {  	[sflag:s23] =	ssyncadd.s32 $0xFFFFC400  }
0x21: {  	[bflag:$0x0] =	sbarrier.arrive $0xFFFF  }
0x22: {  	s11 =	rddreg [dreg:$0x6]  }
0x23: {  	s0 =	rddreg [dreg:$0xf]  }
0x24: {  	s3 =	rddreg [dreg:$0x12]  }
0x25: {  	[hbm:s0], [sflag:s11] =	dma.local [spmem:s3], $0x2800  }
0x26: {  	s3 =	simm.s32 $0x13  }
0x27: {  	_ =	swait.ge [sflag:s3], $0x2800  }
0x28: {  	s6 =	rddreg [dreg:$0x11]  }
0x29: {  	s29 =	rddreg [dreg:$0x10];
	s6 =	sadd.s32 $0x1, s6  }
0x2a: {  	p0 =	sne.s32 s6, s29  }
.Ltmp1:
0x2b: {  	_ = 	snop;
	(pc) =	sbr.rel @!p0 .LBB2_5-.Ltmp1, $3  }
0x2c: {  	_ =	sdelay $0x1  }
0x2d: {  	[sflag:s3] =	ssyncset.done $0x0  }
0x2e: {  	s16 =	simm.s32 $0xB580;
	s12 =	simm.s32 $0x3C00;
	[sflag:s3] =	ssyncadd.s32 $0xFFFFD800  }
.LBB2_1:
0x2f: {  	[dreg:$0x11] =	wrdreg s6  }
0x30: {  	s0 =	rddreg [dreg:$0x5]  }
0x31: {  	s8 =	rddreg [dreg:$0x4];
	s0 =	sshrl.u32 s0, $0x3  }
0x32: {  	[dreg:$0x12] =	wrdreg s0  }
0x33: {  	[spmem:s0], [sflag:s11] =	dma.local [hbm:s8], $0x2800  }
0x34: {  	_ =	swait.ge [sflag:s3], $0x2800  }
0x35: {  	[sflag:s3] =	ssyncset.done $0x0  }
0x36: {  	[sflag:s3] =	ssyncadd.s32 $0xFFFFD800  }
0x37: {  	[bflag:$0x0] =	sbarrier.arrive $0xFFFF  }
0x38: {  	s3 =	simm.s32 $0xB400;
	s10 =	rddreg [dreg:$0x7]  }
0x39: {  	[tilespmem:s3], [sflag:$0x4] =	stream.linear.gather [hbm4b:s10+s4], $0x78, $0x38;
	[tilespmem:$0x1FA00] =	vst v63  }
0x3a: {  	s17 =	simm.s32 $0xB700;
	s11 =	rddreg [dreg:$0x8]  }
0x3b: {  	[tilespmem:s17], [sflag:$0xA] =	stream.linear.gather [hbm4b:s11+s4], $0x78, $0x38;
	[tilespmem:$0x1FA00] =	vst v63  }
0x3c: {  	s6 =	simm.s32 $0xB480;
	s26 =	rddreg [dreg:$0x9]  }
0x3d: {  	[tilespmem:s6], [sflag:$0x5] =	stream.linear.gather [hbm4b:s26+s4], $0x78, $0x38;
	[tilespmem:$0x1FA00] =	vst v63  }
0x3e: {  	s28 =	rddreg [dreg:$0xa];
	s10 =	simm.s32 $0xB780  }
0x3f: {  	[tilespmem:s10], [sflag:$0xB] =	stream.linear.gather [hbm4b:s28+s4], $0x78, $0x38;
	[tilespmem:$0x1FA00] =	vst v63  }
0x40: {  	s8 =	simm.s32 $0xB500;
	s29 =	rddreg [dreg:$0xb]  }
0x41: {  	[tilespmem:s8], [sflag:$0x6] =	stream.linear.gather [hbm4b:s29+s4], $0x78, $0x38;
	[tilespmem:$0x1FA00] =	vst v63  }
0x42: {  	s11 =	simm.s32 $0xB800;
	s10 =	rddreg [dreg:$0xc]  }
0x43: {  	[tilespmem:s11], [sflag:$0xC] =	stream.linear.gather [hbm4b:s10+s4], $0x78, $0x38;
	[tilespmem:$0x1FA00] =	vst v63  }
0x44: {  	s17 =	rddreg [dreg:$0xd]  }
0x45: {  	[tilespmem:s16], [sflag:$0x7] =	stream.linear.gather [hbm4b:s17+s4], $0x78, $0x38;
	[tilespmem:$0x1FA00] =	vst v63  }
0x46: {  	s26 =	rddreg [dreg:$0xe];
	s28 =	simm.s32 $0x4;
	s8 =	simm.s32 $0xB880  }
0x47: {  	[tilespmem:s8], [sflag:$0xD] =	stream.linear.gather [hbm4b:s26+s4], $0x78, $0x38;
	[tilespmem:$0x1FA00] =	vst v63  }
0x48: {  	_ =	swait.ge [sflag:s28], $0x78  }
0x49: {  	[sflag:s28] =	ssyncset.done $0x0  }
0x4a: {  	s29 =	simm.s32 $0x5;
	[sflag:s28] =	ssyncadd.s32 $0xFFFFFF88  }
0x4b: {  	[tilespmem:s4], [sflag:$0x1] =	stream.indirect.gather [hbm4b:s1+s31], $0x80, s3, s31, $0xb8;
	[tilespmem:$0x1FA00] =	vst v63  }
0x4c: {  	_ =	swait.ge [sflag:s29], $0x78  }
0x4d: {  	[sflag:s29] =	ssyncset.done $0x0  }
0x4e: {  	[sflag:s29] =	ssyncadd.s32 $0xFFFFFF88  }
0x4f: {  	[tilespmem:s12], [sflag:$0x2] =	stream.indirect.gather [hbm4b:s1+s31], $0x80, s6, s31, $0xb8;
	[tilespmem:$0x1FA00] =	vst v63  }
0x50: {  	s26 =	simm.s32 $0x0;
	s6 =	simm.s32 $0xB880  }
.LBB2_2:
0x51: {  	_ =	swait.ge [sflag:s5], $0x3C00  }
0x52: {  	[sflag:s5] =	ssyncset.done $0x0  }
0x53: {  	s0 =	simm.s32 $0xA;
	[sflag:s5] =	ssyncadd.s32 $0xFFFFC400  }
0x54: {  	_ =	swait.ge [sflag:s0], $0x78  }
0x55: {  	[sflag:s0] =	ssyncset.done $0x0  }
0x56: {  	s10 =	simm.s32 $0xB700;
	p0 =	seq.s32 s26, $0x0;
	[sflag:s0] =	ssyncadd.s32 $0xFFFFFF88  }
0x57: {  	[spmem:s2] =	stream.indirect.scatter.add.f32 [tilespmem:s4], [sflag:$0x10], $0x80, s10, s31, $0xb8;
	[tilespmem:$0x1FA00] =	vst v63  }
0x58: {  	s10 =	simm.s32 @!p0 $0x12  }
0x59: {  	_ =	swait.ge @!p0 [sflag:s10], $0x3C00  }
0x5a: {  	[sflag:s10] =	ssyncset.done @!p0 $0x0  }
0x5b: {  	s11 =	simm.s32 $0x6;
	[sflag:s10] =	ssyncadd.s32 @!p0 $0xFFFFC400  }
0x5c: {  	_ =	swait.ge [sflag:s11], $0x78  }
0x5d: {  	[sflag:s11] =	ssyncset.done $0x0  }
0x5e: {  	s17 =	simm.s32 $0xB500;
	[sflag:s11] =	ssyncadd.s32 $0xFFFFFF88;
	s11 =	sadd.s32 s26, s18  }
0x5f: {  	[tilespmem:s9], [sflag:$0x3] =	stream.indirect.gather [hbm4b:s1+s31], $0x80, s17, s31, $0xb8;
	[tilespmem:$0x1FA00] =	vst v63  }
0x60: {  	s3 =	simm.s32 $0xB600;
	s28 =	sadd.s32 s26, s19;
	s29 =	sadd.s32 $0x3C, s11  }
0x61: {  	[tilespmem:s3], [sflag:$0x8] =	stream.linear.gather [hbm4b:s29+s4], $0x78, $0x38;
	[tilespmem:$0x1FA00] =	vst v63  }
0x62: {  	s8 =	simm.s32 $0xB900;
	s0 =	sadd.s32 $0x3C, s28;
	s10 =	simm.s32 $0x2  }
0x63: {  	[tilespmem:s8], [sflag:$0xE] =	stream.linear.gather [hbm4b:s0+s4], $0x78, $0x38;
	[tilespmem:$0x1FA00] =	vst v63  }
0x64: {  	_ =	swait.ge [sflag:s10], $0x3C00  }
0x65: {  	[sflag:s10] =	ssyncset.done $0x0  }
0x66: {  	s17 =	simm.s32 $0xB;
	[sflag:s10] =	ssyncadd.s32 $0xFFFFC400  }
0x67: {  	_ =	swait.ge [sflag:s17], $0x78  }
0x68: {  	[sflag:s17] =	ssyncset.done $0x0  }
0x69: {  	s29 =	simm.s32 $0xB780;
	s8 =	simm.s32 $0x10;
	[sflag:s17] =	ssyncadd.s32 $0xFFFFFF88  }
0x6a: {  	[spmem:s2] =	stream.indirect.scatter.add.f32 [tilespmem:s12], [sflag:$0x11], $0x80, s29, s31, $0xb8;
	[tilespmem:$0x1FA00] =	vst v63  }
0x6b: {  	_ =	swait.ge [sflag:s8], $0x3C00  }
0x6c: {  	[sflag:s8] =	ssyncset.done $0x0  }
0x6d: {  	s10 =	simm.s32 $0x7;
	[sflag:s8] =	ssyncadd.s32 $0xFFFFC400  }
0x6e: {  	_ =	swait.ge [sflag:s10], $0x78  }
0x6f: {  	[sflag:s10] =	ssyncset.done $0x0  }
0x70: {  	[sflag:s10] =	ssyncadd.s32 $0xFFFFFF88  }
0x71: {  	[tilespmem:s4], [sflag:$0x1] =	stream.indirect.gather [hbm4b:s1+s31], $0x80, s16, s31, $0xb8;
	[tilespmem:$0x1FA00] =	vst v63  }
0x72: {  	s16 =	sadd.s32 $0x4B, s11  }
0x73: {  	[tilespmem:s14], [sflag:$0x9] =	stream.linear.gather [hbm4b:s16+s4], $0x78, $0x38;
	[tilespmem:$0x1FA00] =	vst v63  }
0x74: {  	s17 =	sadd.s32 $0x4B, s28  }
0x75: {  	[tilespmem:s15], [sflag:$0xF] =	stream.linear.gather [hbm4b:s17+s4], $0x78, $0x38;
	[tilespmem:$0x1FA00] =	vst v63  }
0x76: {  	_ =	swait.ge [sflag:s21], $0x3C00  }
0x77: {  	[sflag:s21] =	ssyncset.done $0x0  }
0x78: {  	[sflag:s21] =	ssyncadd.s32 $0xFFFFC400  }
0x79: {  	_ =	swait.ge [sflag:s30], $0x78  }
0x7a: {  	[sflag:s30] =	ssyncset.done $0x0  }
0x7b: {  	s29 =	simm.s32 $0xB800;
	[sflag:s30] =	ssyncadd.s32 $0xFFFFFF88  }
0x7c: {  	[spmem:s2] =	stream.indirect.scatter.add.f32 [tilespmem:s9], [sflag:$0x12], $0x80, s29, s31, $0xb8;
	[tilespmem:$0x1FA00] =	vst v63  }
0x7d: {  	_ =	swait.ge [sflag:s7], $0x3C00  }
0x7e: {  	[sflag:s7] =	ssyncset.done $0x0  }
0x7f: {  	[sflag:s7] =	ssyncadd.s32 $0xFFFFC400  }
0x80: {  	_ =	swait.ge [sflag:s20], $0x78  }
0x81: {  	p0 =	seq.s32 s26, $0x492;
	[sflag:s20] =	ssyncset.done $0x0  }
0x82: {  	s10 =	sadd.s32 @!p0 s26, s18;
	[sflag:s20] =	ssyncadd.s32 $0xFFFFFF88  }
0x83: {  	[tilespmem:s12], [sflag:$0x2] =	stream.indirect.gather [hbm4b:s1+s31], $0x80, s3, s31, $0xb8;
	[tilespmem:$0x1FA00] =	vst v63  }
0x84: {  	s16 =	sadd.s32 @!p0 $0x5A, s10;
	s17 =	simm.s32 @!p0 $0xB400;
	s29 =	simm.s32 @!p0 $0x0  }
0x85: {  	[tilespmem:s17], [sflag:$0x4] =	stream.linear.gather @!p0 [hbm4b:s16+s29], $0x78, $0x38;
	[tilespmem:$0x1FA00] =	vst v63  }
0x86: {  	s16 =	sadd.s32 @!p0 s26, s19  }
0x87: {  	s3 =	simm.s32 @!p0 $0xB700;
	s0 =	sadd.s32 @!p0 $0x5A, s16  }
0x88: {  	[tilespmem:s3], [sflag:$0xA] =	stream.linear.gather @!p0 [hbm4b:s0+s29], $0x78, $0x38;
	[tilespmem:$0x1FA00] =	vst v63  }
0x89: {  	_ =	swait.ge [sflag:s5], $0x3C00  }
0x8a: {  	[sflag:s5] =	ssyncset.done $0x0  }
0x8b: {  	[sflag:s5] =	ssyncadd.s32 $0xFFFFC400  }
0x8c: {  	_ =	swait.ge [sflag:s22], $0x78  }
0x8d: {  	[sflag:s22] =	ssyncset.done $0x0  }
0x8e: {  	[sflag:s22] =	ssyncadd.s32 $0xFFFFFF88  }
0x8f: {  	[spmem:s2] =	stream.indirect.scatter.add.f32 [tilespmem:s4], [sflag:$0x10], $0x80, s6, s31, $0xb8;
	[tilespmem:$0x1FA00] =	vst v63  }
0x90: {  	_ =	swait.ge [sflag:s23], $0x3C00  }
0x91: {  	[sflag:s23] =	ssyncset.done $0x0  }
0x92: {  	[sflag:s23] =	ssyncadd.s32 $0xFFFFC400  }
0x93: {  	_ =	swait.ge [sflag:s24], $0x78  }
0x94: {  	[sflag:s24] =	ssyncset.done $0x0  }
0x95: {  	s0 =	simm.s32 @p0 $0x2;
	[sflag:s24] =	ssyncadd.s32 $0xFFFFFF88  }
0x96: {  	[tilespmem:s9], [sflag:$0x3] =	stream.indirect.gather [hbm4b:s1+s31], $0x80, s14, s31, $0xb8;
	[tilespmem:$0x1FA00] =	vst v63  }
0x97: {  	_ =	swait.ge @p0 [sflag:s0], $0x3C00  }
0x98: {  	[sflag:s0] =	ssyncset.done @p0 $0x0  }
0x99: {  	[sflag:s0] =	ssyncadd.s32 @p0 $0xFFFFC400;
	s0 =	simm.s32 @p0 $0xE  }
0x9a: {  	_ =	swait.ge @p0 [sflag:s0], $0x78  }
0x9b: {  	s3 =	simm.s32 @p0 $0xB900;
	[sflag:s0] =	ssyncset.done @p0 $0x0  }
0x9c: {  	s6 =	simm.s32 @p0 $0x3C00;
	[sflag:s0] =	ssyncadd.s32 @p0 $0xFFFFFF88;
	s0 =	simm.s32 @p0 $0x78  }
0x9d: {  	[spmem:s2] =	stream.indirect.scatter.add.f32 @p0 [tilespmem:s6], [sflag:$0x11], $0x80, s3, s0, $0xb8;
	[tilespmem:$0x1FA00] =	vst v63  }
0x9e: {  	s0 =	simm.s32 @p0 $0x10  }
0x9f: {  	_ =	swait.ge @p0 [sflag:s0], $0x3C00  }
0xa0: {  	[sflag:s0] =	ssyncset.done @p0 $0x0  }
0xa1: {  	s3 =	simm.s32 @!p0 $0xB480;
	[sflag:s0] =	ssyncadd.s32 @p0 $0xFFFFC400;
	s0 =	sadd.s32 @!p0 $0x69, s10  }
0xa2: {  	[tilespmem:s3], [sflag:$0x5] =	stream.linear.gather @!p0 [hbm4b:s0+s29], $0x78, $0x38;
	[tilespmem:$0x1FA00] =	vst v63  }
0xa3: {  	s0 =	sadd.s32 @!p0 $0x69, s16;
	s3 =	simm.s32 @!p0 $0xB780  }
0xa4: {  	[tilespmem:s3], [sflag:$0xB] =	stream.linear.gather @!p0 [hbm4b:s0+s29], $0x78, $0x38;
	[tilespmem:$0x1FA00] =	vst v63  }
0xa5: {  	s0 =	simm.s32 @!p0 $0x2  }
0xa6: {  	_ =	swait.ge @!p0 [sflag:s0], $0x3C00  }
0xa7: {  	[sflag:s0] =	ssyncset.done @!p0 $0x0  }
0xa8: {  	[sflag:s0] =	ssyncadd.s32 @!p0 $0xFFFFC400;
	s0 =	simm.s32 @!p0 $0xE  }
0xa9: {  	_ =	swait.ge @!p0 [sflag:s0], $0x78  }
0xaa: {  	s6 =	simm.s32 @!p0 $0x3C00;
	[sflag:s0] =	ssyncset.done @!p0 $0x0  }
0xab: {  	s3 =	simm.s32 @!p0 $0xB900;
	[sflag:s0] =	ssyncadd.s32 @!p0 $0xFFFFFF88;
	s0 =	simm.s32 @!p0 $0x78  }
0xac: {  	[spmem:s2] =	stream.indirect.scatter.add.f32 @!p0 [tilespmem:s6], [sflag:$0x11], $0x80, s3, s0, $0xb8;
	[tilespmem:$0x1FA00] =	vst v63  }
0xad: {  	s3 =	simm.s32 @!p0 $0x10  }
0xae: {  	_ =	swait.ge @!p0 [sflag:s3], $0x3C00  }
0xaf: {  	[sflag:s3] =	ssyncset.done @!p0 $0x0  }
0xb0: {  	[sflag:s3] =	ssyncadd.s32 @!p0 $0xFFFFC400;
	s3 =	simm.s32 @!p0 $0x4  }
0xb1: {  	_ =	swait.ge @!p0 [sflag:s3], $0x78  }
0xb2: {  	[sflag:s3] =	ssyncset.done @!p0 $0x0  }
0xb3: {  	[sflag:s3] =	ssyncadd.s32 @!p0 $0xFFFFFF88  }
0xb4: {  	[tilespmem:s29], [sflag:$0x1] =	stream.indirect.gather @!p0 [hbm4b:s1+s0], $0x80, s17, s0, $0xb8;
	[tilespmem:$0x1FA00] =	vst v63  }
0xb5: {  	s3 =	simm.s32 @!p0 $0xB500;
	s0 =	sadd.s32 @!p0 $0x78, s10  }
0xb6: {  	[tilespmem:s3], [sflag:$0x6] =	stream.linear.gather @!p0 [hbm4b:s0+s29], $0x78, $0x38;
	[tilespmem:$0x1FA00] =	vst v63  }
0xb7: {  	s0 =	sadd.s32 @!p0 $0x78, s16;
	s3 =	simm.s32 @!p0 $0xB800  }
0xb8: {  	[tilespmem:s3], [sflag:$0xC] =	stream.linear.gather @!p0 [hbm4b:s0+s29], $0x78, $0x38;
	[tilespmem:$0x1FA00] =	vst v63  }
0xb9: {  	_ =	swait.ge [sflag:s21], $0x3C00  }
0xba: {  	[sflag:s21] =	ssyncset.done $0x0  }
0xbb: {  	[sflag:s21] =	ssyncadd.s32 $0xFFFFC400  }
0xbc: {  	_ =	swait.ge [sflag:s25], $0x78  }
0xbd: {  	[sflag:s25] =	ssyncset.done $0x0  }
.Ltmp2:
0xbe: {  	[sflag:s25] =	ssyncadd.s32 $0xFFFFFF88;
	(pc) =	sbr.rel @p0 .LBB2_4-.Ltmp2, $4  }
0xbf: {  	[spmem:s2] =	stream.indirect.scatter.add.f32 [tilespmem:s9], [sflag:$0x12], $0x80, s15, s31, $0xb8;
	[tilespmem:$0x1FA00] =	vst v63  }
0xc0: {  	_ =	swait.ge [sflag:s7], $0x3C00  }
0xc1: {  	[sflag:s7] =	ssyncset.done $0x0  }
0xc2: {  	s8 =	simm.s32 $0xB580;
	s12 =	simm.s32 $0xB880;
	[sflag:s7] =	ssyncadd.s32 $0xFFFFC400  }
0xc3: {  	s0 =	simm.s32 $0x5  }
0xc4: {  	_ =	swait.ge [sflag:s0], $0x78  }
0xc5: {  	[sflag:s0] =	ssyncset.done $0x0  }
0xc6: {  	s16 =	simm.s32 $0xB480;
	[sflag:s0] =	ssyncadd.s32 $0xFFFFFF88  }
0xc7: {  	[tilespmem:s13], [sflag:$0x2] =	stream.indirect.gather [hbm4b:s1+s31], $0x80, s16, s31, $0xb8;
	[tilespmem:$0x1FA00] =	vst v63  }
.Ltmp3:
0xc8: {  	s17 =	sadd.s32 $0x87, s11;
	(pc) =	sbr.rel .LBB2_2-.Ltmp3, $4  }
0xc9: {  	[tilespmem:s8], [sflag:$0x7] =	stream.linear.gather [hbm4b:s17+s4], $0x78, $0x38;
	[tilespmem:$0x1FA00] =	vst v63  }
0xca: {  	s29 =	sadd.s32 $0x87, s28;
	s26 =	sadd.s32 $0x5A, s26  }
0xcb: {  	[tilespmem:s12], [sflag:$0xD] =	stream.linear.gather [hbm4b:s29+s4], $0x78, $0x38;
	[tilespmem:$0x1FA00] =	vst v63  }
0xcc: {  	s6 =	simm.s32 $0xB880;
	s16 =	simm.s32 $0xB580;
	s12 =	simm.s32 $0x3C00  }
.LBB2_5:
0xcd: {  	_ =	sfence.sel $0x180000  }
0xce: {  	[bflag:$0x0] =	sbarrier.arrive $0xFFFF  }
0xcf: {  	_ =	strace $0x9000004A  }
0xd0: {  	s0 =	stileid.u32;
	[bflag:$0x2] =	sbarrier.arrive $0xFFFF  }
0xd1: {  	p0 =	sne.s32 s0, $0x0;
	s0 =	rddreg [dreg:$0x3]  }
0xd2: {  	s0 =	sadd.s32 @!p0 $0x100000, s0  }
0xd3: {  	[sflag:s0] =	ssyncadd.tile.s32 @!p0 $0x1;
	_ =	shalt  }
.Lfunc_end2:
_tile_overlayer_lowered:
.L_overlay_start_2:
0xd4: {  	(tag) =	ssettag $0x2  }
0xd5: {  	s0 =	rddreg [dreg:$0x0];
	s2 =	stileid.u32  }
0xd6: {  	s1 =	rddreg [dreg:$0x1];
	p0 =	sne.s32 s2, $0x0  }
0xd7: {  	s3 =	rddreg [dreg:$0x2];
	[bflag:$0x3] =	sbarrier.arrive $0xFFFF;
	s2 =	simm.s32 @!p0 $0x1C13  }
0xd8: {  	[timem:s3], [sflag:s2] =	dma.local @!p0 [hbm:s0], s1  }
0xd9: {  	s0 =	simm.s32 @!p0 $0x13  }
0xda: {  	_ =	swait.ge @!p0 [sflag:s0], s1  }
0xdb: {  	s1 =	ssub.s32 @!p0 $0x0, s1;
	[sflag:s0] =	ssyncset.done @!p0 $0x0  }
0xdc: {  	[sflag:s0] =	ssyncadd.s32 @!p0 s1  }
0xdd: {  	[bflag:$0x3] =	sbarrier.arrive $0xFFFF  }
0xde: {  	_ =	shalt  }

</sc_bundles>
